<compile_context>
chip_gen: v7x
topology: tpu7x:2x2x1
jax: 0.10.2.dev20260603
libtpu: 0.0.44.dev20260713+nightly
codegen_flags: <defaults>
</compile_context>

<pallas_src>
import jax
import jax.numpy as jnp
from jax import lax
from jax.experimental import pallas as pl
from jax.experimental.pallas import tpu as pltpu
from jax.experimental.pallas import tpu_sc as plsc

N = 10000
E = 320000
D = 128
H = 64
C = 2

NC, NS = 2, 16
NW = NC * NS
CHUNK = 125
NBUF = 3
EPT = E // NW
CPT = EPT // CHUNK
OUTER = CPT // NBUF
TAIL = CPT - OUTER * NBUF
NP_ = 10240
NPT = NP_ // NS
NACC = NP_
DEGW = 16

_mesh = plsc.VectorSubcoreMesh(
    core_axis_name="c", subcore_axis_name="s", num_cores=NC, num_subcores=NS
)
_sc_params = pltpu.CompilerParams(use_tc_tiling_on_sc=False)


def _agg_body(y_hbm, src_hbm, dst_hbm, out_hbm, acc, ysp, srcb, dstb,
              rows_, gsems_, ssems_):
    rows = list(rows_)
    gsems = list(gsems_)
    ssems = list(ssems_)
    c = lax.axis_index("c")
    s = lax.axis_index("s")
    wid = s * NC + c
    pltpu.async_copy(src_hbm.at[wid], srcb, gsems[0])
    pltpu.async_copy(dst_hbm.at[wid], dstb, gsems[1])
    pltpu.async_copy(y_hbm.at[pl.ds(s * NPT, NPT)], acc.at[pl.ds(s * NPT, NPT)], gsems[2])
    pltpu.async_copy(y_hbm.at[pl.ds(s * NPT, NPT)], ysp.at[pl.ds(s * NPT, NPT)], ssems[0])
    pltpu.make_async_copy(src_hbm.at[wid], srcb, gsems[0]).wait()
    pltpu.make_async_copy(dst_hbm.at[wid], dstb, gsems[1]).wait()
    pltpu.make_async_copy(y_hbm.at[pl.ds(s * NPT, NPT)], acc.at[pl.ds(s * NPT, NPT)], gsems[2]).wait()
    pltpu.make_async_copy(y_hbm.at[pl.ds(s * NPT, NPT)], ysp.at[pl.ds(s * NPT, NPT)], ssems[0]).wait()
    plsc.subcore_barrier()
    for b in range(NBUF):
        pltpu.async_copy(ysp.at[srcb.at[b]], rows[b], gsems[b])

    def outer(kk, carry):
        for b in range(NBUF):
            k = kk * NBUF + b
            pltpu.make_async_copy(ysp.at[srcb.at[b]], rows[b], gsems[b]).wait()
            pltpu.async_copy(rows[b], acc.at[dstb.at[k]], ssems[b], add=True)
        for b in range(NBUF):
            k = kk * NBUF + b
            pltpu.make_async_copy(rows[b], acc.at[dstb.at[k]], ssems[b]).wait()

            @pl.when(kk < OUTER - 1)
            def _():
                pltpu.async_copy(ysp.at[srcb.at[k + NBUF]], rows[b], gsems[b])

        return carry

    lax.fori_loop(0, OUTER, outer, 0)
    for i in range(TAIL):
        k = OUTER * NBUF + i
        pltpu.async_copy(ysp.at[srcb.at[k]], rows[i], gsems[i])
    for i in range(TAIL):
        k = OUTER * NBUF + i
        pltpu.make_async_copy(ysp.at[srcb.at[k]], rows[i], gsems[i]).wait()
        pltpu.sync_copy(rows[i], acc.at[dstb.at[k]], add=True)
    plsc.subcore_barrier()
    pltpu.sync_copy(acc.at[pl.ds(s * NPT, NPT)], out_hbm.at[c, pl.ds(s * NPT, NPT)])


_agg_call = pl.kernel(
    _agg_body,
    out_type=jax.ShapeDtypeStruct((NC, NP_, H), jnp.float32),
    mesh=_mesh,
    scratch_types=[
        pltpu.VMEM_SHARED((NACC, H), jnp.float32),
        pltpu.VMEM_SHARED((NACC, H), jnp.float32),
        pltpu.VMEM((CPT, CHUNK), jnp.int32),
        pltpu.VMEM((CPT, CHUNK), jnp.int32),
        [pltpu.VMEM((CHUNK, H), jnp.float32) for _ in range(NBUF)],
        [pltpu.SemaphoreType.DMA for _ in range(NBUF)],
        [pltpu.SemaphoreType.DMA for _ in range(NBUF)],
    ],
    compiler_params=_sc_params,
)


def _deg_body(ones_hbm, zeros_hbm, dst_hbm, out_hbm, acc, ones_v, dstb, sem):
    c = lax.axis_index("c")
    s = lax.axis_index("s")
    wid = s * NC + c
    pltpu.sync_copy(dst_hbm.at[wid], dstb)
    pltpu.sync_copy(zeros_hbm.at[pl.ds(s * NPT, NPT)], acc.at[pl.ds(s * NPT, NPT)])
    pltpu.sync_copy(ones_hbm, ones_v)
    plsc.subcore_barrier()

    def fire(k, carry):
        pltpu.async_copy(ones_v, acc.at[dstb.at[k]], sem, add=True)
        return carry

    lax.fori_loop(0, CPT, fire, 0)

    def drain(k, carry):
        pltpu.make_async_copy(ones_v, acc.at[dstb.at[0]], sem).wait()
        return carry

    lax.fori_loop(0, CPT, drain, 0)
    plsc.subcore_barrier()
    pltpu.sync_copy(acc.at[pl.ds(s * NPT, NPT)], out_hbm.at[c, pl.ds(s * NPT, NPT)])


_deg_call = pl.kernel(
    _deg_body,
    out_type=jax.ShapeDtypeStruct((NC, NP_, DEGW), jnp.float32),
    mesh=_mesh,
    scratch_types=[
        pltpu.VMEM_SHARED((NACC, DEGW), jnp.float32),
        pltpu.VMEM((CHUNK, DEGW), jnp.float32),
        pltpu.VMEM((CPT, CHUNK), jnp.int32),
        pltpu.SemaphoreType.DMA,
    ],
    compiler_params=_sc_params,
)



_RB = 1024
NPK = NP_ // 2


def _mm_body(x_ref, w_ref, o_ref):
    o_ref[...] = jnp.dot(x_ref[...], w_ref[...], preferred_element_type=jnp.float32)


def _mm(x, w):
    n, d = x.shape
    h = w.shape[1]
    return pl.pallas_call(
        _mm_body,
        grid=(n // _RB,),
        in_specs=[
            pl.BlockSpec((_RB, d), lambda i: (i, 0)),
            pl.BlockSpec((d, h), lambda i: (0, 0)),
        ],
        out_specs=pl.BlockSpec((_RB, h), lambda i: (i, 0)),
        out_shape=jax.ShapeDtypeStruct((n, h), jnp.float32),
    )(x, w)


def _dinv16_body(degp_ref, o_ref):
    deg = degp_ref[0] + degp_ref[1] + 1.0
    o_ref[...] = lax.rsqrt(deg)


def _dinv16(degpv):
    r = degpv.shape[1]
    return pl.pallas_call(
        _dinv16_body,
        grid=(r // 640,),
        in_specs=[pl.BlockSpec((NC, 640, 128), lambda i: (0, i, 0))],
        out_specs=pl.BlockSpec((640, 128), lambda i: (i, 0)),
        out_shape=jax.ShapeDtypeStruct((r, 128), jnp.float32),
    )(degpv)


def _scale_body(d16_ref, t_ref, u_ref, y_ref, dinv_ref):
    dinvp = jnp.dot(d16_ref[...], t_ref[...], preferred_element_type=jnp.float32)
    y_ref[...] = dinvp * u_ref[...]
    dinv_ref[...] = dinvp


def _scale(d16r, t, u):
    return pl.pallas_call(
        _scale_body,
        grid=(NPK // _RB,),
        in_specs=[
            pl.BlockSpec((_RB, 32), lambda i: (i, 0)),
            pl.BlockSpec((32, 128), lambda i: (0, 0)),
            pl.BlockSpec((_RB, 128), lambda i: (i, 0)),
        ],
        out_specs=[
            pl.BlockSpec((_RB, 128), lambda i: (i, 0)),
            pl.BlockSpec((_RB, 128), lambda i: (i, 0)),
        ],
        out_shape=[
            jax.ShapeDtypeStruct((NPK, 128), jnp.float32),
            jax.ShapeDtypeStruct((NPK, 128), jnp.float32),
        ],
    )(d16r, t, u)


def _next_body(p_ref, yprev_ref, dinv_ref, b_ref, w_ref, y_ref):
    agg = p_ref[0] + p_ref[1] - yprev_ref[...]
    h = jnp.maximum(dinv_ref[...] * agg + b_ref[...], 0.0)
    y_ref[...] = dinv_ref[...] * jnp.dot(
        h, w_ref[...], preferred_element_type=jnp.float32
    )


def _next_layer(pv, yprev, dinv, b2, w2):
    return pl.pallas_call(
        _next_body,
        grid=(NPK // _RB,),
        in_specs=[
            pl.BlockSpec((NC, _RB, 128), lambda i: (0, i, 0)),
            pl.BlockSpec((_RB, 128), lambda i: (i, 0)),
            pl.BlockSpec((_RB, 128), lambda i: (i, 0)),
            pl.BlockSpec((1, 128), lambda i: (0, 0)),
            pl.BlockSpec((128, 128), lambda i: (0, 0)),
        ],
        out_specs=pl.BlockSpec((_RB, 128), lambda i: (i, 0)),
        out_shape=jax.ShapeDtypeStruct((NPK, 128), jnp.float32),
    )(pv, yprev, dinv, b2, w2)


def _final_body(p_ref, yprev_ref, dinv_ref, b_ref, wlin_ref, blin_ref, o_ref):
    agg = p_ref[0] + p_ref[1] - yprev_ref[...]
    h = jnp.maximum(dinv_ref[...] * agg + b_ref[...], 0.0)
    lg = jnp.dot(h, wlin_ref[...], preferred_element_type=jnp.float32)
    lg = lg + blin_ref[...]

    def lsm(l):
        m = jnp.max(l, axis=1, keepdims=True)
        return l - (m + jnp.log(jnp.sum(jnp.exp(l - m), axis=1, keepdims=True)))

    o_ref[...] = jnp.concatenate([lsm(lg[:, 0:2]), lsm(lg[:, 2:4])], axis=1)


_FB = 1000


def _final(pv, yprev, dinv, b2, wlin2, blin2):
    return pl.pallas_call(
        _final_body,
        grid=(N // 2 // _FB,),
        in_specs=[
            pl.BlockSpec((NC, _FB, 128), lambda i: (0, i, 0)),
            pl.BlockSpec((_FB, 128), lambda i: (i, 0)),
            pl.BlockSpec((_FB, 128), lambda i: (i, 0)),
            pl.BlockSpec((1, 128), lambda i: (0, 0)),
            pl.BlockSpec((128, 4), lambda i: (0, 0)),
            pl.BlockSpec((1, 4), lambda i: (0, 0)),
        ],
        out_specs=pl.BlockSpec((_FB, 4), lambda i: (i, 0)),
        out_shape=jax.ShapeDtypeStruct((N // 2, 4), jnp.float32),
    )(pv, yprev, dinv, b2, wlin2, blin2)


def _blockdiag(w):
    d, h = w.shape
    z1 = jnp.zeros((d, h), jnp.float32)
    top = jnp.concatenate([w, z1], axis=1)
    bot = jnp.concatenate([z1, w], axis=1)
    return jnp.concatenate([top, bot], axis=0)


@jax.jit
def kernel(x, edge_index, W1, b1, W2, b2, W3, b3, Wlin, blin):
    srcp = edge_index[0].astype(jnp.int32).reshape(NW, CPT, CHUNK)
    dstp = edge_index[1].astype(jnp.int32).reshape(NW, CPT, CHUNK)

    ones = jnp.ones((CHUNK, DEGW), jnp.float32)
    zeros = jnp.zeros((NP_, DEGW), jnp.float32)
    xp = jnp.pad(x, ((0, NP_ - N), (0, 0)))

    w1b = _blockdiag(W1)
    w2b = _blockdiag(W2)
    w3b = _blockdiag(W3)
    wlb = _blockdiag(Wlin)
    b1x = jnp.concatenate([b1, b1]).reshape(1, 2 * H)
    b2x = jnp.concatenate([b2, b2]).reshape(1, 2 * H)
    b3x = jnp.concatenate([b3, b3]).reshape(1, 2 * H)
    blx = jnp.concatenate([blin, blin]).reshape(1, 2 * C)
    t = jnp.zeros((32, 128), jnp.float32)
    t = t.at[0, 0:64].set(1.0).at[16, 64:128].set(1.0)

    degp = _deg_call(ones, zeros, dstp)
    u1 = _mm(xp.reshape(NPK, 2 * D), w1b)
    d16 = _dinv16(degp.reshape(NC, NP_ * DEGW // 128, 128))
    y1, dinv = _scale(d16.reshape(NPK, 32), t, u1)

    p1 = _agg_call(y1.reshape(NP_, H), srcp, dstp)
    y2 = _next_layer(p1.reshape(NC, NPK, 128), y1, dinv, b1x, w2b)
    p2 = _agg_call(y2.reshape(NP_, H), srcp, dstp)
    y3 = _next_layer(p2.reshape(NC, NPK, 128), y2, dinv, b2x, w3b)
    p3 = _agg_call(y3.reshape(NP_, H), srcp, dstp)
    out = _final(p3.reshape(NC, NPK, 128), y3, dinv, b3x, wlb, blx)
    return out.reshape(N, C)

# --- scband reference (transcript-rebuilt; emitter-appended) ---
"""Pipeline reference for scband-gcnbot-74371653697680 (READ-ONLY COPY).

The authoritative reference and input builder live on the scoring server;
editing this copy changes nothing except your own understanding.
"""

import jax, jax.numpy as jnp
import numpy as np

N_NODES = 10000
N_EDGES = 320000
D_FEAT = 128
HIDDEN = 64
N_CLASSES = 2


def gcn_conv(x, src, dst, W, b, num_nodes):
    # PyG GCNConv semantics: add self-loops, symmetric normalization, linear, scatter-add, bias
    loop = jnp.arange(num_nodes, dtype=src.dtype)
    s = jnp.concatenate([src, loop])
    d = jnp.concatenate([dst, loop])
    deg = jnp.zeros((num_nodes,), dtype=x.dtype).at[d].add(1.0)
    dinv = jnp.where(deg > 0, jax.lax.rsqrt(deg), 0.0)
    norm = dinv[s] * dinv[d]
    xw = x @ W
    msg = jnp.take(xw, s, axis=0) * norm[:, None]
    out = jnp.zeros((num_nodes, xw.shape[1]), dtype=x.dtype).at[d].add(msg)
    return out + b


def setup_inputs(seed: int = 0) -> dict:
    key = jax.random.key(seed)
    ks = jax.random.split(key, 12)
    x = jax.random.normal(ks[0], (N_NODES, D_FEAT), dtype=jnp.float32)
    edge_index = jax.random.randint(ks[1], (2, N_EDGES), 0, N_NODES, dtype=jnp.int64)
    def glorot(k, fan_in, fan_out):
        lim = np.sqrt(6.0 / (fan_in + fan_out))
        return jax.random.uniform(k, (fan_in, fan_out), jnp.float32, -lim, lim)
    W1 = glorot(ks[2], D_FEAT, HIDDEN)
    b1 = jnp.zeros((HIDDEN,), jnp.float32)
    W2 = glorot(ks[3], HIDDEN, HIDDEN)
    b2 = jnp.zeros((HIDDEN,), jnp.float32)
    W3 = glorot(ks[4], HIDDEN, HIDDEN)
    b3 = jnp.zeros((HIDDEN,), jnp.float32)
    Wlin = glorot(ks[5], HIDDEN, N_CLASSES)
    blin = jnp.zeros((N_CLASSES,), jnp.float32)
    return {"x": x, "edge_index": edge_index, "W1": W1, "b1": b1, "W2": W2, "b2": b2, "W3": W3, "b3": b3, "Wlin": Wlin, "blin": blin}


def reference(x, edge_index, W1, b1, W2, b2, W3, b3, Wlin, blin):
    src = edge_index[0]
    dst = edge_index[1]
    n = x.shape[0]
    # eval mode: dropout is identity
    h = gcn_conv(x, src, dst, W1, b1, n)
    h = jax.nn.relu(h)
    h = gcn_conv(h, src, dst, W2, b2, n)
    h = jax.nn.relu(h)
    h = gcn_conv(h, src, dst, W3, b3, n)
    h = jax.nn.relu(h)
    logits = h @ Wlin + blin
    return jax.nn.log_softmax(logits, axis=1)

if __name__ == "__main__":
    import jax
    _d = setup_inputs()
    print(jax.jit(kernel)(*tuple(_d.values())))

</pallas_src>

<mosaic_0001>
#map = affine_map<(d0, d1) -> (0, 0)>
#map1 = affine_map<(d0, d1) -> (0, 0, 0)>
module attributes {stable_mosaic.version = 14 : i64} {
  func.func @_agg_body(%arg0: i32, %arg1: i32, %arg2: memref<10240x64xf32, #tpu.memory_space<hbm>>, %arg3: memref<32x80x125xi32, #tpu.memory_space<hbm>>, %arg4: memref<32x80x125xi32, #tpu.memory_space<hbm>>, %arg5: memref<2x10240x64xf32, #tpu.memory_space<hbm>>, %arg6: memref<10240x64xf32, #tpu.memory_space<vmem_shared>>, %arg7: memref<10240x64xf32, #tpu.memory_space<vmem_shared>>, %arg8: memref<80x125xi32, #tpu.memory_space<vmem>>, %arg9: memref<80x125xi32, #tpu.memory_space<vmem>>, %arg10: memref<125x64xf32, #tpu.memory_space<vmem>>, %arg11: memref<125x64xf32, #tpu.memory_space<vmem>>, %arg12: memref<125x64xf32, #tpu.memory_space<vmem>>, %arg13: memref<!tpu.dma_semaphore, #tpu.memory_space<semaphore_mem>>, %arg14: memref<!tpu.dma_semaphore, #tpu.memory_space<semaphore_mem>>, %arg15: memref<!tpu.dma_semaphore, #tpu.memory_space<semaphore_mem>>, %arg16: memref<!tpu.dma_semaphore, #tpu.memory_space<semaphore_mem>>, %arg17: memref<!tpu.dma_semaphore, #tpu.memory_space<semaphore_mem>>, %arg18: memref<!tpu.dma_semaphore, #tpu.memory_space<semaphore_mem>>) attributes {dimension_semantics = [#tpu.dimension_semantics<core_parallel>, #tpu.dimension_semantics<subcore_parallel>], iteration_bounds = array<i64: 2, 16>, scalar_prefetch = 0 : i64, scratch_operands = 13 : i64, tpu.core_type = #tpu.core_type<sc_vector_subcore>, window_params = [{transform_indices = #map}, {transform_indices = #map1}, {transform_indices = #map1}, {transform_indices = #map1}]} {
    %mul3A = arith.constant 2 : i32
    %mul3A_0 = arith.muli %arg1, %mul3A : i32
    %add3A = arith.addi %mul3A_0, %arg0 : i32
    %dma_start3A = arith.constant 0 : i32
    %dma_start3A_1 = arith.constant 0 : i32
    %dma_start3A_2 = tpu.memref_slice %arg3[%add3A, %dma_start3A, %dma_start3A_1] : memref<32x80x125xi32, #tpu.memory_space<hbm>> -> memref<1x80x125xi32, #tpu.memory_space<hbm>>
    %dma_start3A_3 = tpu.memref_squeeze %dma_start3A_2 : memref<1x80x125xi32, #tpu.memory_space<hbm>> -> memref<80x125xi32, #tpu.memory_space<hbm>>
    %dma_start3A_4 = arith.constant 0 : i32
    %dma_start3A_5 = arith.constant 0 : i32
    %dma_start3A_6 = tpu.memref_slice %arg3[%add3A, %dma_start3A_4, %dma_start3A_5] : memref<32x80x125xi32, #tpu.memory_space<hbm>> -> memref<1x80x125xi32, #tpu.memory_space<hbm>>
    %dma_start3A_7 = tpu.memref_squeeze %dma_start3A_6 : memref<1x80x125xi32, #tpu.memory_space<hbm>> -> memref<80x125xi32, #tpu.memory_space<hbm>>
    tpu.enqueue_dma source(%dma_start3A_7 : memref<80x125xi32, #tpu.memory_space<hbm>>) target(%arg8 : memref<80x125xi32, #tpu.memory_space<vmem>>) target_semaphore(%arg13 : memref<!tpu.dma_semaphore, #tpu.memory_space<semaphore_mem>>)
    %dma_start3A_8 = arith.constant 0 : i32
    %dma_start3A_9 = arith.constant 0 : i32
    %dma_start3A_10 = tpu.memref_slice %arg4[%add3A, %dma_start3A_8, %dma_start3A_9] : memref<32x80x125xi32, #tpu.memory_space<hbm>> -> memref<1x80x125xi32, #tpu.memory_space<hbm>>
    %dma_start3A_11 = tpu.memref_squeeze %dma_start3A_10 : memref<1x80x125xi32, #tpu.memory_space<hbm>> -> memref<80x125xi32, #tpu.memory_space<hbm>>
    %dma_start3A_12 = arith.constant 0 : i32
    %dma_start3A_13 = arith.constant 0 : i32
    %dma_start3A_14 = tpu.memref_slice %arg4[%add3A, %dma_start3A_12, %dma_start3A_13] : memref<32x80x125xi32, #tpu.memory_space<hbm>> -> memref<1x80x125xi32, #tpu.memory_space<hbm>>
    %dma_start3A_15 = tpu.memref_squeeze %dma_start3A_14 : memref<1x80x125xi32, #tpu.memory_space<hbm>> -> memref<80x125xi32, #tpu.memory_space<hbm>>
    tpu.enqueue_dma source(%dma_start3A_15 : memref<80x125xi32, #tpu.memory_space<hbm>>) target(%arg9 : memref<80x125xi32, #tpu.memory_space<vmem>>) target_semaphore(%arg14 : memref<!tpu.dma_semaphore, #tpu.memory_space<semaphore_mem>>)
    %mul3A_16 = arith.constant 640 : i32
    %mul3A_17 = arith.muli %arg1, %mul3A_16 : i32
    %mul3A_18 = arith.constant 640 : i32
    %mul3A_19 = arith.muli %arg1, %mul3A_18 : i32
    %dma_start3A_20 = arith.constant 0 : i32
    %dma_start3A_21 = tpu.memref_slice %arg6[%mul3A_19, %dma_start3A_20] : memref<10240x64xf32, #tpu.memory_space<vmem_shared>> -> memref<640x64xf32, #tpu.memory_space<vmem_shared>>
    %dma_start3A_22 = arith.constant 0 : i32
    %dma_start3A_23 = tpu.memref_slice %arg2[%mul3A_17, %dma_start3A_22] : memref<10240x64xf32, #tpu.memory_space<hbm>> -> memref<640x64xf32, #tpu.memory_space<hbm>>
    tpu.enqueue_dma source(%dma_start3A_23 : memref<640x64xf32, #tpu.memory_space<hbm>>) target(%dma_start3A_21 : memref<640x64xf32, #tpu.memory_space<vmem_shared>>) target_semaphore(%arg15 : memref<!tpu.dma_semaphore, #tpu.memory_space<semaphore_mem>>)
    %mul3A_24 = arith.constant 640 : i32
    %mul3A_25 = arith.muli %arg1, %mul3A_24 : i32
    %mul3A_26 = arith.constant 640 : i32
    %mul3A_27 = arith.muli %arg1, %mul3A_26 : i32
    %dma_start3A_28 = arith.constant 0 : i32
    %dma_start3A_29 = tpu.memref_slice %arg7[%mul3A_27, %dma_start3A_28] : memref<10240x64xf32, #tpu.memory_space<vmem_shared>> -> memref<640x64xf32, #tpu.memory_space<vmem_shared>>
    %dma_start3A_30 = arith.constant 0 : i32
    %dma_start3A_31 = tpu.memref_slice %arg2[%mul3A_25, %dma_start3A_30] : memref<10240x64xf32, #tpu.memory_space<hbm>> -> memref<640x64xf32, #tpu.memory_space<hbm>>
    tpu.enqueue_dma source(%dma_start3A_31 : memref<640x64xf32, #tpu.memory_space<hbm>>) target(%dma_start3A_29 : memref<640x64xf32, #tpu.memory_space<vmem_shared>>) target_semaphore(%arg16 : memref<!tpu.dma_semaphore, #tpu.memory_space<semaphore_mem>>)
    %dma_wait3A = arith.constant 0 : i32
    %dma_wait3A_32 = arith.constant 0 : i32
    %dma_wait3A_33 = tpu.memref_slice %arg3[%add3A, %dma_wait3A, %dma_wait3A_32] : memref<32x80x125xi32, #tpu.memory_space<hbm>> -> memref<1x80x125xi32, #tpu.memory_space<hbm>>
    %dma_wait3A_34 = tpu.memref_squeeze %dma_wait3A_33 : memref<1x80x125xi32, #tpu.memory_space<hbm>> -> memref<80x125xi32, #tpu.memory_space<hbm>>
    %dma_wait3A_35 = arith.constant 0 : i32
    %dma_wait3A_36 = arith.constant 0 : i32
    %dma_wait3A_37 = tpu.memref_slice %arg3[%add3A, %dma_wait3A_35, %dma_wait3A_36] : memref<32x80x125xi32, #tpu.memory_space<hbm>> -> memref<1x80x125xi32, #tpu.memory_space<hbm>>
    %dma_wait3A_38 = tpu.memref_squeeze %dma_wait3A_37 : memref<1x80x125xi32, #tpu.memory_space<hbm>> -> memref<80x125xi32, #tpu.memory_space<hbm>>
    tpu.wait_dma2 semaphore(%arg13 : memref<!tpu.dma_semaphore, #tpu.memory_space<semaphore_mem>>) src(%dma_wait3A_38 : memref<80x125xi32, #tpu.memory_space<hbm>>) dst(%arg8 : memref<80x125xi32, #tpu.memory_space<vmem>>)
    %dma_wait3A_39 = arith.constant 0 : i32
    %dma_wait3A_40 = arith.constant 0 : i32
    %dma_wait3A_41 = tpu.memref_slice %arg4[%add3A, %dma_wait3A_39, %dma_wait3A_40] : memref<32x80x125xi32, #tpu.memory_space<hbm>> -> memref<1x80x125xi32, #tpu.memory_space<hbm>>
    %dma_wait3A_42 = tpu.memref_squeeze %dma_wait3A_41 : memref<1x80x125xi32, #tpu.memory_space<hbm>> -> memref<80x125xi32, #tpu.memory_space<hbm>>
    %dma_wait3A_43 = arith.constant 0 : i32
    %dma_wait3A_44 = arith.constant 0 : i32
    %dma_wait3A_45 = tpu.memref_slice %arg4[%add3A, %dma_wait3A_43, %dma_wait3A_44] : memref<32x80x125xi32, #tpu.memory_space<hbm>> -> memref<1x80x125xi32, #tpu.memory_space<hbm>>
    %dma_wait3A_46 = tpu.memref_squeeze %dma_wait3A_45 : memref<1x80x125xi32, #tpu.memory_space<hbm>> -> memref<80x125xi32, #tpu.memory_space<hbm>>
    tpu.wait_dma2 semaphore(%arg14 : memref<!tpu.dma_semaphore, #tpu.memory_space<semaphore_mem>>) src(%dma_wait3A_46 : memref<80x125xi32, #tpu.memory_space<hbm>>) dst(%arg9 : memref<80x125xi32, #tpu.memory_space<vmem>>)
    %mul3A_47 = arith.constant 640 : i32
    %mul3A_48 = arith.muli %arg1, %mul3A_47 : i32
    %mul3A_49 = arith.constant 640 : i32
    %mul3A_50 = arith.muli %arg1, %mul3A_49 : i32
    %dma_wait3A_51 = arith.constant 0 : i32
    %dma_wait3A_52 = tpu.memref_slice %arg6[%mul3A_50, %dma_wait3A_51] : memref<10240x64xf32, #tpu.memory_space<vmem_shared>> -> memref<640x64xf32, #tpu.memory_space<vmem_shared>>
    %dma_wait3A_53 = arith.constant 0 : i32
    %dma_wait3A_54 = tpu.memref_slice %arg2[%mul3A_48, %dma_wait3A_53] : memref<10240x64xf32, #tpu.memory_space<hbm>> -> memref<640x64xf32, #tpu.memory_space<hbm>>
    tpu.wait_dma2 semaphore(%arg15 : memref<!tpu.dma_semaphore, #tpu.memory_space<semaphore_mem>>) src(%dma_wait3A_54 : memref<640x64xf32, #tpu.memory_space<hbm>>) dst(%dma_wait3A_52 : memref<640x64xf32, #tpu.memory_space<vmem_shared>>)
    %mul3A_55 = arith.constant 640 : i32
    %mul3A_56 = arith.muli %arg1, %mul3A_55 : i32
    %mul3A_57 = arith.constant 640 : i32
    %mul3A_58 = arith.muli %arg1, %mul3A_57 : i32
    %dma_wait3A_59 = arith.constant 0 : i32
    %dma_wait3A_60 = tpu.memref_slice %arg7[%mul3A_58, %dma_wait3A_59] : memref<10240x64xf32, #tpu.memory_space<vmem_shared>> -> memref<640x64xf32, #tpu.memory_space<vmem_shared>>
    %dma_wait3A_61 = arith.constant 0 : i32
    %dma_wait3A_62 = tpu.memref_slice %arg2[%mul3A_56, %dma_wait3A_61] : memref<10240x64xf32, #tpu.memory_space<hbm>> -> memref<640x64xf32, #tpu.memory_space<hbm>>
    tpu.wait_dma2 semaphore(%arg16 : memref<!tpu.dma_semaphore, #tpu.memory_space<semaphore_mem>>) src(%dma_wait3A_62 : memref<640x64xf32, #tpu.memory_space<hbm>>) dst(%dma_wait3A_60 : memref<640x64xf32, #tpu.memory_space<vmem_shared>>)
    %barrier3A = arith.constant 0 : index
    tpu.barrier barrier_id(%barrier3A)
    %dma_start3A_63 = arith.constant 0 : i32
    %dma_start3A_64 = arith.constant 0 : i32
    %dma_start3A_65 = tpu.memref_slice %arg8[%dma_start3A_63, %dma_start3A_64] : memref<80x125xi32, #tpu.memory_space<vmem>> -> memref<1x125xi32, #tpu.memory_space<vmem>>
    %dma_start3A_66 = tpu.memref_squeeze %dma_start3A_65 : memref<1x125xi32, #tpu.memory_space<vmem>> -> memref<125xi32, #tpu.memory_space<vmem>>
    %dma_start3A_67 = arith.constant 0 : i32
    %dma_start3A_68 = arith.constant 0 : i32
    %dma_start3A_69 = tpu.memref_slice %arg7[%dma_start3A_67, %dma_start3A_68] : memref<10240x64xf32, #tpu.memory_space<vmem_shared>> -> memref<10240x64xf32, #tpu.memory_space<vmem_shared>>
    tpu.enqueue_indirect_dma source(%dma_start3A_69 : memref<10240x64xf32, #tpu.memory_space<vmem_shared>>) target(%arg10 : memref<125x64xf32, #tpu.memory_space<vmem>>) offsets(%dma_start3A_66 : memref<125xi32, #tpu.memory_space<vmem>>) semaphore(%arg13 : memref<!tpu.dma_semaphore, #tpu.memory_space<semaphore_mem>>)
    %dma_start3A_70 = arith.constant 1 : i32
    %dma_start3A_71 = arith.constant 0 : i32
    %dma_start3A_72 = tpu.memref_slice %arg8[%dma_start3A_70, %dma_start3A_71] : memref<80x125xi32, #tpu.memory_space<vmem>> -> memref<1x125xi32, #tpu.memory_space<vmem>>
    %dma_start3A_73 = tpu.memref_squeeze %dma_start3A_72 : memref<1x125xi32, #tpu.memory_space<vmem>> -> memref<125xi32, #tpu.memory_space<vmem>>
    %dma_start3A_74 = arith.constant 0 : i32
    %dma_start3A_75 = arith.constant 0 : i32
    %dma_start3A_76 = tpu.memref_slice %arg7[%dma_start3A_74, %dma_start3A_75] : memref<10240x64xf32, #tpu.memory_space<vmem_shared>> -> memref<10240x64xf32, #tpu.memory_space<vmem_shared>>
    tpu.enqueue_indirect_dma source(%dma_start3A_76 : memref<10240x64xf32, #tpu.memory_space<vmem_shared>>) target(%arg11 : memref<125x64xf32, #tpu.memory_space<vmem>>) offsets(%dma_start3A_73 : memref<125xi32, #tpu.memory_space<vmem>>) semaphore(%arg14 : memref<!tpu.dma_semaphore, #tpu.memory_space<semaphore_mem>>)
    %dma_start3A_77 = arith.constant 2 : i32
    %dma_start3A_78 = arith.constant 0 : i32
    %dma_start3A_79 = tpu.memref_slice %arg8[%dma_start3A_77, %dma_start3A_78] : memref<80x125xi32, #tpu.memory_space<vmem>> -> memref<1x125xi32, #tpu.memory_space<vmem>>
    %dma_start3A_80 = tpu.memref_squeeze %dma_start3A_79 : memref<1x125xi32, #tpu.memory_space<vmem>> -> memref<125xi32, #tpu.memory_space<vmem>>
    %dma_start3A_81 = arith.constant 0 : i32
    %dma_start3A_82 = arith.constant 0 : i32
    %dma_start3A_83 = tpu.memref_slice %arg7[%dma_start3A_81, %dma_start3A_82] : memref<10240x64xf32, #tpu.memory_space<vmem_shared>> -> memref<10240x64xf32, #tpu.memory_space<vmem_shared>>
    tpu.enqueue_indirect_dma source(%dma_start3A_83 : memref<10240x64xf32, #tpu.memory_space<vmem_shared>>) target(%arg12 : memref<125x64xf32, #tpu.memory_space<vmem>>) offsets(%dma_start3A_80 : memref<125xi32, #tpu.memory_space<vmem>>) semaphore(%arg15 : memref<!tpu.dma_semaphore, #tpu.memory_space<semaphore_mem>>)
    %scan3A = arith.constant 0 : i32
    %scan3A_84 = arith.constant 0 : i32
    %scan3A_85 = arith.constant 26 : i32
    %scan3A_86 = arith.addi %scan3A_84, %scan3A_85 : i32
    %scan3A_87 = arith.constant 1 : i32
    scf.for %scan3A_123 = %scan3A_84 to %scan3A_86 step %scan3A_87  : i32 {
      %mul3A_124 = arith.constant 3 : i32
      %mul3A_125 = arith.muli %scan3A_123, %mul3A_124 : i32
      %add3A_126 = arith.constant 0 : i32
      %add3A_127 = arith.addi %mul3A_125, %add3A_126 : i32
      %dma_wait3A_128 = arith.constant 0 : i32
      %dma_wait3A_129 = arith.constant 0 : i32
      %dma_wait3A_130 = tpu.memref_slice %arg8[%dma_wait3A_128, %dma_wait3A_129] : memref<80x125xi32, #tpu.memory_space<vmem>> -> memref<1x125xi32, #tpu.memory_space<vmem>>
      %dma_wait3A_131 = tpu.memref_squeeze %dma_wait3A_130 : memref<1x125xi32, #tpu.memory_space<vmem>> -> memref<125xi32, #tpu.memory_space<vmem>>
      %dma_wait3A_132 = arith.constant 0 : i32
      %dma_wait3A_133 = arith.constant 0 : i32
      %dma_wait3A_134 = tpu.memref_slice %arg7[%dma_wait3A_132, %dma_wait3A_133] : memref<10240x64xf32, #tpu.memory_space<vmem_shared>> -> memref<10240x64xf32, #tpu.memory_space<vmem_shared>>
      tpu.wait_indirect_dma semaphore(%arg13 : memref<!tpu.dma_semaphore, #tpu.memory_space<semaphore_mem>>) src(%dma_wait3A_134 : memref<10240x64xf32, #tpu.memory_space<vmem_shared>>) dst(%arg10 : memref<125x64xf32, #tpu.memory_space<vmem>>)
      %dma_start3A_135 = arith.constant 0 : i32
      %dma_start3A_136 = tpu.memref_slice %arg9[%add3A_127, %dma_start3A_135] : memref<80x125xi32, #tpu.memory_space<vmem>> -> memref<1x125xi32, #tpu.memory_space<vmem>>
      %dma_start3A_137 = tpu.memref_squeeze %dma_start3A_136 : memref<1x125xi32, #tpu.memory_space<vmem>> -> memref<125xi32, #tpu.memory_space<vmem>>
      %dma_start3A_138 = arith.constant 0 : i32
      %dma_start3A_139 = arith.constant 0 : i32
      %dma_start3A_140 = tpu.memref_slice %arg6[%dma_start3A_138, %dma_start3A_139] : memref<10240x64xf32, #tpu.memory_space<vmem_shared>> -> memref<10240x64xf32, #tpu.memory_space<vmem_shared>>
      tpu.enqueue_indirect_dma source(%arg10 : memref<125x64xf32, #tpu.memory_space<vmem>>) target(%dma_start3A_140 : memref<10240x64xf32, #tpu.memory_space<vmem_shared>>) offsets(%dma_start3A_137 : memref<125xi32, #tpu.memory_space<vmem>>) semaphore(%arg16 : memref<!tpu.dma_semaphore, #tpu.memory_space<semaphore_mem>>) {add = true}
      %mul3A_141 = arith.constant 3 : i32
      %mul3A_142 = arith.muli %scan3A_123, %mul3A_141 : i32
      %add3A_143 = arith.constant 1 : i32
      %add3A_144 = arith.addi %mul3A_142, %add3A_143 : i32
      %dma_wait3A_145 = arith.constant 1 : i32
      %dma_wait3A_146 = arith.constant 0 : i32
      %dma_wait3A_147 = tpu.memref_slice %arg8[%dma_wait3A_145, %dma_wait3A_146] : memref<80x125xi32, #tpu.memory_space<vmem>> -> memref<1x125xi32, #tpu.memory_space<vmem>>
      %dma_wait3A_148 = tpu.memref_squeeze %dma_wait3A_147 : memref<1x125xi32, #tpu.memory_space<vmem>> -> memref<125xi32, #tpu.memory_space<vmem>>
      %dma_wait3A_149 = arith.constant 0 : i32
      %dma_wait3A_150 = arith.constant 0 : i32
      %dma_wait3A_151 = tpu.memref_slice %arg7[%dma_wait3A_149, %dma_wait3A_150] : memref<10240x64xf32, #tpu.memory_space<vmem_shared>> -> memref<10240x64xf32, #tpu.memory_space<vmem_shared>>
      tpu.wait_indirect_dma semaphore(%arg14 : memref<!tpu.dma_semaphore, #tpu.memory_space<semaphore_mem>>) src(%dma_wait3A_151 : memref<10240x64xf32, #tpu.memory_space<vmem_shared>>) dst(%arg11 : memref<125x64xf32, #tpu.memory_space<vmem>>)
      %dma_start3A_152 = arith.constant 0 : i32
      %dma_start3A_153 = tpu.memref_slice %arg9[%add3A_144, %dma_start3A_152] : memref<80x125xi32, #tpu.memory_space<vmem>> -> memref<1x125xi32, #tpu.memory_space<vmem>>
      %dma_start3A_154 = tpu.memref_squeeze %dma_start3A_153 : memref<1x125xi32, #tpu.memory_space<vmem>> -> memref<125xi32, #tpu.memory_space<vmem>>
      %dma_start3A_155 = arith.constant 0 : i32
      %dma_start3A_156 = arith.constant 0 : i32
      %dma_start3A_157 = tpu.memref_slice %arg6[%dma_start3A_155, %dma_start3A_156] : memref<10240x64xf32, #tpu.memory_space<vmem_shared>> -> memref<10240x64xf32, #tpu.memory_space<vmem_shared>>
      tpu.enqueue_indirect_dma source(%arg11 : memref<125x64xf32, #tpu.memory_space<vmem>>) target(%dma_start3A_157 : memref<10240x64xf32, #tpu.memory_space<vmem_shared>>) offsets(%dma_start3A_154 : memref<125xi32, #tpu.memory_space<vmem>>) semaphore(%arg17 : memref<!tpu.dma_semaphore, #tpu.memory_space<semaphore_mem>>) {add = true}
      %mul3A_158 = arith.constant 3 : i32
      %mul3A_159 = arith.muli %scan3A_123, %mul3A_158 : i32
      %add3A_160 = arith.constant 2 : i32
      %add3A_161 = arith.addi %mul3A_159, %add3A_160 : i32
      %dma_wait3A_162 = arith.constant 2 : i32
      %dma_wait3A_163 = arith.constant 0 : i32
      %dma_wait3A_164 = tpu.memref_slice %arg8[%dma_wait3A_162, %dma_wait3A_163] : memref<80x125xi32, #tpu.memory_space<vmem>> -> memref<1x125xi32, #tpu.memory_space<vmem>>
      %dma_wait3A_165 = tpu.memref_squeeze %dma_wait3A_164 : memref<1x125xi32, #tpu.memory_space<vmem>> -> memref<125xi32, #tpu.memory_space<vmem>>
      %dma_wait3A_166 = arith.constant 0 : i32
      %dma_wait3A_167 = arith.constant 0 : i32
      %dma_wait3A_168 = tpu.memref_slice %arg7[%dma_wait3A_166, %dma_wait3A_167] : memref<10240x64xf32, #tpu.memory_space<vmem_shared>> -> memref<10240x64xf32, #tpu.memory_space<vmem_shared>>
      tpu.wait_indirect_dma semaphore(%arg15 : memref<!tpu.dma_semaphore, #tpu.memory_space<semaphore_mem>>) src(%dma_wait3A_168 : memref<10240x64xf32, #tpu.memory_space<vmem_shared>>) dst(%arg12 : memref<125x64xf32, #tpu.memory_space<vmem>>)
      %dma_start3A_169 = arith.constant 0 : i32
      %dma_start3A_170 = tpu.memref_slice %arg9[%add3A_161, %dma_start3A_169] : memref<80x125xi32, #tpu.memory_space<vmem>> -> memref<1x125xi32, #tpu.memory_space<vmem>>
      %dma_start3A_171 = tpu.memref_squeeze %dma_start3A_170 : memref<1x125xi32, #tpu.memory_space<vmem>> -> memref<125xi32, #tpu.memory_space<vmem>>
      %dma_start3A_172 = arith.constant 0 : i32
      %dma_start3A_173 = arith.constant 0 : i32
      %dma_start3A_174 = tpu.memref_slice %arg6[%dma_start3A_172, %dma_start3A_173] : memref<10240x64xf32, #tpu.memory_space<vmem_shared>> -> memref<10240x64xf32, #tpu.memory_space<vmem_shared>>
      tpu.enqueue_indirect_dma source(%arg12 : memref<125x64xf32, #tpu.memory_space<vmem>>) target(%dma_start3A_174 : memref<10240x64xf32, #tpu.memory_space<vmem_shared>>) offsets(%dma_start3A_171 : memref<125xi32, #tpu.memory_space<vmem>>) semaphore(%arg18 : memref<!tpu.dma_semaphore, #tpu.memory_space<semaphore_mem>>) {add = true}
      %mul3A_175 = arith.constant 3 : i32
      %mul3A_176 = arith.muli %scan3A_123, %mul3A_175 : i32
      %add3A_177 = arith.constant 0 : i32
      %add3A_178 = arith.addi %mul3A_176, %add3A_177 : i32
      %dma_wait3A_179 = arith.constant 0 : i32
      %dma_wait3A_180 = tpu.memref_slice %arg9[%add3A_178, %dma_wait3A_179] : memref<80x125xi32, #tpu.memory_space<vmem>> -> memref<1x125xi32, #tpu.memory_space<vmem>>
      %dma_wait3A_181 = tpu.memref_squeeze %dma_wait3A_180 : memref<1x125xi32, #tpu.memory_space<vmem>> -> memref<125xi32, #tpu.memory_space<vmem>>
      %dma_wait3A_182 = arith.constant 0 : i32
      %dma_wait3A_183 = arith.constant 0 : i32
      %dma_wait3A_184 = tpu.memref_slice %arg6[%dma_wait3A_182, %dma_wait3A_183] : memref<10240x64xf32, #tpu.memory_space<vmem_shared>> -> memref<10240x64xf32, #tpu.memory_space<vmem_shared>>
      tpu.wait_indirect_dma semaphore(%arg16 : memref<!tpu.dma_semaphore, #tpu.memory_space<semaphore_mem>>) src(%arg10 : memref<125x64xf32, #tpu.memory_space<vmem>>) dst(%dma_wait3A_184 : memref<10240x64xf32, #tpu.memory_space<vmem_shared>>)
      %lt3A = arith.constant 25 : i32
      %lt3A_185 = arith.cmpi slt, %scan3A_123, %lt3A : i32
      %convert_element_type3A = arith.extui %lt3A_185 : i1 to i32
      %cond3A = arith.constant 0 : i32
      %cond3A_186 = arith.cmpi ne, %convert_element_type3A, %cond3A : i32
      scf.if %cond3A_186 {
        %add3A_217 = arith.constant 3 : i32
        %add3A_218 = arith.addi %add3A_178, %add3A_217 : i32
        %dma_start3A_219 = arith.constant 0 : i32
        %dma_start3A_220 = tpu.memref_slice %arg8[%add3A_218, %dma_start3A_219] : memref<80x125xi32, #tpu.memory_space<vmem>> -> memref<1x125xi32, #tpu.memory_space<vmem>>
        %dma_start3A_221 = tpu.memref_squeeze %dma_start3A_220 : memref<1x125xi32, #tpu.memory_space<vmem>> -> memref<125xi32, #tpu.memory_space<vmem>>
        %dma_start3A_222 = arith.constant 0 : i32
        %dma_start3A_223 = arith.constant 0 : i32
        %dma_start3A_224 = tpu.memref_slice %arg7[%dma_start3A_222, %dma_start3A_223] : memref<10240x64xf32, #tpu.memory_space<vmem_shared>> -> memref<10240x64xf32, #tpu.memory_space<vmem_shared>>
        tpu.enqueue_indirect_dma source(%dma_start3A_224 : memref<10240x64xf32, #tpu.memory_space<vmem_shared>>) target(%arg10 : memref<125x64xf32, #tpu.memory_space<vmem>>) offsets(%dma_start3A_221 : memref<125xi32, #tpu.memory_space<vmem>>) semaphore(%arg13 : memref<!tpu.dma_semaphore, #tpu.memory_space<semaphore_mem>>)
      } else {
      }
      %mul3A_187 = arith.constant 3 : i32
      %mul3A_188 = arith.muli %scan3A_123, %mul3A_187 : i32
      %add3A_189 = arith.constant 1 : i32
      %add3A_190 = arith.addi %mul3A_188, %add3A_189 : i32
      %dma_wait3A_191 = arith.constant 0 : i32
      %dma_wait3A_192 = tpu.memref_slice %arg9[%add3A_190, %dma_wait3A_191] : memref<80x125xi32, #tpu.memory_space<vmem>> -> memref<1x125xi32, #tpu.memory_space<vmem>>
      %dma_wait3A_193 = tpu.memref_squeeze %dma_wait3A_192 : memref<1x125xi32, #tpu.memory_space<vmem>> -> memref<125xi32, #tpu.memory_space<vmem>>
      %dma_wait3A_194 = arith.constant 0 : i32
      %dma_wait3A_195 = arith.constant 0 : i32
      %dma_wait3A_196 = tpu.memref_slice %arg6[%dma_wait3A_194, %dma_wait3A_195] : memref<10240x64xf32, #tpu.memory_space<vmem_shared>> -> memref<10240x64xf32, #tpu.memory_space<vmem_shared>>
      tpu.wait_indirect_dma semaphore(%arg17 : memref<!tpu.dma_semaphore, #tpu.memory_space<semaphore_mem>>) src(%arg11 : memref<125x64xf32, #tpu.memory_space<vmem>>) dst(%dma_wait3A_196 : memref<10240x64xf32, #tpu.memory_space<vmem_shared>>)
      %lt3A_197 = arith.constant 25 : i32
      %lt3A_198 = arith.cmpi slt, %scan3A_123, %lt3A_197 : i32
      %convert_element_type3A_199 = arith.extui %lt3A_198 : i1 to i32
      %cond3A_200 = arith.constant 0 : i32
      %cond3A_201 = arith.cmpi ne, %convert_element_type3A_199, %cond3A_200 : i32
      scf.if %cond3A_201 {
        %add3A_217 = arith.constant 3 : i32
        %add3A_218 = arith.addi %add3A_190, %add3A_217 : i32
        %dma_start3A_219 = arith.constant 0 : i32
        %dma_start3A_220 = tpu.memref_slice %arg8[%add3A_218, %dma_start3A_219] : memref<80x125xi32, #tpu.memory_space<vmem>> -> memref<1x125xi32, #tpu.memory_space<vmem>>
        %dma_start3A_221 = tpu.memref_squeeze %dma_start3A_220 : memref<1x125xi32, #tpu.memory_space<vmem>> -> memref<125xi32, #tpu.memory_space<vmem>>
        %dma_start3A_222 = arith.constant 0 : i32
        %dma_start3A_223 = arith.constant 0 : i32
        %dma_start3A_224 = tpu.memref_slice %arg7[%dma_start3A_222, %dma_start3A_223] : memref<10240x64xf32, #tpu.memory_space<vmem_shared>> -> memref<10240x64xf32, #tpu.memory_space<vmem_shared>>
        tpu.enqueue_indirect_dma source(%dma_start3A_224 : memref<10240x64xf32, #tpu.memory_space<vmem_shared>>) target(%arg11 : memref<125x64xf32, #tpu.memory_space<vmem>>) offsets(%dma_start3A_221 : memref<125xi32, #tpu.memory_space<vmem>>) semaphore(%arg14 : memref<!tpu.dma_semaphore, #tpu.memory_space<semaphore_mem>>)
      } else {
      }
      %mul3A_202 = arith.constant 3 : i32
      %mul3A_203 = arith.muli %scan3A_123, %mul3A_202 : i32
      %add3A_204 = arith.constant 2 : i32
      %add3A_205 = arith.addi %mul3A_203, %add3A_204 : i32
      %dma_wait3A_206 = arith.constant 0 : i32
      %dma_wait3A_207 = tpu.memref_slice %arg9[%add3A_205, %dma_wait3A_206] : memref<80x125xi32, #tpu.memory_space<vmem>> -> memref<1x125xi32, #tpu.memory_space<vmem>>
      %dma_wait3A_208 = tpu.memref_squeeze %dma_wait3A_207 : memref<1x125xi32, #tpu.memory_space<vmem>> -> memref<125xi32, #tpu.memory_space<vmem>>
      %dma_wait3A_209 = arith.constant 0 : i32
      %dma_wait3A_210 = arith.constant 0 : i32
      %dma_wait3A_211 = tpu.memref_slice %arg6[%dma_wait3A_209, %dma_wait3A_210] : memref<10240x64xf32, #tpu.memory_space<vmem_shared>> -> memref<10240x64xf32, #tpu.memory_space<vmem_shared>>
      tpu.wait_indirect_dma semaphore(%arg18 : memref<!tpu.dma_semaphore, #tpu.memory_space<semaphore_mem>>) src(%arg12 : memref<125x64xf32, #tpu.memory_space<vmem>>) dst(%dma_wait3A_211 : memref<10240x64xf32, #tpu.memory_space<vmem_shared>>)
      %lt3A_212 = arith.constant 25 : i32
      %lt3A_213 = arith.cmpi slt, %scan3A_123, %lt3A_212 : i32
      %convert_element_type3A_214 = arith.extui %lt3A_213 : i1 to i32
      %cond3A_215 = arith.constant 0 : i32
      %cond3A_216 = arith.cmpi ne, %convert_element_type3A_214, %cond3A_215 : i32
      scf.if %cond3A_216 {
        %add3A_217 = arith.constant 3 : i32
        %add3A_218 = arith.addi %add3A_205, %add3A_217 : i32
        %dma_start3A_219 = arith.constant 0 : i32
        %dma_start3A_220 = tpu.memref_slice %arg8[%add3A_218, %dma_start3A_219] : memref<80x125xi32, #tpu.memory_space<vmem>> -> memref<1x125xi32, #tpu.memory_space<vmem>>
        %dma_start3A_221 = tpu.memref_squeeze %dma_start3A_220 : memref<1x125xi32, #tpu.memory_space<vmem>> -> memref<125xi32, #tpu.memory_space<vmem>>
        %dma_start3A_222 = arith.constant 0 : i32
        %dma_start3A_223 = arith.constant 0 : i32
        %dma_start3A_224 = tpu.memref_slice %arg7[%dma_start3A_222, %dma_start3A_223] : memref<10240x64xf32, #tpu.memory_space<vmem_shared>> -> memref<10240x64xf32, #tpu.memory_space<vmem_shared>>
        tpu.enqueue_indirect_dma source(%dma_start3A_224 : memref<10240x64xf32, #tpu.memory_space<vmem_shared>>) target(%arg12 : memref<125x64xf32, #tpu.memory_space<vmem>>) offsets(%dma_start3A_221 : memref<125xi32, #tpu.memory_space<vmem>>) semaphore(%arg15 : memref<!tpu.dma_semaphore, #tpu.memory_space<semaphore_mem>>)
      } else {
      }
    }
    %scan3A_88 = arith.constant 26 : i32
    %dma_start3A_89 = arith.constant 78 : i32
    %dma_start3A_90 = arith.constant 0 : i32
    %dma_start3A_91 = tpu.memref_slice %arg8[%dma_start3A_89, %dma_start3A_90] : memref<80x125xi32, #tpu.memory_space<vmem>> -> memref<1x125xi32, #tpu.memory_space<vmem>>
    %dma_start3A_92 = tpu.memref_squeeze %dma_start3A_91 : memref<1x125xi32, #tpu.memory_space<vmem>> -> memref<125xi32, #tpu.memory_space<vmem>>
    %dma_start3A_93 = arith.constant 0 : i32
    %dma_start3A_94 = arith.constant 0 : i32
    %dma_start3A_95 = tpu.memref_slice %arg7[%dma_start3A_93, %dma_start3A_94] : memref<10240x64xf32, #tpu.memory_space<vmem_shared>> -> memref<10240x64xf32, #tpu.memory_space<vmem_shared>>
    tpu.enqueue_indirect_dma source(%dma_start3A_95 : memref<10240x64xf32, #tpu.memory_space<vmem_shared>>) target(%arg10 : memref<125x64xf32, #tpu.memory_space<vmem>>) offsets(%dma_start3A_92 : memref<125xi32, #tpu.memory_space<vmem>>) semaphore(%arg13 : memref<!tpu.dma_semaphore, #tpu.memory_space<semaphore_mem>>)
    %dma_start3A_96 = arith.constant 79 : i32
    %dma_start3A_97 = arith.constant 0 : i32
    %dma_start3A_98 = tpu.memref_slice %arg8[%dma_start3A_96, %dma_start3A_97] : memref<80x125xi32, #tpu.memory_space<vmem>> -> memref<1x125xi32, #tpu.memory_space<vmem>>
    %dma_start3A_99 = tpu.memref_squeeze %dma_start3A_98 : memref<1x125xi32, #tpu.memory_space<vmem>> -> memref<125xi32, #tpu.memory_space<vmem>>
    %dma_start3A_100 = arith.constant 0 : i32
    %dma_start3A_101 = arith.constant 0 : i32
    %dma_start3A_102 = tpu.memref_slice %arg7[%dma_start3A_100, %dma_start3A_101] : memref<10240x64xf32, #tpu.memory_space<vmem_shared>> -> memref<10240x64xf32, #tpu.memory_space<vmem_shared>>
    tpu.enqueue_indirect_dma source(%dma_start3A_102 : memref<10240x64xf32, #tpu.memory_space<vmem_shared>>) target(%arg11 : memref<125x64xf32, #tpu.memory_space<vmem>>) offsets(%dma_start3A_99 : memref<125xi32, #tpu.memory_space<vmem>>) semaphore(%arg14 : memref<!tpu.dma_semaphore, #tpu.memory_space<semaphore_mem>>)
    %dma_wait3A_103 = arith.constant 78 : i32
    %dma_wait3A_104 = arith.constant 0 : i32
    %dma_wait3A_105 = tpu.memref_slice %arg8[%dma_wait3A_103, %dma_wait3A_104] : memref<80x125xi32, #tpu.memory_space<vmem>> -> memref<1x125xi32, #tpu.memory_space<vmem>>
    %dma_wait3A_106 = tpu.memref_squeeze %dma_wait3A_105 : memref<1x125xi32, #tpu.memory_space<vmem>> -> memref<125xi32, #tpu.memory_space<vmem>>
    %dma_wait3A_107 = arith.constant 0 : i32
    %dma_wait3A_108 = arith.constant 0 : i32
    %dma_wait3A_109 = tpu.memref_slice %arg7[%dma_wait3A_107, %dma_wait3A_108] : memref<10240x64xf32, #tpu.memory_space<vmem_shared>> -> memref<10240x64xf32, #tpu.memory_space<vmem_shared>>
    tpu.wait_indirect_dma semaphore(%arg13 : memref<!tpu.dma_semaphore, #tpu.memory_space<semaphore_mem>>) src(%dma_wait3A_109 : memref<10240x64xf32, #tpu.memory_space<vmem_shared>>) dst(%arg10 : memref<125x64xf32, #tpu.memory_space<vmem>>)
    %run_scoped3A = arith.constant 78 : i32
    "tpu.region"() ({
      %run_scoped3A_123 = tpu.sem_alloc : memref<!tpu.dma_semaphore, #tpu.memory_space<semaphore_mem>>
      %dma_start3A_124 = arith.constant 0 : i32
      %dma_start3A_125 = tpu.memref_slice %arg9[%run_scoped3A, %dma_start3A_124] : memref<80x125xi32, #tpu.memory_space<vmem>> -> memref<1x125xi32, #tpu.memory_space<vmem>>
      %dma_start3A_126 = tpu.memref_squeeze %dma_start3A_125 : memref<1x125xi32, #tpu.memory_space<vmem>> -> memref<125xi32, #tpu.memory_space<vmem>>
      %dma_start3A_127 = arith.constant 0 : i32
      %dma_start3A_128 = arith.constant 0 : i32
      %dma_start3A_129 = tpu.memref_slice %arg6[%dma_start3A_127, %dma_start3A_128] : memref<10240x64xf32, #tpu.memory_space<vmem_shared>> -> memref<10240x64xf32, #tpu.memory_space<vmem_shared>>
      tpu.enqueue_indirect_dma source(%arg10 : memref<125x64xf32, #tpu.memory_space<vmem>>) target(%dma_start3A_129 : memref<10240x64xf32, #tpu.memory_space<vmem_shared>>) offsets(%dma_start3A_126 : memref<125xi32, #tpu.memory_space<vmem>>) semaphore(%run_scoped3A_123 : memref<!tpu.dma_semaphore, #tpu.memory_space<semaphore_mem>>) {add = true}
      %dma_wait3A_130 = arith.constant 0 : i32
      %dma_wait3A_131 = tpu.memref_slice %arg9[%run_scoped3A, %dma_wait3A_130] : memref<80x125xi32, #tpu.memory_space<vmem>> -> memref<1x125xi32, #tpu.memory_space<vmem>>
      %dma_wait3A_132 = tpu.memref_squeeze %dma_wait3A_131 : memref<1x125xi32, #tpu.memory_space<vmem>> -> memref<125xi32, #tpu.memory_space<vmem>>
      %dma_wait3A_133 = arith.constant 0 : i32
      %dma_wait3A_134 = arith.constant 0 : i32
      %dma_wait3A_135 = tpu.memref_slice %arg6[%dma_wait3A_133, %dma_wait3A_134] : memref<10240x64xf32, #tpu.memory_space<vmem_shared>> -> memref<10240x64xf32, #tpu.memory_space<vmem_shared>>
      tpu.wait_indirect_dma semaphore(%run_scoped3A_123 : memref<!tpu.dma_semaphore, #tpu.memory_space<semaphore_mem>>) src(%arg10 : memref<125x64xf32, #tpu.memory_space<vmem>>) dst(%dma_wait3A_135 : memref<10240x64xf32, #tpu.memory_space<vmem_shared>>)
      tpu.yield
    }) : () -> ()
    %dma_wait3A_110 = arith.constant 79 : i32
    %dma_wait3A_111 = arith.constant 0 : i32
    %dma_wait3A_112 = tpu.memref_slice %arg8[%dma_wait3A_110, %dma_wait3A_111] : memref<80x125xi32, #tpu.memory_space<vmem>> -> memref<1x125xi32, #tpu.memory_space<vmem>>
    %dma_wait3A_113 = tpu.memref_squeeze %dma_wait3A_112 : memref<1x125xi32, #tpu.memory_space<vmem>> -> memref<125xi32, #tpu.memory_space<vmem>>
    %dma_wait3A_114 = arith.constant 0 : i32
    %dma_wait3A_115 = arith.constant 0 : i32
    %dma_wait3A_116 = tpu.memref_slice %arg7[%dma_wait3A_114, %dma_wait3A_115] : memref<10240x64xf32, #tpu.memory_space<vmem_shared>> -> memref<10240x64xf32, #tpu.memory_space<vmem_shared>>
    tpu.wait_indirect_dma semaphore(%arg14 : memref<!tpu.dma_semaphore, #tpu.memory_space<semaphore_mem>>) src(%dma_wait3A_116 : memref<10240x64xf32, #tpu.memory_space<vmem_shared>>) dst(%arg11 : memref<125x64xf32, #tpu.memory_space<vmem>>)
    %run_scoped3A_117 = arith.constant 79 : i32
    "tpu.region"() ({
      %run_scoped3A_123 = tpu.sem_alloc : memref<!tpu.dma_semaphore, #tpu.memory_space<semaphore_mem>>
      %dma_start3A_124 = arith.constant 0 : i32
      %dma_start3A_125 = tpu.memref_slice %arg9[%run_scoped3A_117, %dma_start3A_124] : memref<80x125xi32, #tpu.memory_space<vmem>> -> memref<1x125xi32, #tpu.memory_space<vmem>>
      %dma_start3A_126 = tpu.memref_squeeze %dma_start3A_125 : memref<1x125xi32, #tpu.memory_space<vmem>> -> memref<125xi32, #tpu.memory_space<vmem>>
      %dma_start3A_127 = arith.constant 0 : i32
      %dma_start3A_128 = arith.constant 0 : i32
      %dma_start3A_129 = tpu.memref_slice %arg6[%dma_start3A_127, %dma_start3A_128] : memref<10240x64xf32, #tpu.memory_space<vmem_shared>> -> memref<10240x64xf32, #tpu.memory_space<vmem_shared>>
      tpu.enqueue_indirect_dma source(%arg11 : memref<125x64xf32, #tpu.memory_space<vmem>>) target(%dma_start3A_129 : memref<10240x64xf32, #tpu.memory_space<vmem_shared>>) offsets(%dma_start3A_126 : memref<125xi32, #tpu.memory_space<vmem>>) semaphore(%run_scoped3A_123 : memref<!tpu.dma_semaphore, #tpu.memory_space<semaphore_mem>>) {add = true}
      %dma_wait3A_130 = arith.constant 0 : i32
      %dma_wait3A_131 = tpu.memref_slice %arg9[%run_scoped3A_117, %dma_wait3A_130] : memref<80x125xi32, #tpu.memory_space<vmem>> -> memref<1x125xi32, #tpu.memory_space<vmem>>
      %dma_wait3A_132 = tpu.memref_squeeze %dma_wait3A_131 : memref<1x125xi32, #tpu.memory_space<vmem>> -> memref<125xi32, #tpu.memory_space<vmem>>
      %dma_wait3A_133 = arith.constant 0 : i32
      %dma_wait3A_134 = arith.constant 0 : i32
      %dma_wait3A_135 = tpu.memref_slice %arg6[%dma_wait3A_133, %dma_wait3A_134] : memref<10240x64xf32, #tpu.memory_space<vmem_shared>> -> memref<10240x64xf32, #tpu.memory_space<vmem_shared>>
      tpu.wait_indirect_dma semaphore(%run_scoped3A_123 : memref<!tpu.dma_semaphore, #tpu.memory_space<semaphore_mem>>) src(%arg11 : memref<125x64xf32, #tpu.memory_space<vmem>>) dst(%dma_wait3A_135 : memref<10240x64xf32, #tpu.memory_space<vmem_shared>>)
      tpu.yield
    }) : () -> ()
    %barrier3A_118 = arith.constant 0 : index
    tpu.barrier barrier_id(%barrier3A_118)
    %mul3A_119 = arith.constant 640 : i32
    %mul3A_120 = arith.muli %arg1, %mul3A_119 : i32
    %mul3A_121 = arith.constant 640 : i32
    %mul3A_122 = arith.muli %arg1, %mul3A_121 : i32
    "tpu.region"() ({
      %run_scoped3A_123 = tpu.sem_alloc : memref<!tpu.dma_semaphore, #tpu.memory_space<semaphore_mem>>
      %dma_start3A_124 = arith.constant 0 : i32
      %dma_start3A_125 = tpu.memref_slice %arg5[%arg0, %mul3A_122, %dma_start3A_124] : memref<2x10240x64xf32, #tpu.memory_space<hbm>> -> memref<1x640x64xf32, #tpu.memory_space<hbm>>
      %dma_start3A_126 = tpu.memref_squeeze %dma_start3A_125 : memref<1x640x64xf32, #tpu.memory_space<hbm>> -> memref<640x64xf32, #tpu.memory_space<hbm>>
      %dma_start3A_127 = arith.constant 0 : i32
      %dma_start3A_128 = tpu.memref_slice %arg6[%mul3A_120, %dma_start3A_127] : memref<10240x64xf32, #tpu.memory_space<vmem_shared>> -> memref<640x64xf32, #tpu.memory_space<vmem_shared>>
      tpu.enqueue_dma source(%dma_start3A_128 : memref<640x64xf32, #tpu.memory_space<vmem_shared>>) target(%dma_start3A_126 : memref<640x64xf32, #tpu.memory_space<hbm>>) target_semaphore(%run_scoped3A_123 : memref<!tpu.dma_semaphore, #tpu.memory_space<semaphore_mem>>)
      %dma_wait3A_129 = arith.constant 0 : i32
      %dma_wait3A_130 = tpu.memref_slice %arg5[%arg0, %mul3A_122, %dma_wait3A_129] : memref<2x10240x64xf32, #tpu.memory_space<hbm>> -> memref<1x640x64xf32, #tpu.memory_space<hbm>>
      %dma_wait3A_131 = tpu.memref_squeeze %dma_wait3A_130 : memref<1x640x64xf32, #tpu.memory_space<hbm>> -> memref<640x64xf32, #tpu.memory_space<hbm>>
      %dma_wait3A_132 = arith.constant 0 : i32
      %dma_wait3A_133 = tpu.memref_slice %arg6[%mul3A_120, %dma_wait3A_132] : memref<10240x64xf32, #tpu.memory_space<vmem_shared>> -> memref<640x64xf32, #tpu.memory_space<vmem_shared>>
      tpu.wait_dma2 semaphore(%run_scoped3A_123 : memref<!tpu.dma_semaphore, #tpu.memory_space<semaphore_mem>>) src(%dma_wait3A_133 : memref<640x64xf32, #tpu.memory_space<vmem_shared>>) dst(%dma_wait3A_131 : memref<640x64xf32, #tpu.memory_space<hbm>>)
      tpu.yield
    }) : () -> ()
    return
  }
}

#map = affine_map<(d0, d1) -> (0, 0)>
#map1 = affine_map<(d0, d1) -> (0, 0, 0)>
module attributes {stable_mosaic.version = 14 : i64} {
  func.func @_deg_body(%arg0: i32, %arg1: i32, %arg2: memref<125x16xf32, #tpu.memory_space<hbm>>, %arg3: memref<10240x16xf32, #tpu.memory_space<hbm>>, %arg4: memref<32x80x125xi32, #tpu.memory_space<hbm>>, %arg5: memref<2x10240x16xf32, #tpu.memory_space<hbm>>, %arg6: memref<10240x16xf32, #tpu.memory_space<vmem_shared>>, %arg7: memref<125x16xf32, #tpu.memory_space<vmem>>, %arg8: memref<80x125xi32, #tpu.memory_space<vmem>>, %arg9: memref<!tpu.dma_semaphore, #tpu.memory_space<semaphore_mem>>) attributes {dimension_semantics = [#tpu.dimension_semantics<core_parallel>, #tpu.dimension_semantics<subcore_parallel>], iteration_bounds = array<i64: 2, 16>, scalar_prefetch = 0 : i64, scratch_operands = 4 : i64, tpu.core_type = #tpu.core_type<sc_vector_subcore>, window_params = [{transform_indices = #map}, {transform_indices = #map}, {transform_indices = #map1}, {transform_indices = #map1}]} {
    %mul3A = arith.constant 2 : i32
    %mul3A_0 = arith.muli %arg1, %mul3A : i32
    %add3A = arith.addi %mul3A_0, %arg0 : i32
    "tpu.region"() ({
      %run_scoped3A = tpu.sem_alloc : memref<!tpu.dma_semaphore, #tpu.memory_space<semaphore_mem>>
      %dma_start3A = arith.constant 0 : i32
      %dma_start3A_21 = arith.constant 0 : i32
      %dma_start3A_22 = tpu.memref_slice %arg4[%add3A, %dma_start3A, %dma_start3A_21] : memref<32x80x125xi32, #tpu.memory_space<hbm>> -> memref<1x80x125xi32, #tpu.memory_space<hbm>>
      %dma_start3A_23 = tpu.memref_squeeze %dma_start3A_22 : memref<1x80x125xi32, #tpu.memory_space<hbm>> -> memref<80x125xi32, #tpu.memory_space<hbm>>
      %dma_start3A_24 = arith.constant 0 : i32
      %dma_start3A_25 = arith.constant 0 : i32
      %dma_start3A_26 = tpu.memref_slice %arg4[%add3A, %dma_start3A_24, %dma_start3A_25] : memref<32x80x125xi32, #tpu.memory_space<hbm>> -> memref<1x80x125xi32, #tpu.memory_space<hbm>>
      %dma_start3A_27 = tpu.memref_squeeze %dma_start3A_26 : memref<1x80x125xi32, #tpu.memory_space<hbm>> -> memref<80x125xi32, #tpu.memory_space<hbm>>
      tpu.enqueue_dma source(%dma_start3A_27 : memref<80x125xi32, #tpu.memory_space<hbm>>) target(%arg8 : memref<80x125xi32, #tpu.memory_space<vmem>>) target_semaphore(%run_scoped3A : memref<!tpu.dma_semaphore, #tpu.memory_space<semaphore_mem>>)
      %dma_wait3A = arith.constant 0 : i32
      %dma_wait3A_28 = arith.constant 0 : i32
      %dma_wait3A_29 = tpu.memref_slice %arg4[%add3A, %dma_wait3A, %dma_wait3A_28] : memref<32x80x125xi32, #tpu.memory_space<hbm>> -> memref<1x80x125xi32, #tpu.memory_space<hbm>>
      %dma_wait3A_30 = tpu.memref_squeeze %dma_wait3A_29 : memref<1x80x125xi32, #tpu.memory_space<hbm>> -> memref<80x125xi32, #tpu.memory_space<hbm>>
      %dma_wait3A_31 = arith.constant 0 : i32
      %dma_wait3A_32 = arith.constant 0 : i32
      %dma_wait3A_33 = tpu.memref_slice %arg4[%add3A, %dma_wait3A_31, %dma_wait3A_32] : memref<32x80x125xi32, #tpu.memory_space<hbm>> -> memref<1x80x125xi32, #tpu.memory_space<hbm>>
      %dma_wait3A_34 = tpu.memref_squeeze %dma_wait3A_33 : memref<1x80x125xi32, #tpu.memory_space<hbm>> -> memref<80x125xi32, #tpu.memory_space<hbm>>
      tpu.wait_dma2 semaphore(%run_scoped3A : memref<!tpu.dma_semaphore, #tpu.memory_space<semaphore_mem>>) src(%dma_wait3A_34 : memref<80x125xi32, #tpu.memory_space<hbm>>) dst(%arg8 : memref<80x125xi32, #tpu.memory_space<vmem>>)
      tpu.yield
    }) : () -> ()
    %mul3A_1 = arith.constant 640 : i32
    %mul3A_2 = arith.muli %arg1, %mul3A_1 : i32
    %mul3A_3 = arith.constant 640 : i32
    %mul3A_4 = arith.muli %arg1, %mul3A_3 : i32
    "tpu.region"() ({
      %run_scoped3A = tpu.sem_alloc : memref<!tpu.dma_semaphore, #tpu.memory_space<semaphore_mem>>
      %dma_start3A = arith.constant 0 : i32
      %dma_start3A_21 = tpu.memref_slice %arg6[%mul3A_4, %dma_start3A] : memref<10240x16xf32, #tpu.memory_space<vmem_shared>> -> memref<640x16xf32, #tpu.memory_space<vmem_shared>>
      %dma_start3A_22 = arith.constant 0 : i32
      %dma_start3A_23 = tpu.memref_slice %arg3[%mul3A_2, %dma_start3A_22] : memref<10240x16xf32, #tpu.memory_space<hbm>> -> memref<640x16xf32, #tpu.memory_space<hbm>>
      tpu.enqueue_dma source(%dma_start3A_23 : memref<640x16xf32, #tpu.memory_space<hbm>>) target(%dma_start3A_21 : memref<640x16xf32, #tpu.memory_space<vmem_shared>>) target_semaphore(%run_scoped3A : memref<!tpu.dma_semaphore, #tpu.memory_space<semaphore_mem>>)
      %dma_wait3A = arith.constant 0 : i32
      %dma_wait3A_24 = tpu.memref_slice %arg6[%mul3A_4, %dma_wait3A] : memref<10240x16xf32, #tpu.memory_space<vmem_shared>> -> memref<640x16xf32, #tpu.memory_space<vmem_shared>>
      %dma_wait3A_25 = arith.constant 0 : i32
      %dma_wait3A_26 = tpu.memref_slice %arg3[%mul3A_2, %dma_wait3A_25] : memref<10240x16xf32, #tpu.memory_space<hbm>> -> memref<640x16xf32, #tpu.memory_space<hbm>>
      tpu.wait_dma2 semaphore(%run_scoped3A : memref<!tpu.dma_semaphore, #tpu.memory_space<semaphore_mem>>) src(%dma_wait3A_26 : memref<640x16xf32, #tpu.memory_space<hbm>>) dst(%dma_wait3A_24 : memref<640x16xf32, #tpu.memory_space<vmem_shared>>)
      tpu.yield
    }) : () -> ()
    "tpu.region"() ({
      %run_scoped3A = tpu.sem_alloc : memref<!tpu.dma_semaphore, #tpu.memory_space<semaphore_mem>>
      tpu.enqueue_dma source(%arg2 : memref<125x16xf32, #tpu.memory_space<hbm>>) target(%arg7 : memref<125x16xf32, #tpu.memory_space<vmem>>) target_semaphore(%run_scoped3A : memref<!tpu.dma_semaphore, #tpu.memory_space<semaphore_mem>>)
      tpu.wait_dma2 semaphore(%run_scoped3A : memref<!tpu.dma_semaphore, #tpu.memory_space<semaphore_mem>>) src(%arg2 : memref<125x16xf32, #tpu.memory_space<hbm>>) dst(%arg7 : memref<125x16xf32, #tpu.memory_space<vmem>>)
      tpu.yield
    }) : () -> ()
    %barrier3A = arith.constant 0 : index
    tpu.barrier barrier_id(%barrier3A)
    %scan3A = arith.constant 0 : i32
    %scan3A_5 = arith.constant 0 : i32
    %scan3A_6 = arith.constant 80 : i32
    %scan3A_7 = arith.addi %scan3A_5, %scan3A_6 : i32
    %scan3A_8 = arith.constant 1 : i32
    scf.for %scan3A_21 = %scan3A_5 to %scan3A_7 step %scan3A_8  : i32 {
      %dma_start3A = arith.constant 0 : i32
      %dma_start3A_22 = tpu.memref_slice %arg8[%scan3A_21, %dma_start3A] : memref<80x125xi32, #tpu.memory_space<vmem>> -> memref<1x125xi32, #tpu.memory_space<vmem>>
      %dma_start3A_23 = tpu.memref_squeeze %dma_start3A_22 : memref<1x125xi32, #tpu.memory_space<vmem>> -> memref<125xi32, #tpu.memory_space<vmem>>
      %dma_start3A_24 = arith.constant 0 : i32
      %dma_start3A_25 = arith.constant 0 : i32
      %dma_start3A_26 = tpu.memref_slice %arg6[%dma_start3A_24, %dma_start3A_25] : memref<10240x16xf32, #tpu.memory_space<vmem_shared>> -> memref<10240x16xf32, #tpu.memory_space<vmem_shared>>
      tpu.enqueue_indirect_dma source(%arg7 : memref<125x16xf32, #tpu.memory_space<vmem>>) target(%dma_start3A_26 : memref<10240x16xf32, #tpu.memory_space<vmem_shared>>) offsets(%dma_start3A_23 : memref<125xi32, #tpu.memory_space<vmem>>) semaphore(%arg9 : memref<!tpu.dma_semaphore, #tpu.memory_space<semaphore_mem>>) {add = true}
    }
    %scan3A_9 = arith.constant 80 : i32
    %scan3A_10 = arith.constant 0 : i32
    %scan3A_11 = arith.constant 0 : i32
    %scan3A_12 = arith.constant 80 : i32
    %scan3A_13 = arith.addi %scan3A_11, %scan3A_12 : i32
    %scan3A_14 = arith.constant 1 : i32
    scf.for %scan3A_21 = %scan3A_11 to %scan3A_13 step %scan3A_14  : i32 {
      %dma_wait3A = arith.constant 0 : i32
      %dma_wait3A_22 = arith.constant 0 : i32
      %dma_wait3A_23 = tpu.memref_slice %arg8[%dma_wait3A, %dma_wait3A_22] : memref<80x125xi32, #tpu.memory_space<vmem>> -> memref<1x125xi32, #tpu.memory_space<vmem>>
      %dma_wait3A_24 = tpu.memref_squeeze %dma_wait3A_23 : memref<1x125xi32, #tpu.memory_space<vmem>> -> memref<125xi32, #tpu.memory_space<vmem>>
      %dma_wait3A_25 = arith.constant 0 : i32
      %dma_wait3A_26 = arith.constant 0 : i32
      %dma_wait3A_27 = tpu.memref_slice %arg6[%dma_wait3A_25, %dma_wait3A_26] : memref<10240x16xf32, #tpu.memory_space<vmem_shared>> -> memref<10240x16xf32, #tpu.memory_space<vmem_shared>>
      tpu.wait_indirect_dma semaphore(%arg9 : memref<!tpu.dma_semaphore, #tpu.memory_space<semaphore_mem>>) src(%arg7 : memref<125x16xf32, #tpu.memory_space<vmem>>) dst(%dma_wait3A_27 : memref<10240x16xf32, #tpu.memory_space<vmem_shared>>)
    }
    %scan3A_15 = arith.constant 80 : i32
    %barrier3A_16 = arith.constant 0 : index
    tpu.barrier barrier_id(%barrier3A_16)
    %mul3A_17 = arith.constant 640 : i32
    %mul3A_18 = arith.muli %arg1, %mul3A_17 : i32
    %mul3A_19 = arith.constant 640 : i32
    %mul3A_20 = arith.muli %arg1, %mul3A_19 : i32
    "tpu.region"() ({
      %run_scoped3A = tpu.sem_alloc : memref<!tpu.dma_semaphore, #tpu.memory_space<semaphore_mem>>
      %dma_start3A = arith.constant 0 : i32
      %dma_start3A_21 = tpu.memref_slice %arg5[%arg0, %mul3A_20, %dma_start3A] : memref<2x10240x16xf32, #tpu.memory_space<hbm>> -> memref<1x640x16xf32, #tpu.memory_space<hbm>>
      %dma_start3A_22 = tpu.memref_squeeze %dma_start3A_21 : memref<1x640x16xf32, #tpu.memory_space<hbm>> -> memref<640x16xf32, #tpu.memory_space<hbm>>
      %dma_start3A_23 = arith.constant 0 : i32
      %dma_start3A_24 = tpu.memref_slice %arg6[%mul3A_18, %dma_start3A_23] : memref<10240x16xf32, #tpu.memory_space<vmem_shared>> -> memref<640x16xf32, #tpu.memory_space<vmem_shared>>
      tpu.enqueue_dma source(%dma_start3A_24 : memref<640x16xf32, #tpu.memory_space<vmem_shared>>) target(%dma_start3A_22 : memref<640x16xf32, #tpu.memory_space<hbm>>) target_semaphore(%run_scoped3A : memref<!tpu.dma_semaphore, #tpu.memory_space<semaphore_mem>>)
      %dma_wait3A = arith.constant 0 : i32
      %dma_wait3A_25 = tpu.memref_slice %arg5[%arg0, %mul3A_20, %dma_wait3A] : memref<2x10240x16xf32, #tpu.memory_space<hbm>> -> memref<1x640x16xf32, #tpu.memory_space<hbm>>
      %dma_wait3A_26 = tpu.memref_squeeze %dma_wait3A_25 : memref<1x640x16xf32, #tpu.memory_space<hbm>> -> memref<640x16xf32, #tpu.memory_space<hbm>>
      %dma_wait3A_27 = arith.constant 0 : i32
      %dma_wait3A_28 = tpu.memref_slice %arg6[%mul3A_18, %dma_wait3A_27] : memref<10240x16xf32, #tpu.memory_space<vmem_shared>> -> memref<640x16xf32, #tpu.memory_space<vmem_shared>>
      tpu.wait_dma2 semaphore(%run_scoped3A : memref<!tpu.dma_semaphore, #tpu.memory_space<semaphore_mem>>) src(%dma_wait3A_28 : memref<640x16xf32, #tpu.memory_space<vmem_shared>>) dst(%dma_wait3A_26 : memref<640x16xf32, #tpu.memory_space<hbm>>)
      tpu.yield
    }) : () -> ()
    return
  }
}

#map = affine_map<(d0, d1) -> (0, 0)>
#map1 = affine_map<(d0, d1) -> (0, 0, 0)>
module attributes {stable_mosaic.version = 14 : i64} {
  func.func @_agg_body(%arg0: i32, %arg1: i32, %arg2: memref<10240x64xf32, #tpu.memory_space<hbm>>, %arg3: memref<32x80x125xi32, #tpu.memory_space<hbm>>, %arg4: memref<32x80x125xi32, #tpu.memory_space<hbm>>, %arg5: memref<2x10240x64xf32, #tpu.memory_space<hbm>>, %arg6: memref<10240x64xf32, #tpu.memory_space<vmem_shared>>, %arg7: memref<10240x64xf32, #tpu.memory_space<vmem_shared>>, %arg8: memref<80x125xi32, #tpu.memory_space<vmem>>, %arg9: memref<80x125xi32, #tpu.memory_space<vmem>>, %arg10: memref<125x64xf32, #tpu.memory_space<vmem>>, %arg11: memref<125x64xf32, #tpu.memory_space<vmem>>, %arg12: memref<125x64xf32, #tpu.memory_space<vmem>>, %arg13: memref<!tpu.dma_semaphore, #tpu.memory_space<semaphore_mem>>, %arg14: memref<!tpu.dma_semaphore, #tpu.memory_space<semaphore_mem>>, %arg15: memref<!tpu.dma_semaphore, #tpu.memory_space<semaphore_mem>>, %arg16: memref<!tpu.dma_semaphore, #tpu.memory_space<semaphore_mem>>, %arg17: memref<!tpu.dma_semaphore, #tpu.memory_space<semaphore_mem>>, %arg18: memref<!tpu.dma_semaphore, #tpu.memory_space<semaphore_mem>>) attributes {dimension_semantics = [#tpu.dimension_semantics<core_parallel>, #tpu.dimension_semantics<subcore_parallel>], iteration_bounds = array<i64: 2, 16>, scalar_prefetch = 0 : i64, scratch_operands = 13 : i64, tpu.core_type = #tpu.core_type<sc_vector_subcore>, window_params = [{transform_indices = #map}, {transform_indices = #map1}, {transform_indices = #map1}, {transform_indices = #map1}]} {
    %mul3A = arith.constant 2 : i32
    %mul3A_0 = arith.muli %arg1, %mul3A : i32
    %add3A = arith.addi %mul3A_0, %arg0 : i32
    %dma_start3A = arith.constant 0 : i32
    %dma_start3A_1 = arith.constant 0 : i32
    %dma_start3A_2 = tpu.memref_slice %arg3[%add3A, %dma_start3A, %dma_start3A_1] : memref<32x80x125xi32, #tpu.memory_space<hbm>> -> memref<1x80x125xi32, #tpu.memory_space<hbm>>
    %dma_start3A_3 = tpu.memref_squeeze %dma_start3A_2 : memref<1x80x125xi32, #tpu.memory_space<hbm>> -> memref<80x125xi32, #tpu.memory_space<hbm>>
    %dma_start3A_4 = arith.constant 0 : i32
    %dma_start3A_5 = arith.constant 0 : i32
    %dma_start3A_6 = tpu.memref_slice %arg3[%add3A, %dma_start3A_4, %dma_start3A_5] : memref<32x80x125xi32, #tpu.memory_space<hbm>> -> memref<1x80x125xi32, #tpu.memory_space<hbm>>
    %dma_start3A_7 = tpu.memref_squeeze %dma_start3A_6 : memref<1x80x125xi32, #tpu.memory_space<hbm>> -> memref<80x125xi32, #tpu.memory_space<hbm>>
    tpu.enqueue_dma source(%dma_start3A_7 : memref<80x125xi32, #tpu.memory_space<hbm>>) target(%arg8 : memref<80x125xi32, #tpu.memory_space<vmem>>) target_semaphore(%arg13 : memref<!tpu.dma_semaphore, #tpu.memory_space<semaphore_mem>>)
    %dma_start3A_8 = arith.constant 0 : i32
    %dma_start3A_9 = arith.constant 0 : i32
    %dma_start3A_10 = tpu.memref_slice %arg4[%add3A, %dma_start3A_8, %dma_start3A_9] : memref<32x80x125xi32, #tpu.memory_space<hbm>> -> memref<1x80x125xi32, #tpu.memory_space<hbm>>
    %dma_start3A_11 = tpu.memref_squeeze %dma_start3A_10 : memref<1x80x125xi32, #tpu.memory_space<hbm>> -> memref<80x125xi32, #tpu.memory_space<hbm>>
    %dma_start3A_12 = arith.constant 0 : i32
    %dma_start3A_13 = arith.constant 0 : i32
    %dma_start3A_14 = tpu.memref_slice %arg4[%add3A, %dma_start3A_12, %dma_start3A_13] : memref<32x80x125xi32, #tpu.memory_space<hbm>> -> memref<1x80x125xi32, #tpu.memory_space<hbm>>
    %dma_start3A_15 = tpu.memref_squeeze %dma_start3A_14 : memref<1x80x125xi32, #tpu.memory_space<hbm>> -> memref<80x125xi32, #tpu.memory_space<hbm>>
    tpu.enqueue_dma source(%dma_start3A_15 : memref<80x125xi32, #tpu.memory_space<hbm>>) target(%arg9 : memref<80x125xi32, #tpu.memory_space<vmem>>) target_semaphore(%arg14 : memref<!tpu.dma_semaphore, #tpu.memory_space<semaphore_mem>>)
    %mul3A_16 = arith.constant 640 : i32
    %mul3A_17 = arith.muli %arg1, %mul3A_16 : i32
    %mul3A_18 = arith.constant 640 : i32
    %mul3A_19 = arith.muli %arg1, %mul3A_18 : i32
    %dma_start3A_20 = arith.constant 0 : i32
    %dma_start3A_21 = tpu.memref_slice %arg6[%mul3A_19, %dma_start3A_20] : memref<10240x64xf32, #tpu.memory_space<vmem_shared>> -> memref<640x64xf32, #tpu.memory_space<vmem_shared>>
    %dma_start3A_22 = arith.constant 0 : i32
    %dma_start3A_23 = tpu.memref_slice %arg2[%mul3A_17, %dma_start3A_22] : memref<10240x64xf32, #tpu.memory_space<hbm>> -> memref<640x64xf32, #tpu.memory_space<hbm>>
    tpu.enqueue_dma source(%dma_start3A_23 : memref<640x64xf32, #tpu.memory_space<hbm>>) target(%dma_start3A_21 : memref<640x64xf32, #tpu.memory_space<vmem_shared>>) target_semaphore(%arg15 : memref<!tpu.dma_semaphore, #tpu.memory_space<semaphore_mem>>)
    %mul3A_24 = arith.constant 640 : i32
    %mul3A_25 = arith.muli %arg1, %mul3A_24 : i32
    %mul3A_26 = arith.constant 640 : i32
    %mul3A_27 = arith.muli %arg1, %mul3A_26 : i32
    %dma_start3A_28 = arith.constant 0 : i32
    %dma_start3A_29 = tpu.memref_slice %arg7[%mul3A_27, %dma_start3A_28] : memref<10240x64xf32, #tpu.memory_space<vmem_shared>> -> memref<640x64xf32, #tpu.memory_space<vmem_shared>>
    %dma_start3A_30 = arith.constant 0 : i32
    %dma_start3A_31 = tpu.memref_slice %arg2[%mul3A_25, %dma_start3A_30] : memref<10240x64xf32, #tpu.memory_space<hbm>> -> memref<640x64xf32, #tpu.memory_space<hbm>>
    tpu.enqueue_dma source(%dma_start3A_31 : memref<640x64xf32, #tpu.memory_space<hbm>>) target(%dma_start3A_29 : memref<640x64xf32, #tpu.memory_space<vmem_shared>>) target_semaphore(%arg16 : memref<!tpu.dma_semaphore, #tpu.memory_space<semaphore_mem>>)
    %dma_wait3A = arith.constant 0 : i32
    %dma_wait3A_32 = arith.constant 0 : i32
    %dma_wait3A_33 = tpu.memref_slice %arg3[%add3A, %dma_wait3A, %dma_wait3A_32] : memref<32x80x125xi32, #tpu.memory_space<hbm>> -> memref<1x80x125xi32, #tpu.memory_space<hbm>>
    %dma_wait3A_34 = tpu.memref_squeeze %dma_wait3A_33 : memref<1x80x125xi32, #tpu.memory_space<hbm>> -> memref<80x125xi32, #tpu.memory_space<hbm>>
    %dma_wait3A_35 = arith.constant 0 : i32
    %dma_wait3A_36 = arith.constant 0 : i32
    %dma_wait3A_37 = tpu.memref_slice %arg3[%add3A, %dma_wait3A_35, %dma_wait3A_36] : memref<32x80x125xi32, #tpu.memory_space<hbm>> -> memref<1x80x125xi32, #tpu.memory_space<hbm>>
    %dma_wait3A_38 = tpu.memref_squeeze %dma_wait3A_37 : memref<1x80x125xi32, #tpu.memory_space<hbm>> -> memref<80x125xi32, #tpu.memory_space<hbm>>
    tpu.wait_dma2 semaphore(%arg13 : memref<!tpu.dma_semaphore, #tpu.memory_space<semaphore_mem>>) src(%dma_wait3A_38 : memref<80x125xi32, #tpu.memory_space<hbm>>) dst(%arg8 : memref<80x125xi32, #tpu.memory_space<vmem>>)
    %dma_wait3A_39 = arith.constant 0 : i32
    %dma_wait3A_40 = arith.constant 0 : i32
    %dma_wait3A_41 = tpu.memref_slice %arg4[%add3A, %dma_wait3A_39, %dma_wait3A_40] : memref<32x80x125xi32, #tpu.memory_space<hbm>> -> memref<1x80x125xi32, #tpu.memory_space<hbm>>
    %dma_wait3A_42 = tpu.memref_squeeze %dma_wait3A_41 : memref<1x80x125xi32, #tpu.memory_space<hbm>> -> memref<80x125xi32, #tpu.memory_space<hbm>>
    %dma_wait3A_43 = arith.constant 0 : i32
    %dma_wait3A_44 = arith.constant 0 : i32
    %dma_wait3A_45 = tpu.memref_slice %arg4[%add3A, %dma_wait3A_43, %dma_wait3A_44] : memref<32x80x125xi32, #tpu.memory_space<hbm>> -> memref<1x80x125xi32, #tpu.memory_space<hbm>>
    %dma_wait3A_46 = tpu.memref_squeeze %dma_wait3A_45 : memref<1x80x125xi32, #tpu.memory_space<hbm>> -> memref<80x125xi32, #tpu.memory_space<hbm>>
    tpu.wait_dma2 semaphore(%arg14 : memref<!tpu.dma_semaphore, #tpu.memory_space<semaphore_mem>>) src(%dma_wait3A_46 : memref<80x125xi32, #tpu.memory_space<hbm>>) dst(%arg9 : memref<80x125xi32, #tpu.memory_space<vmem>>)
    %mul3A_47 = arith.constant 640 : i32
    %mul3A_48 = arith.muli %arg1, %mul3A_47 : i32
    %mul3A_49 = arith.constant 640 : i32
    %mul3A_50 = arith.muli %arg1, %mul3A_49 : i32
    %dma_wait3A_51 = arith.constant 0 : i32
    %dma_wait3A_52 = tpu.memref_slice %arg6[%mul3A_50, %dma_wait3A_51] : memref<10240x64xf32, #tpu.memory_space<vmem_shared>> -> memref<640x64xf32, #tpu.memory_space<vmem_shared>>
    %dma_wait3A_53 = arith.constant 0 : i32
    %dma_wait3A_54 = tpu.memref_slice %arg2[%mul3A_48, %dma_wait3A_53] : memref<10240x64xf32, #tpu.memory_space<hbm>> -> memref<640x64xf32, #tpu.memory_space<hbm>>
    tpu.wait_dma2 semaphore(%arg15 : memref<!tpu.dma_semaphore, #tpu.memory_space<semaphore_mem>>) src(%dma_wait3A_54 : memref<640x64xf32, #tpu.memory_space<hbm>>) dst(%dma_wait3A_52 : memref<640x64xf32, #tpu.memory_space<vmem_shared>>)
    %mul3A_55 = arith.constant 640 : i32
    %mul3A_56 = arith.muli %arg1, %mul3A_55 : i32
    %mul3A_57 = arith.constant 640 : i32
    %mul3A_58 = arith.muli %arg1, %mul3A_57 : i32
    %dma_wait3A_59 = arith.constant 0 : i32
    %dma_wait3A_60 = tpu.memref_slice %arg7[%mul3A_58, %dma_wait3A_59] : memref<10240x64xf32, #tpu.memory_space<vmem_shared>> -> memref<640x64xf32, #tpu.memory_space<vmem_shared>>
    %dma_wait3A_61 = arith.constant 0 : i32
    %dma_wait3A_62 = tpu.memref_slice %arg2[%mul3A_56, %dma_wait3A_61] : memref<10240x64xf32, #tpu.memory_space<hbm>> -> memref<640x64xf32, #tpu.memory_space<hbm>>
    tpu.wait_dma2 semaphore(%arg16 : memref<!tpu.dma_semaphore, #tpu.memory_space<semaphore_mem>>) src(%dma_wait3A_62 : memref<640x64xf32, #tpu.memory_space<hbm>>) dst(%dma_wait3A_60 : memref<640x64xf32, #tpu.memory_space<vmem_shared>>)
    %barrier3A = arith.constant 0 : index
    tpu.barrier barrier_id(%barrier3A)
    %dma_start3A_63 = arith.constant 0 : i32
    %dma_start3A_64 = arith.constant 0 : i32
    %dma_start3A_65 = tpu.memref_slice %arg8[%dma_start3A_63, %dma_start3A_64] : memref<80x125xi32, #tpu.memory_space<vmem>> -> memref<1x125xi32, #tpu.memory_space<vmem>>
    %dma_start3A_66 = tpu.memref_squeeze %dma_start3A_65 : memref<1x125xi32, #tpu.memory_space<vmem>> -> memref<125xi32, #tpu.memory_space<vmem>>
    %dma_start3A_67 = arith.constant 0 : i32
    %dma_start3A_68 = arith.constant 0 : i32
    %dma_start3A_69 = tpu.memref_slice %arg7[%dma_start3A_67, %dma_start3A_68] : memref<10240x64xf32, #tpu.memory_space<vmem_shared>> -> memref<10240x64xf32, #tpu.memory_space<vmem_shared>>
    tpu.enqueue_indirect_dma source(%dma_start3A_69 : memref<10240x64xf32, #tpu.memory_space<vmem_shared>>) target(%arg10 : memref<125x64xf32, #tpu.memory_space<vmem>>) offsets(%dma_start3A_66 : memref<125xi32, #tpu.memory_space<vmem>>) semaphore(%arg13 : memref<!tpu.dma_semaphore, #tpu.memory_space<semaphore_mem>>)
    %dma_start3A_70 = arith.constant 1 : i32
    %dma_start3A_71 = arith.constant 0 : i32
    %dma_start3A_72 = tpu.memref_slice %arg8[%dma_start3A_70, %dma_start3A_71] : memref<80x125xi32, #tpu.memory_space<vmem>> -> memref<1x125xi32, #tpu.memory_space<vmem>>
    %dma_start3A_73 = tpu.memref_squeeze %dma_start3A_72 : memref<1x125xi32, #tpu.memory_space<vmem>> -> memref<125xi32, #tpu.memory_space<vmem>>
    %dma_start3A_74 = arith.constant 0 : i32
    %dma_start3A_75 = arith.constant 0 : i32
    %dma_start3A_76 = tpu.memref_slice %arg7[%dma_start3A_74, %dma_start3A_75] : memref<10240x64xf32, #tpu.memory_space<vmem_shared>> -> memref<10240x64xf32, #tpu.memory_space<vmem_shared>>
    tpu.enqueue_indirect_dma source(%dma_start3A_76 : memref<10240x64xf32, #tpu.memory_space<vmem_shared>>) target(%arg11 : memref<125x64xf32, #tpu.memory_space<vmem>>) offsets(%dma_start3A_73 : memref<125xi32, #tpu.memory_space<vmem>>) semaphore(%arg14 : memref<!tpu.dma_semaphore, #tpu.memory_space<semaphore_mem>>)
    %dma_start3A_77 = arith.constant 2 : i32
    %dma_start3A_78 = arith.constant 0 : i32
    %dma_start3A_79 = tpu.memref_slice %arg8[%dma_start3A_77, %dma_start3A_78] : memref<80x125xi32, #tpu.memory_space<vmem>> -> memref<1x125xi32, #tpu.memory_space<vmem>>
    %dma_start3A_80 = tpu.memref_squeeze %dma_start3A_79 : memref<1x125xi32, #tpu.memory_space<vmem>> -> memref<125xi32, #tpu.memory_space<vmem>>
    %dma_start3A_81 = arith.constant 0 : i32
    %dma_start3A_82 = arith.constant 0 : i32
    %dma_start3A_83 = tpu.memref_slice %arg7[%dma_start3A_81, %dma_start3A_82] : memref<10240x64xf32, #tpu.memory_space<vmem_shared>> -> memref<10240x64xf32, #tpu.memory_space<vmem_shared>>
    tpu.enqueue_indirect_dma source(%dma_start3A_83 : memref<10240x64xf32, #tpu.memory_space<vmem_shared>>) target(%arg12 : memref<125x64xf32, #tpu.memory_space<vmem>>) offsets(%dma_start3A_80 : memref<125xi32, #tpu.memory_space<vmem>>) semaphore(%arg15 : memref<!tpu.dma_semaphore, #tpu.memory_space<semaphore_mem>>)
    %scan3A = arith.constant 0 : i32
    %scan3A_84 = arith.constant 0 : i32
    %scan3A_85 = arith.constant 26 : i32
    %scan3A_86 = arith.addi %scan3A_84, %scan3A_85 : i32
    %scan3A_87 = arith.constant 1 : i32
    scf.for %scan3A_123 = %scan3A_84 to %scan3A_86 step %scan3A_87  : i32 {
      %mul3A_124 = arith.constant 3 : i32
      %mul3A_125 = arith.muli %scan3A_123, %mul3A_124 : i32
      %add3A_126 = arith.constant 0 : i32
      %add3A_127 = arith.addi %mul3A_125, %add3A_126 : i32
      %dma_wait3A_128 = arith.constant 0 : i32
      %dma_wait3A_129 = arith.constant 0 : i32
      %dma_wait3A_130 = tpu.memref_slice %arg8[%dma_wait3A_128, %dma_wait3A_129] : memref<80x125xi32, #tpu.memory_space<vmem>> -> memref<1x125xi32, #tpu.memory_space<vmem>>
      %dma_wait3A_131 = tpu.memref_squeeze %dma_wait3A_130 : memref<1x125xi32, #tpu.memory_space<vmem>> -> memref<125xi32, #tpu.memory_space<vmem>>
      %dma_wait3A_132 = arith.constant 0 : i32
      %dma_wait3A_133 = arith.constant 0 : i32
      %dma_wait3A_134 = tpu.memref_slice %arg7[%dma_wait3A_132, %dma_wait3A_133] : memref<10240x64xf32, #tpu.memory_space<vmem_shared>> -> memref<10240x64xf32, #tpu.memory_space<vmem_shared>>
      tpu.wait_indirect_dma semaphore(%arg13 : memref<!tpu.dma_semaphore, #tpu.memory_space<semaphore_mem>>) src(%dma_wait3A_134 : memref<10240x64xf32, #tpu.memory_space<vmem_shared>>) dst(%arg10 : memref<125x64xf32, #tpu.memory_space<vmem>>)
      %dma_start3A_135 = arith.constant 0 : i32
      %dma_start3A_136 = tpu.memref_slice %arg9[%add3A_127, %dma_start3A_135] : memref<80x125xi32, #tpu.memory_space<vmem>> -> memref<1x125xi32, #tpu.memory_space<vmem>>
      %dma_start3A_137 = tpu.memref_squeeze %dma_start3A_136 : memref<1x125xi32, #tpu.memory_space<vmem>> -> memref<125xi32, #tpu.memory_space<vmem>>
      %dma_start3A_138 = arith.constant 0 : i32
      %dma_start3A_139 = arith.constant 0 : i32
      %dma_start3A_140 = tpu.memref_slice %arg6[%dma_start3A_138, %dma_start3A_139] : memref<10240x64xf32, #tpu.memory_space<vmem_shared>> -> memref<10240x64xf32, #tpu.memory_space<vmem_shared>>
      tpu.enqueue_indirect_dma source(%arg10 : memref<125x64xf32, #tpu.memory_space<vmem>>) target(%dma_start3A_140 : memref<10240x64xf32, #tpu.memory_space<vmem_shared>>) offsets(%dma_start3A_137 : memref<125xi32, #tpu.memory_space<vmem>>) semaphore(%arg16 : memref<!tpu.dma_semaphore, #tpu.memory_space<semaphore_mem>>) {add = true}
      %mul3A_141 = arith.constant 3 : i32
      %mul3A_142 = arith.muli %scan3A_123, %mul3A_141 : i32
      %add3A_143 = arith.constant 1 : i32
      %add3A_144 = arith.addi %mul3A_142, %add3A_143 : i32
      %dma_wait3A_145 = arith.constant 1 : i32
      %dma_wait3A_146 = arith.constant 0 : i32
      %dma_wait3A_147 = tpu.memref_slice %arg8[%dma_wait3A_145, %dma_wait3A_146] : memref<80x125xi32, #tpu.memory_space<vmem>> -> memref<1x125xi32, #tpu.memory_space<vmem>>
      %dma_wait3A_148 = tpu.memref_squeeze %dma_wait3A_147 : memref<1x125xi32, #tpu.memory_space<vmem>> -> memref<125xi32, #tpu.memory_space<vmem>>
      %dma_wait3A_149 = arith.constant 0 : i32
      %dma_wait3A_150 = arith.constant 0 : i32
      %dma_wait3A_151 = tpu.memref_slice %arg7[%dma_wait3A_149, %dma_wait3A_150] : memref<10240x64xf32, #tpu.memory_space<vmem_shared>> -> memref<10240x64xf32, #tpu.memory_space<vmem_shared>>
      tpu.wait_indirect_dma semaphore(%arg14 : memref<!tpu.dma_semaphore, #tpu.memory_space<semaphore_mem>>) src(%dma_wait3A_151 : memref<10240x64xf32, #tpu.memory_space<vmem_shared>>) dst(%arg11 : memref<125x64xf32, #tpu.memory_space<vmem>>)
      %dma_start3A_152 = arith.constant 0 : i32
      %dma_start3A_153 = tpu.memref_slice %arg9[%add3A_144, %dma_start3A_152] : memref<80x125xi32, #tpu.memory_space<vmem>> -> memref<1x125xi32, #tpu.memory_space<vmem>>
      %dma_start3A_154 = tpu.memref_squeeze %dma_start3A_153 : memref<1x125xi32, #tpu.memory_space<vmem>> -> memref<125xi32, #tpu.memory_space<vmem>>
      %dma_start3A_155 = arith.constant 0 : i32
      %dma_start3A_156 = arith.constant 0 : i32
      %dma_start3A_157 = tpu.memref_slice %arg6[%dma_start3A_155, %dma_start3A_156] : memref<10240x64xf32, #tpu.memory_space<vmem_shared>> -> memref<10240x64xf32, #tpu.memory_space<vmem_shared>>
      tpu.enqueue_indirect_dma source(%arg11 : memref<125x64xf32, #tpu.memory_space<vmem>>) target(%dma_start3A_157 : memref<10240x64xf32, #tpu.memory_space<vmem_shared>>) offsets(%dma_start3A_154 : memref<125xi32, #tpu.memory_space<vmem>>) semaphore(%arg17 : memref<!tpu.dma_semaphore, #tpu.memory_space<semaphore_mem>>) {add = true}
      %mul3A_158 = arith.constant 3 : i32
      %mul3A_159 = arith.muli %scan3A_123, %mul3A_158 : i32
      %add3A_160 = arith.constant 2 : i32
      %add3A_161 = arith.addi %mul3A_159, %add3A_160 : i32
      %dma_wait3A_162 = arith.constant 2 : i32
      %dma_wait3A_163 = arith.constant 0 : i32
      %dma_wait3A_164 = tpu.memref_slice %arg8[%dma_wait3A_162, %dma_wait3A_163] : memref<80x125xi32, #tpu.memory_space<vmem>> -> memref<1x125xi32, #tpu.memory_space<vmem>>
      %dma_wait3A_165 = tpu.memref_squeeze %dma_wait3A_164 : memref<1x125xi32, #tpu.memory_space<vmem>> -> memref<125xi32, #tpu.memory_space<vmem>>
      %dma_wait3A_166 = arith.constant 0 : i32
      %dma_wait3A_167 = arith.constant 0 : i32
      %dma_wait3A_168 = tpu.memref_slice %arg7[%dma_wait3A_166, %dma_wait3A_167] : memref<10240x64xf32, #tpu.memory_space<vmem_shared>> -> memref<10240x64xf32, #tpu.memory_space<vmem_shared>>
      tpu.wait_indirect_dma semaphore(%arg15 : memref<!tpu.dma_semaphore, #tpu.memory_space<semaphore_mem>>) src(%dma_wait3A_168 : memref<10240x64xf32, #tpu.memory_space<vmem_shared>>) dst(%arg12 : memref<125x64xf32, #tpu.memory_space<vmem>>)
      %dma_start3A_169 = arith.constant 0 : i32
      %dma_start3A_170 = tpu.memref_slice %arg9[%add3A_161, %dma_start3A_169] : memref<80x125xi32, #tpu.memory_space<vmem>> -> memref<1x125xi32, #tpu.memory_space<vmem>>
      %dma_start3A_171 = tpu.memref_squeeze %dma_start3A_170 : memref<1x125xi32, #tpu.memory_space<vmem>> -> memref<125xi32, #tpu.memory_space<vmem>>
      %dma_start3A_172 = arith.constant 0 : i32
      %dma_start3A_173 = arith.constant 0 : i32
      %dma_start3A_174 = tpu.memref_slice %arg6[%dma_start3A_172, %dma_start3A_173] : memref<10240x64xf32, #tpu.memory_space<vmem_shared>> -> memref<10240x64xf32, #tpu.memory_space<vmem_shared>>
      tpu.enqueue_indirect_dma source(%arg12 : memref<125x64xf32, #tpu.memory_space<vmem>>) target(%dma_start3A_174 : memref<10240x64xf32, #tpu.memory_space<vmem_shared>>) offsets(%dma_start3A_171 : memref<125xi32, #tpu.memory_space<vmem>>) semaphore(%arg18 : memref<!tpu.dma_semaphore, #tpu.memory_space<semaphore_mem>>) {add = true}
      %mul3A_175 = arith.constant 3 : i32
      %mul3A_176 = arith.muli %scan3A_123, %mul3A_175 : i32
      %add3A_177 = arith.constant 0 : i32
      %add3A_178 = arith.addi %mul3A_176, %add3A_177 : i32
      %dma_wait3A_179 = arith.constant 0 : i32
      %dma_wait3A_180 = tpu.memref_slice %arg9[%add3A_178, %dma_wait3A_179] : memref<80x125xi32, #tpu.memory_space<vmem>> -> memref<1x125xi32, #tpu.memory_space<vmem>>
      %dma_wait3A_181 = tpu.memref_squeeze %dma_wait3A_180 : memref<1x125xi32, #tpu.memory_space<vmem>> -> memref<125xi32, #tpu.memory_space<vmem>>
      %dma_wait3A_182 = arith.constant 0 : i32
      %dma_wait3A_183 = arith.constant 0 : i32
      %dma_wait3A_184 = tpu.memref_slice %arg6[%dma_wait3A_182, %dma_wait3A_183] : memref<10240x64xf32, #tpu.memory_space<vmem_shared>> -> memref<10240x64xf32, #tpu.memory_space<vmem_shared>>
      tpu.wait_indirect_dma semaphore(%arg16 : memref<!tpu.dma_semaphore, #tpu.memory_space<semaphore_mem>>) src(%arg10 : memref<125x64xf32, #tpu.memory_space<vmem>>) dst(%dma_wait3A_184 : memref<10240x64xf32, #tpu.memory_space<vmem_shared>>)
      %lt3A = arith.constant 25 : i32
      %lt3A_185 = arith.cmpi slt, %scan3A_123, %lt3A : i32
      %convert_element_type3A = arith.extui %lt3A_185 : i1 to i32
      %cond3A = arith.constant 0 : i32
      %cond3A_186 = arith.cmpi ne, %convert_element_type3A, %cond3A : i32
      scf.if %cond3A_186 {
        %add3A_217 = arith.constant 3 : i32
        %add3A_218 = arith.addi %add3A_178, %add3A_217 : i32
        %dma_start3A_219 = arith.constant 0 : i32
        %dma_start3A_220 = tpu.memref_slice %arg8[%add3A_218, %dma_start3A_219] : memref<80x125xi32, #tpu.memory_space<vmem>> -> memref<1x125xi32, #tpu.memory_space<vmem>>
        %dma_start3A_221 = tpu.memref_squeeze %dma_start3A_220 : memref<1x125xi32, #tpu.memory_space<vmem>> -> memref<125xi32, #tpu.memory_space<vmem>>
        %dma_start3A_222 = arith.constant 0 : i32
        %dma_start3A_223 = arith.constant 0 : i32
        %dma_start3A_224 = tpu.memref_slice %arg7[%dma_start3A_222, %dma_start3A_223] : memref<10240x64xf32, #tpu.memory_space<vmem_shared>> -> memref<10240x64xf32, #tpu.memory_space<vmem_shared>>
        tpu.enqueue_indirect_dma source(%dma_start3A_224 : memref<10240x64xf32, #tpu.memory_space<vmem_shared>>) target(%arg10 : memref<125x64xf32, #tpu.memory_space<vmem>>) offsets(%dma_start3A_221 : memref<125xi32, #tpu.memory_space<vmem>>) semaphore(%arg13 : memref<!tpu.dma_semaphore, #tpu.memory_space<semaphore_mem>>)
      } else {
      }
      %mul3A_187 = arith.constant 3 : i32
      %mul3A_188 = arith.muli %scan3A_123, %mul3A_187 : i32
      %add3A_189 = arith.constant 1 : i32
      %add3A_190 = arith.addi %mul3A_188, %add3A_189 : i32
      %dma_wait3A_191 = arith.constant 0 : i32
      %dma_wait3A_192 = tpu.memref_slice %arg9[%add3A_190, %dma_wait3A_191] : memref<80x125xi32, #tpu.memory_space<vmem>> -> memref<1x125xi32, #tpu.memory_space<vmem>>
      %dma_wait3A_193 = tpu.memref_squeeze %dma_wait3A_192 : memref<1x125xi32, #tpu.memory_space<vmem>> -> memref<125xi32, #tpu.memory_space<vmem>>
      %dma_wait3A_194 = arith.constant 0 : i32
      %dma_wait3A_195 = arith.constant 0 : i32
      %dma_wait3A_196 = tpu.memref_slice %arg6[%dma_wait3A_194, %dma_wait3A_195] : memref<10240x64xf32, #tpu.memory_space<vmem_shared>> -> memref<10240x64xf32, #tpu.memory_space<vmem_shared>>
      tpu.wait_indirect_dma semaphore(%arg17 : memref<!tpu.dma_semaphore, #tpu.memory_space<semaphore_mem>>) src(%arg11 : memref<125x64xf32, #tpu.memory_space<vmem>>) dst(%dma_wait3A_196 : memref<10240x64xf32, #tpu.memory_space<vmem_shared>>)
      %lt3A_197 = arith.constant 25 : i32
      %lt3A_198 = arith.cmpi slt, %scan3A_123, %lt3A_197 : i32
      %convert_element_type3A_199 = arith.extui %lt3A_198 : i1 to i32
      %cond3A_200 = arith.constant 0 : i32
      %cond3A_201 = arith.cmpi ne, %convert_element_type3A_199, %cond3A_200 : i32
      scf.if %cond3A_201 {
        %add3A_217 = arith.constant 3 : i32
        %add3A_218 = arith.addi %add3A_190, %add3A_217 : i32
        %dma_start3A_219 = arith.constant 0 : i32
        %dma_start3A_220 = tpu.memref_slice %arg8[%add3A_218, %dma_start3A_219] : memref<80x125xi32, #tpu.memory_space<vmem>> -> memref<1x125xi32, #tpu.memory_space<vmem>>
        %dma_start3A_221 = tpu.memref_squeeze %dma_start3A_220 : memref<1x125xi32, #tpu.memory_space<vmem>> -> memref<125xi32, #tpu.memory_space<vmem>>
        %dma_start3A_222 = arith.constant 0 : i32
        %dma_start3A_223 = arith.constant 0 : i32
        %dma_start3A_224 = tpu.memref_slice %arg7[%dma_start3A_222, %dma_start3A_223] : memref<10240x64xf32, #tpu.memory_space<vmem_shared>> -> memref<10240x64xf32, #tpu.memory_space<vmem_shared>>
        tpu.enqueue_indirect_dma source(%dma_start3A_224 : memref<10240x64xf32, #tpu.memory_space<vmem_shared>>) target(%arg11 : memref<125x64xf32, #tpu.memory_space<vmem>>) offsets(%dma_start3A_221 : memref<125xi32, #tpu.memory_space<vmem>>) semaphore(%arg14 : memref<!tpu.dma_semaphore, #tpu.memory_space<semaphore_mem>>)
      } else {
      }
      %mul3A_202 = arith.constant 3 : i32
      %mul3A_203 = arith.muli %scan3A_123, %mul3A_202 : i32
      %add3A_204 = arith.constant 2 : i32
      %add3A_205 = arith.addi %mul3A_203, %add3A_204 : i32
      %dma_wait3A_206 = arith.constant 0 : i32
      %dma_wait3A_207 = tpu.memref_slice %arg9[%add3A_205, %dma_wait3A_206] : memref<80x125xi32, #tpu.memory_space<vmem>> -> memref<1x125xi32, #tpu.memory_space<vmem>>
      %dma_wait3A_208 = tpu.memref_squeeze %dma_wait3A_207 : memref<1x125xi32, #tpu.memory_space<vmem>> -> memref<125xi32, #tpu.memory_space<vmem>>
      %dma_wait3A_209 = arith.constant 0 : i32
      %dma_wait3A_210 = arith.constant 0 : i32
      %dma_wait3A_211 = tpu.memref_slice %arg6[%dma_wait3A_209, %dma_wait3A_210] : memref<10240x64xf32, #tpu.memory_space<vmem_shared>> -> memref<10240x64xf32, #tpu.memory_space<vmem_shared>>
      tpu.wait_indirect_dma semaphore(%arg18 : memref<!tpu.dma_semaphore, #tpu.memory_space<semaphore_mem>>) src(%arg12 : memref<125x64xf32, #tpu.memory_space<vmem>>) dst(%dma_wait3A_211 : memref<10240x64xf32, #tpu.memory_space<vmem_shared>>)
      %lt3A_212 = arith.constant 25 : i32
      %lt3A_213 = arith.cmpi slt, %scan3A_123, %lt3A_212 : i32
      %convert_element_type3A_214 = arith.extui %lt3A_213 : i1 to i32
      %cond3A_215 = arith.constant 0 : i32
      %cond3A_216 = arith.cmpi ne, %convert_element_type3A_214, %cond3A_215 : i32
      scf.if %cond3A_216 {
        %add3A_217 = arith.constant 3 : i32
        %add3A_218 = arith.addi %add3A_205, %add3A_217 : i32
        %dma_start3A_219 = arith.constant 0 : i32
        %dma_start3A_220 = tpu.memref_slice %arg8[%add3A_218, %dma_start3A_219] : memref<80x125xi32, #tpu.memory_space<vmem>> -> memref<1x125xi32, #tpu.memory_space<vmem>>
        %dma_start3A_221 = tpu.memref_squeeze %dma_start3A_220 : memref<1x125xi32, #tpu.memory_space<vmem>> -> memref<125xi32, #tpu.memory_space<vmem>>
        %dma_start3A_222 = arith.constant 0 : i32
        %dma_start3A_223 = arith.constant 0 : i32
        %dma_start3A_224 = tpu.memref_slice %arg7[%dma_start3A_222, %dma_start3A_223] : memref<10240x64xf32, #tpu.memory_space<vmem_shared>> -> memref<10240x64xf32, #tpu.memory_space<vmem_shared>>
        tpu.enqueue_indirect_dma source(%dma_start3A_224 : memref<10240x64xf32, #tpu.memory_space<vmem_shared>>) target(%arg12 : memref<125x64xf32, #tpu.memory_space<vmem>>) offsets(%dma_start3A_221 : memref<125xi32, #tpu.memory_space<vmem>>) semaphore(%arg15 : memref<!tpu.dma_semaphore, #tpu.memory_space<semaphore_mem>>)
      } else {
      }
    }
    %scan3A_88 = arith.constant 26 : i32
    %dma_start3A_89 = arith.constant 78 : i32
    %dma_start3A_90 = arith.constant 0 : i32
    %dma_start3A_91 = tpu.memref_slice %arg8[%dma_start3A_89, %dma_start3A_90] : memref<80x125xi32, #tpu.memory_space<vmem>> -> memref<1x125xi32, #tpu.memory_space<vmem>>
    %dma_start3A_92 = tpu.memref_squeeze %dma_start3A_91 : memref<1x125xi32, #tpu.memory_space<vmem>> -> memref<125xi32, #tpu.memory_space<vmem>>
    %dma_start3A_93 = arith.constant 0 : i32
    %dma_start3A_94 = arith.constant 0 : i32
    %dma_start3A_95 = tpu.memref_slice %arg7[%dma_start3A_93, %dma_start3A_94] : memref<10240x64xf32, #tpu.memory_space<vmem_shared>> -> memref<10240x64xf32, #tpu.memory_space<vmem_shared>>
    tpu.enqueue_indirect_dma source(%dma_start3A_95 : memref<10240x64xf32, #tpu.memory_space<vmem_shared>>) target(%arg10 : memref<125x64xf32, #tpu.memory_space<vmem>>) offsets(%dma_start3A_92 : memref<125xi32, #tpu.memory_space<vmem>>) semaphore(%arg13 : memref<!tpu.dma_semaphore, #tpu.memory_space<semaphore_mem>>)
    %dma_start3A_96 = arith.constant 79 : i32
    %dma_start3A_97 = arith.constant 0 : i32
    %dma_start3A_98 = tpu.memref_slice %arg8[%dma_start3A_96, %dma_start3A_97] : memref<80x125xi32, #tpu.memory_space<vmem>> -> memref<1x125xi32, #tpu.memory_space<vmem>>
    %dma_start3A_99 = tpu.memref_squeeze %dma_start3A_98 : memref<1x125xi32, #tpu.memory_space<vmem>> -> memref<125xi32, #tpu.memory_space<vmem>>
    %dma_start3A_100 = arith.constant 0 : i32
    %dma_start3A_101 = arith.constant 0 : i32
    %dma_start3A_102 = tpu.memref_slice %arg7[%dma_start3A_100, %dma_start3A_101] : memref<10240x64xf32, #tpu.memory_space<vmem_shared>> -> memref<10240x64xf32, #tpu.memory_space<vmem_shared>>
    tpu.enqueue_indirect_dma source(%dma_start3A_102 : memref<10240x64xf32, #tpu.memory_space<vmem_shared>>) target(%arg11 : memref<125x64xf32, #tpu.memory_space<vmem>>) offsets(%dma_start3A_99 : memref<125xi32, #tpu.memory_space<vmem>>) semaphore(%arg14 : memref<!tpu.dma_semaphore, #tpu.memory_space<semaphore_mem>>)
    %dma_wait3A_103 = arith.constant 78 : i32
    %dma_wait3A_104 = arith.constant 0 : i32
    %dma_wait3A_105 = tpu.memref_slice %arg8[%dma_wait3A_103, %dma_wait3A_104] : memref<80x125xi32, #tpu.memory_space<vmem>> -> memref<1x125xi32, #tpu.memory_space<vmem>>
    %dma_wait3A_106 = tpu.memref_squeeze %dma_wait3A_105 : memref<1x125xi32, #tpu.memory_space<vmem>> -> memref<125xi32, #tpu.memory_space<vmem>>
    %dma_wait3A_107 = arith.constant 0 : i32
    %dma_wait3A_108 = arith.constant 0 : i32
    %dma_wait3A_109 = tpu.memref_slice %arg7[%dma_wait3A_107, %dma_wait3A_108] : memref<10240x64xf32, #tpu.memory_space<vmem_shared>> -> memref<10240x64xf32, #tpu.memory_space<vmem_shared>>
    tpu.wait_indirect_dma semaphore(%arg13 : memref<!tpu.dma_semaphore, #tpu.memory_space<semaphore_mem>>) src(%dma_wait3A_109 : memref<10240x64xf32, #tpu.memory_space<vmem_shared>>) dst(%arg10 : memref<125x64xf32, #tpu.memory_space<vmem>>)
    %run_scoped3A = arith.constant 78 : i32
    "tpu.region"() ({
      %run_scoped3A_123 = tpu.sem_alloc : memref<!tpu.dma_semaphore, #tpu.memory_space<semaphore_mem>>
      %dma_start3A_124 = arith.constant 0 : i32
      %dma_start3A_125 = tpu.memref_slice %arg9[%run_scoped3A, %dma_start3A_124] : memref<80x125xi32, #tpu.memory_space<vmem>> -> memref<1x125xi32, #tpu.memory_space<vmem>>
      %dma_start3A_126 = tpu.memref_squeeze %dma_start3A_125 : memref<1x125xi32, #tpu.memory_space<vmem>> -> memref<125xi32, #tpu.memory_space<vmem>>
      %dma_start3A_127 = arith.constant 0 : i32
      %dma_start3A_128 = arith.constant 0 : i32
      %dma_start3A_129 = tpu.memref_slice %arg6[%dma_start3A_127, %dma_start3A_128] : memref<10240x64xf32, #tpu.memory_space<vmem_shared>> -> memref<10240x64xf32, #tpu.memory_space<vmem_shared>>
      tpu.enqueue_indirect_dma source(%arg10 : memref<125x64xf32, #tpu.memory_space<vmem>>) target(%dma_start3A_129 : memref<10240x64xf32, #tpu.memory_space<vmem_shared>>) offsets(%dma_start3A_126 : memref<125xi32, #tpu.memory_space<vmem>>) semaphore(%run_scoped3A_123 : memref<!tpu.dma_semaphore, #tpu.memory_space<semaphore_mem>>) {add = true}
      %dma_wait3A_130 = arith.constant 0 : i32
      %dma_wait3A_131 = tpu.memref_slice %arg9[%run_scoped3A, %dma_wait3A_130] : memref<80x125xi32, #tpu.memory_space<vmem>> -> memref<1x125xi32, #tpu.memory_space<vmem>>
      %dma_wait3A_132 = tpu.memref_squeeze %dma_wait3A_131 : memref<1x125xi32, #tpu.memory_space<vmem>> -> memref<125xi32, #tpu.memory_space<vmem>>
      %dma_wait3A_133 = arith.constant 0 : i32
      %dma_wait3A_134 = arith.constant 0 : i32
      %dma_wait3A_135 = tpu.memref_slice %arg6[%dma_wait3A_133, %dma_wait3A_134] : memref<10240x64xf32, #tpu.memory_space<vmem_shared>> -> memref<10240x64xf32, #tpu.memory_space<vmem_shared>>
      tpu.wait_indirect_dma semaphore(%run_scoped3A_123 : memref<!tpu.dma_semaphore, #tpu.memory_space<semaphore_mem>>) src(%arg10 : memref<125x64xf32, #tpu.memory_space<vmem>>) dst(%dma_wait3A_135 : memref<10240x64xf32, #tpu.memory_space<vmem_shared>>)
      tpu.yield
    }) : () -> ()
    %dma_wait3A_110 = arith.constant 79 : i32
    %dma_wait3A_111 = arith.constant 0 : i32
    %dma_wait3A_112 = tpu.memref_slice %arg8[%dma_wait3A_110, %dma_wait3A_111] : memref<80x125xi32, #tpu.memory_space<vmem>> -> memref<1x125xi32, #tpu.memory_space<vmem>>
    %dma_wait3A_113 = tpu.memref_squeeze %dma_wait3A_112 : memref<1x125xi32, #tpu.memory_space<vmem>> -> memref<125xi32, #tpu.memory_space<vmem>>
    %dma_wait3A_114 = arith.constant 0 : i32
    %dma_wait3A_115 = arith.constant 0 : i32
    %dma_wait3A_116 = tpu.memref_slice %arg7[%dma_wait3A_114, %dma_wait3A_115] : memref<10240x64xf32, #tpu.memory_space<vmem_shared>> -> memref<10240x64xf32, #tpu.memory_space<vmem_shared>>
    tpu.wait_indirect_dma semaphore(%arg14 : memref<!tpu.dma_semaphore, #tpu.memory_space<semaphore_mem>>) src(%dma_wait3A_116 : memref<10240x64xf32, #tpu.memory_space<vmem_shared>>) dst(%arg11 : memref<125x64xf32, #tpu.memory_space<vmem>>)
    %run_scoped3A_117 = arith.constant 79 : i32
    "tpu.region"() ({
      %run_scoped3A_123 = tpu.sem_alloc : memref<!tpu.dma_semaphore, #tpu.memory_space<semaphore_mem>>
      %dma_start3A_124 = arith.constant 0 : i32
      %dma_start3A_125 = tpu.memref_slice %arg9[%run_scoped3A_117, %dma_start3A_124] : memref<80x125xi32, #tpu.memory_space<vmem>> -> memref<1x125xi32, #tpu.memory_space<vmem>>
      %dma_start3A_126 = tpu.memref_squeeze %dma_start3A_125 : memref<1x125xi32, #tpu.memory_space<vmem>> -> memref<125xi32, #tpu.memory_space<vmem>>
      %dma_start3A_127 = arith.constant 0 : i32
      %dma_start3A_128 = arith.constant 0 : i32
      %dma_start3A_129 = tpu.memref_slice %arg6[%dma_start3A_127, %dma_start3A_128] : memref<10240x64xf32, #tpu.memory_space<vmem_shared>> -> memref<10240x64xf32, #tpu.memory_space<vmem_shared>>
      tpu.enqueue_indirect_dma source(%arg11 : memref<125x64xf32, #tpu.memory_space<vmem>>) target(%dma_start3A_129 : memref<10240x64xf32, #tpu.memory_space<vmem_shared>>) offsets(%dma_start3A_126 : memref<125xi32, #tpu.memory_space<vmem>>) semaphore(%run_scoped3A_123 : memref<!tpu.dma_semaphore, #tpu.memory_space<semaphore_mem>>) {add = true}
      %dma_wait3A_130 = arith.constant 0 : i32
      %dma_wait3A_131 = tpu.memref_slice %arg9[%run_scoped3A_117, %dma_wait3A_130] : memref<80x125xi32, #tpu.memory_space<vmem>> -> memref<1x125xi32, #tpu.memory_space<vmem>>
      %dma_wait3A_132 = tpu.memref_squeeze %dma_wait3A_131 : memref<1x125xi32, #tpu.memory_space<vmem>> -> memref<125xi32, #tpu.memory_space<vmem>>
      %dma_wait3A_133 = arith.constant 0 : i32
      %dma_wait3A_134 = arith.constant 0 : i32
      %dma_wait3A_135 = tpu.memref_slice %arg6[%dma_wait3A_133, %dma_wait3A_134] : memref<10240x64xf32, #tpu.memory_space<vmem_shared>> -> memref<10240x64xf32, #tpu.memory_space<vmem_shared>>
      tpu.wait_indirect_dma semaphore(%run_scoped3A_123 : memref<!tpu.dma_semaphore, #tpu.memory_space<semaphore_mem>>) src(%arg11 : memref<125x64xf32, #tpu.memory_space<vmem>>) dst(%dma_wait3A_135 : memref<10240x64xf32, #tpu.memory_space<vmem_shared>>)
      tpu.yield
    }) : () -> ()
    %barrier3A_118 = arith.constant 0 : index
    tpu.barrier barrier_id(%barrier3A_118)
    %mul3A_119 = arith.constant 640 : i32
    %mul3A_120 = arith.muli %arg1, %mul3A_119 : i32
    %mul3A_121 = arith.constant 640 : i32
    %mul3A_122 = arith.muli %arg1, %mul3A_121 : i32
    "tpu.region"() ({
      %run_scoped3A_123 = tpu.sem_alloc : memref<!tpu.dma_semaphore, #tpu.memory_space<semaphore_mem>>
      %dma_start3A_124 = arith.constant 0 : i32
      %dma_start3A_125 = tpu.memref_slice %arg5[%arg0, %mul3A_122, %dma_start3A_124] : memref<2x10240x64xf32, #tpu.memory_space<hbm>> -> memref<1x640x64xf32, #tpu.memory_space<hbm>>
      %dma_start3A_126 = tpu.memref_squeeze %dma_start3A_125 : memref<1x640x64xf32, #tpu.memory_space<hbm>> -> memref<640x64xf32, #tpu.memory_space<hbm>>
      %dma_start3A_127 = arith.constant 0 : i32
      %dma_start3A_128 = tpu.memref_slice %arg6[%mul3A_120, %dma_start3A_127] : memref<10240x64xf32, #tpu.memory_space<vmem_shared>> -> memref<640x64xf32, #tpu.memory_space<vmem_shared>>
      tpu.enqueue_dma source(%dma_start3A_128 : memref<640x64xf32, #tpu.memory_space<vmem_shared>>) target(%dma_start3A_126 : memref<640x64xf32, #tpu.memory_space<hbm>>) target_semaphore(%run_scoped3A_123 : memref<!tpu.dma_semaphore, #tpu.memory_space<semaphore_mem>>)
      %dma_wait3A_129 = arith.constant 0 : i32
      %dma_wait3A_130 = tpu.memref_slice %arg5[%arg0, %mul3A_122, %dma_wait3A_129] : memref<2x10240x64xf32, #tpu.memory_space<hbm>> -> memref<1x640x64xf32, #tpu.memory_space<hbm>>
      %dma_wait3A_131 = tpu.memref_squeeze %dma_wait3A_130 : memref<1x640x64xf32, #tpu.memory_space<hbm>> -> memref<640x64xf32, #tpu.memory_space<hbm>>
      %dma_wait3A_132 = arith.constant 0 : i32
      %dma_wait3A_133 = tpu.memref_slice %arg6[%mul3A_120, %dma_wait3A_132] : memref<10240x64xf32, #tpu.memory_space<vmem_shared>> -> memref<640x64xf32, #tpu.memory_space<vmem_shared>>
      tpu.wait_dma2 semaphore(%run_scoped3A_123 : memref<!tpu.dma_semaphore, #tpu.memory_space<semaphore_mem>>) src(%dma_wait3A_133 : memref<640x64xf32, #tpu.memory_space<vmem_shared>>) dst(%dma_wait3A_131 : memref<640x64xf32, #tpu.memory_space<hbm>>)
      tpu.yield
    }) : () -> ()
    return
  }
}

#map = affine_map<(d0, d1) -> (0, 0)>
#map1 = affine_map<(d0, d1) -> (0, 0, 0)>
module attributes {stable_mosaic.version = 14 : i64} {
  func.func @_agg_body(%arg0: i32, %arg1: i32, %arg2: memref<10240x64xf32, #tpu.memory_space<hbm>>, %arg3: memref<32x80x125xi32, #tpu.memory_space<hbm>>, %arg4: memref<32x80x125xi32, #tpu.memory_space<hbm>>, %arg5: memref<2x10240x64xf32, #tpu.memory_space<hbm>>, %arg6: memref<10240x64xf32, #tpu.memory_space<vmem_shared>>, %arg7: memref<10240x64xf32, #tpu.memory_space<vmem_shared>>, %arg8: memref<80x125xi32, #tpu.memory_space<vmem>>, %arg9: memref<80x125xi32, #tpu.memory_space<vmem>>, %arg10: memref<125x64xf32, #tpu.memory_space<vmem>>, %arg11: memref<125x64xf32, #tpu.memory_space<vmem>>, %arg12: memref<125x64xf32, #tpu.memory_space<vmem>>, %arg13: memref<!tpu.dma_semaphore, #tpu.memory_space<semaphore_mem>>, %arg14: memref<!tpu.dma_semaphore, #tpu.memory_space<semaphore_mem>>, %arg15: memref<!tpu.dma_semaphore, #tpu.memory_space<semaphore_mem>>, %arg16: memref<!tpu.dma_semaphore, #tpu.memory_space<semaphore_mem>>, %arg17: memref<!tpu.dma_semaphore, #tpu.memory_space<semaphore_mem>>, %arg18: memref<!tpu.dma_semaphore, #tpu.memory_space<semaphore_mem>>) attributes {dimension_semantics = [#tpu.dimension_semantics<core_parallel>, #tpu.dimension_semantics<subcore_parallel>], iteration_bounds = array<i64: 2, 16>, scalar_prefetch = 0 : i64, scratch_operands = 13 : i64, tpu.core_type = #tpu.core_type<sc_vector_subcore>, window_params = [{transform_indices = #map}, {transform_indices = #map1}, {transform_indices = #map1}, {transform_indices = #map1}]} {
    %mul3A = arith.constant 2 : i32
    %mul3A_0 = arith.muli %arg1, %mul3A : i32
    %add3A = arith.addi %mul3A_0, %arg0 : i32
    %dma_start3A = arith.constant 0 : i32
    %dma_start3A_1 = arith.constant 0 : i32
    %dma_start3A_2 = tpu.memref_slice %arg3[%add3A, %dma_start3A, %dma_start3A_1] : memref<32x80x125xi32, #tpu.memory_space<hbm>> -> memref<1x80x125xi32, #tpu.memory_space<hbm>>
    %dma_start3A_3 = tpu.memref_squeeze %dma_start3A_2 : memref<1x80x125xi32, #tpu.memory_space<hbm>> -> memref<80x125xi32, #tpu.memory_space<hbm>>
    %dma_start3A_4 = arith.constant 0 : i32
    %dma_start3A_5 = arith.constant 0 : i32
    %dma_start3A_6 = tpu.memref_slice %arg3[%add3A, %dma_start3A_4, %dma_start3A_5] : memref<32x80x125xi32, #tpu.memory_space<hbm>> -> memref<1x80x125xi32, #tpu.memory_space<hbm>>
    %dma_start3A_7 = tpu.memref_squeeze %dma_start3A_6 : memref<1x80x125xi32, #tpu.memory_space<hbm>> -> memref<80x125xi32, #tpu.memory_space<hbm>>
    tpu.enqueue_dma source(%dma_start3A_7 : memref<80x125xi32, #tpu.memory_space<hbm>>) target(%arg8 : memref<80x125xi32, #tpu.memory_space<vmem>>) target_semaphore(%arg13 : memref<!tpu.dma_semaphore, #tpu.memory_space<semaphore_mem>>)
    %dma_start3A_8 = arith.constant 0 : i32
    %dma_start3A_9 = arith.constant 0 : i32
    %dma_start3A_10 = tpu.memref_slice %arg4[%add3A, %dma_start3A_8, %dma_start3A_9] : memref<32x80x125xi32, #tpu.memory_space<hbm>> -> memref<1x80x125xi32, #tpu.memory_space<hbm>>
    %dma_start3A_11 = tpu.memref_squeeze %dma_start3A_10 : memref<1x80x125xi32, #tpu.memory_space<hbm>> -> memref<80x125xi32, #tpu.memory_space<hbm>>
    %dma_start3A_12 = arith.constant 0 : i32
    %dma_start3A_13 = arith.constant 0 : i32
    %dma_start3A_14 = tpu.memref_slice %arg4[%add3A, %dma_start3A_12, %dma_start3A_13] : memref<32x80x125xi32, #tpu.memory_space<hbm>> -> memref<1x80x125xi32, #tpu.memory_space<hbm>>
    %dma_start3A_15 = tpu.memref_squeeze %dma_start3A_14 : memref<1x80x125xi32, #tpu.memory_space<hbm>> -> memref<80x125xi32, #tpu.memory_space<hbm>>
    tpu.enqueue_dma source(%dma_start3A_15 : memref<80x125xi32, #tpu.memory_space<hbm>>) target(%arg9 : memref<80x125xi32, #tpu.memory_space<vmem>>) target_semaphore(%arg14 : memref<!tpu.dma_semaphore, #tpu.memory_space<semaphore_mem>>)
    %mul3A_16 = arith.constant 640 : i32
    %mul3A_17 = arith.muli %arg1, %mul3A_16 : i32
    %mul3A_18 = arith.constant 640 : i32
    %mul3A_19 = arith.muli %arg1, %mul3A_18 : i32
    %dma_start3A_20 = arith.constant 0 : i32
    %dma_start3A_21 = tpu.memref_slice %arg6[%mul3A_19, %dma_start3A_20] : memref<10240x64xf32, #tpu.memory_space<vmem_shared>> -> memref<640x64xf32, #tpu.memory_space<vmem_shared>>
    %dma_start3A_22 = arith.constant 0 : i32
    %dma_start3A_23 = tpu.memref_slice %arg2[%mul3A_17, %dma_start3A_22] : memref<10240x64xf32, #tpu.memory_space<hbm>> -> memref<640x64xf32, #tpu.memory_space<hbm>>
    tpu.enqueue_dma source(%dma_start3A_23 : memref<640x64xf32, #tpu.memory_space<hbm>>) target(%dma_start3A_21 : memref<640x64xf32, #tpu.memory_space<vmem_shared>>) target_semaphore(%arg15 : memref<!tpu.dma_semaphore, #tpu.memory_space<semaphore_mem>>)
    %mul3A_24 = arith.constant 640 : i32
    %mul3A_25 = arith.muli %arg1, %mul3A_24 : i32
    %mul3A_26 = arith.constant 640 : i32
    %mul3A_27 = arith.muli %arg1, %mul3A_26 : i32
    %dma_start3A_28 = arith.constant 0 : i32
    %dma_start3A_29 = tpu.memref_slice %arg7[%mul3A_27, %dma_start3A_28] : memref<10240x64xf32, #tpu.memory_space<vmem_shared>> -> memref<640x64xf32, #tpu.memory_space<vmem_shared>>
    %dma_start3A_30 = arith.constant 0 : i32
    %dma_start3A_31 = tpu.memref_slice %arg2[%mul3A_25, %dma_start3A_30] : memref<10240x64xf32, #tpu.memory_space<hbm>> -> memref<640x64xf32, #tpu.memory_space<hbm>>
    tpu.enqueue_dma source(%dma_start3A_31 : memref<640x64xf32, #tpu.memory_space<hbm>>) target(%dma_start3A_29 : memref<640x64xf32, #tpu.memory_space<vmem_shared>>) target_semaphore(%arg16 : memref<!tpu.dma_semaphore, #tpu.memory_space<semaphore_mem>>)
    %dma_wait3A = arith.constant 0 : i32
    %dma_wait3A_32 = arith.constant 0 : i32
    %dma_wait3A_33 = tpu.memref_slice %arg3[%add3A, %dma_wait3A, %dma_wait3A_32] : memref<32x80x125xi32, #tpu.memory_space<hbm>> -> memref<1x80x125xi32, #tpu.memory_space<hbm>>
    %dma_wait3A_34 = tpu.memref_squeeze %dma_wait3A_33 : memref<1x80x125xi32, #tpu.memory_space<hbm>> -> memref<80x125xi32, #tpu.memory_space<hbm>>
    %dma_wait3A_35 = arith.constant 0 : i32
    %dma_wait3A_36 = arith.constant 0 : i32
    %dma_wait3A_37 = tpu.memref_slice %arg3[%add3A, %dma_wait3A_35, %dma_wait3A_36] : memref<32x80x125xi32, #tpu.memory_space<hbm>> -> memref<1x80x125xi32, #tpu.memory_space<hbm>>
    %dma_wait3A_38 = tpu.memref_squeeze %dma_wait3A_37 : memref<1x80x125xi32, #tpu.memory_space<hbm>> -> memref<80x125xi32, #tpu.memory_space<hbm>>
    tpu.wait_dma2 semaphore(%arg13 : memref<!tpu.dma_semaphore, #tpu.memory_space<semaphore_mem>>) src(%dma_wait3A_38 : memref<80x125xi32, #tpu.memory_space<hbm>>) dst(%arg8 : memref<80x125xi32, #tpu.memory_space<vmem>>)
    %dma_wait3A_39 = arith.constant 0 : i32
    %dma_wait3A_40 = arith.constant 0 : i32
    %dma_wait3A_41 = tpu.memref_slice %arg4[%add3A, %dma_wait3A_39, %dma_wait3A_40] : memref<32x80x125xi32, #tpu.memory_space<hbm>> -> memref<1x80x125xi32, #tpu.memory_space<hbm>>
    %dma_wait3A_42 = tpu.memref_squeeze %dma_wait3A_41 : memref<1x80x125xi32, #tpu.memory_space<hbm>> -> memref<80x125xi32, #tpu.memory_space<hbm>>
    %dma_wait3A_43 = arith.constant 0 : i32
    %dma_wait3A_44 = arith.constant 0 : i32
    %dma_wait3A_45 = tpu.memref_slice %arg4[%add3A, %dma_wait3A_43, %dma_wait3A_44] : memref<32x80x125xi32, #tpu.memory_space<hbm>> -> memref<1x80x125xi32, #tpu.memory_space<hbm>>
    %dma_wait3A_46 = tpu.memref_squeeze %dma_wait3A_45 : memref<1x80x125xi32, #tpu.memory_space<hbm>> -> memref<80x125xi32, #tpu.memory_space<hbm>>
    tpu.wait_dma2 semaphore(%arg14 : memref<!tpu.dma_semaphore, #tpu.memory_space<semaphore_mem>>) src(%dma_wait3A_46 : memref<80x125xi32, #tpu.memory_space<hbm>>) dst(%arg9 : memref<80x125xi32, #tpu.memory_space<vmem>>)
    %mul3A_47 = arith.constant 640 : i32
    %mul3A_48 = arith.muli %arg1, %mul3A_47 : i32
    %mul3A_49 = arith.constant 640 : i32
    %mul3A_50 = arith.muli %arg1, %mul3A_49 : i32
    %dma_wait3A_51 = arith.constant 0 : i32
    %dma_wait3A_52 = tpu.memref_slice %arg6[%mul3A_50, %dma_wait3A_51] : memref<10240x64xf32, #tpu.memory_space<vmem_shared>> -> memref<640x64xf32, #tpu.memory_space<vmem_shared>>
    %dma_wait3A_53 = arith.constant 0 : i32
    %dma_wait3A_54 = tpu.memref_slice %arg2[%mul3A_48, %dma_wait3A_53] : memref<10240x64xf32, #tpu.memory_space<hbm>> -> memref<640x64xf32, #tpu.memory_space<hbm>>
    tpu.wait_dma2 semaphore(%arg15 : memref<!tpu.dma_semaphore, #tpu.memory_space<semaphore_mem>>) src(%dma_wait3A_54 : memref<640x64xf32, #tpu.memory_space<hbm>>) dst(%dma_wait3A_52 : memref<640x64xf32, #tpu.memory_space<vmem_shared>>)
    %mul3A_55 = arith.constant 640 : i32
    %mul3A_56 = arith.muli %arg1, %mul3A_55 : i32
    %mul3A_57 = arith.constant 640 : i32
    %mul3A_58 = arith.muli %arg1, %mul3A_57 : i32
    %dma_wait3A_59 = arith.constant 0 : i32
    %dma_wait3A_60 = tpu.memref_slice %arg7[%mul3A_58, %dma_wait3A_59] : memref<10240x64xf32, #tpu.memory_space<vmem_shared>> -> memref<640x64xf32, #tpu.memory_space<vmem_shared>>
    %dma_wait3A_61 = arith.constant 0 : i32
    %dma_wait3A_62 = tpu.memref_slice %arg2[%mul3A_56, %dma_wait3A_61] : memref<10240x64xf32, #tpu.memory_space<hbm>> -> memref<640x64xf32, #tpu.memory_space<hbm>>
    tpu.wait_dma2 semaphore(%arg16 : memref<!tpu.dma_semaphore, #tpu.memory_space<semaphore_mem>>) src(%dma_wait3A_62 : memref<640x64xf32, #tpu.memory_space<hbm>>) dst(%dma_wait3A_60 : memref<640x64xf32, #tpu.memory_space<vmem_shared>>)
    %barrier3A = arith.constant 0 : index
    tpu.barrier barrier_id(%barrier3A)
    %dma_start3A_63 = arith.constant 0 : i32
    %dma_start3A_64 = arith.constant 0 : i32
    %dma_start3A_65 = tpu.memref_slice %arg8[%dma_start3A_63, %dma_start3A_64] : memref<80x125xi32, #tpu.memory_space<vmem>> -> memref<1x125xi32, #tpu.memory_space<vmem>>
    %dma_start3A_66 = tpu.memref_squeeze %dma_start3A_65 : memref<1x125xi32, #tpu.memory_space<vmem>> -> memref<125xi32, #tpu.memory_space<vmem>>
    %dma_start3A_67 = arith.constant 0 : i32
    %dma_start3A_68 = arith.constant 0 : i32
    %dma_start3A_69 = tpu.memref_slice %arg7[%dma_start3A_67, %dma_start3A_68] : memref<10240x64xf32, #tpu.memory_space<vmem_shared>> -> memref<10240x64xf32, #tpu.memory_space<vmem_shared>>
    tpu.enqueue_indirect_dma source(%dma_start3A_69 : memref<10240x64xf32, #tpu.memory_space<vmem_shared>>) target(%arg10 : memref<125x64xf32, #tpu.memory_space<vmem>>) offsets(%dma_start3A_66 : memref<125xi32, #tpu.memory_space<vmem>>) semaphore(%arg13 : memref<!tpu.dma_semaphore, #tpu.memory_space<semaphore_mem>>)
    %dma_start3A_70 = arith.constant 1 : i32
    %dma_start3A_71 = arith.constant 0 : i32
    %dma_start3A_72 = tpu.memref_slice %arg8[%dma_start3A_70, %dma_start3A_71] : memref<80x125xi32, #tpu.memory_space<vmem>> -> memref<1x125xi32, #tpu.memory_space<vmem>>
    %dma_start3A_73 = tpu.memref_squeeze %dma_start3A_72 : memref<1x125xi32, #tpu.memory_space<vmem>> -> memref<125xi32, #tpu.memory_space<vmem>>
    %dma_start3A_74 = arith.constant 0 : i32
    %dma_start3A_75 = arith.constant 0 : i32
    %dma_start3A_76 = tpu.memref_slice %arg7[%dma_start3A_74, %dma_start3A_75] : memref<10240x64xf32, #tpu.memory_space<vmem_shared>> -> memref<10240x64xf32, #tpu.memory_space<vmem_shared>>
    tpu.enqueue_indirect_dma source(%dma_start3A_76 : memref<10240x64xf32, #tpu.memory_space<vmem_shared>>) target(%arg11 : memref<125x64xf32, #tpu.memory_space<vmem>>) offsets(%dma_start3A_73 : memref<125xi32, #tpu.memory_space<vmem>>) semaphore(%arg14 : memref<!tpu.dma_semaphore, #tpu.memory_space<semaphore_mem>>)
    %dma_start3A_77 = arith.constant 2 : i32
    %dma_start3A_78 = arith.constant 0 : i32
    %dma_start3A_79 = tpu.memref_slice %arg8[%dma_start3A_77, %dma_start3A_78] : memref<80x125xi32, #tpu.memory_space<vmem>> -> memref<1x125xi32, #tpu.memory_space<vmem>>
    %dma_start3A_80 = tpu.memref_squeeze %dma_start3A_79 : memref<1x125xi32, #tpu.memory_space<vmem>> -> memref<125xi32, #tpu.memory_space<vmem>>
    %dma_start3A_81 = arith.constant 0 : i32
    %dma_start3A_82 = arith.constant 0 : i32
    %dma_start3A_83 = tpu.memref_slice %arg7[%dma_start3A_81, %dma_start3A_82] : memref<10240x64xf32, #tpu.memory_space<vmem_shared>> -> memref<10240x64xf32, #tpu.memory_space<vmem_shared>>
    tpu.enqueue_indirect_dma source(%dma_start3A_83 : memref<10240x64xf32, #tpu.memory_space<vmem_shared>>) target(%arg12 : memref<125x64xf32, #tpu.memory_space<vmem>>) offsets(%dma_start3A_80 : memref<125xi32, #tpu.memory_space<vmem>>) semaphore(%arg15 : memref<!tpu.dma_semaphore, #tpu.memory_space<semaphore_mem>>)
    %scan3A = arith.constant 0 : i32
    %scan3A_84 = arith.constant 0 : i32
    %scan3A_85 = arith.constant 26 : i32
    %scan3A_86 = arith.addi %scan3A_84, %scan3A_85 : i32
    %scan3A_87 = arith.constant 1 : i32
    scf.for %scan3A_123 = %scan3A_84 to %scan3A_86 step %scan3A_87  : i32 {
      %mul3A_124 = arith.constant 3 : i32
      %mul3A_125 = arith.muli %scan3A_123, %mul3A_124 : i32
      %add3A_126 = arith.constant 0 : i32
      %add3A_127 = arith.addi %mul3A_125, %add3A_126 : i32
      %dma_wait3A_128 = arith.constant 0 : i32
      %dma_wait3A_129 = arith.constant 0 : i32
      %dma_wait3A_130 = tpu.memref_slice %arg8[%dma_wait3A_128, %dma_wait3A_129] : memref<80x125xi32, #tpu.memory_space<vmem>> -> memref<1x125xi32, #tpu.memory_space<vmem>>
      %dma_wait3A_131 = tpu.memref_squeeze %dma_wait3A_130 : memref<1x125xi32, #tpu.memory_space<vmem>> -> memref<125xi32, #tpu.memory_space<vmem>>
      %dma_wait3A_132 = arith.constant 0 : i32
      %dma_wait3A_133 = arith.constant 0 : i32
      %dma_wait3A_134 = tpu.memref_slice %arg7[%dma_wait3A_132, %dma_wait3A_133] : memref<10240x64xf32, #tpu.memory_space<vmem_shared>> -> memref<10240x64xf32, #tpu.memory_space<vmem_shared>>
      tpu.wait_indirect_dma semaphore(%arg13 : memref<!tpu.dma_semaphore, #tpu.memory_space<semaphore_mem>>) src(%dma_wait3A_134 : memref<10240x64xf32, #tpu.memory_space<vmem_shared>>) dst(%arg10 : memref<125x64xf32, #tpu.memory_space<vmem>>)
      %dma_start3A_135 = arith.constant 0 : i32
      %dma_start3A_136 = tpu.memref_slice %arg9[%add3A_127, %dma_start3A_135] : memref<80x125xi32, #tpu.memory_space<vmem>> -> memref<1x125xi32, #tpu.memory_space<vmem>>
      %dma_start3A_137 = tpu.memref_squeeze %dma_start3A_136 : memref<1x125xi32, #tpu.memory_space<vmem>> -> memref<125xi32, #tpu.memory_space<vmem>>
      %dma_start3A_138 = arith.constant 0 : i32
      %dma_start3A_139 = arith.constant 0 : i32
      %dma_start3A_140 = tpu.memref_slice %arg6[%dma_start3A_138, %dma_start3A_139] : memref<10240x64xf32, #tpu.memory_space<vmem_shared>> -> memref<10240x64xf32, #tpu.memory_space<vmem_shared>>
      tpu.enqueue_indirect_dma source(%arg10 : memref<125x64xf32, #tpu.memory_space<vmem>>) target(%dma_start3A_140 : memref<10240x64xf32, #tpu.memory_space<vmem_shared>>) offsets(%dma_start3A_137 : memref<125xi32, #tpu.memory_space<vmem>>) semaphore(%arg16 : memref<!tpu.dma_semaphore, #tpu.memory_space<semaphore_mem>>) {add = true}
      %mul3A_141 = arith.constant 3 : i32
      %mul3A_142 = arith.muli %scan3A_123, %mul3A_141 : i32
      %add3A_143 = arith.constant 1 : i32
      %add3A_144 = arith.addi %mul3A_142, %add3A_143 : i32
      %dma_wait3A_145 = arith.constant 1 : i32
      %dma_wait3A_146 = arith.constant 0 : i32
      %dma_wait3A_147 = tpu.memref_slice %arg8[%dma_wait3A_145, %dma_wait3A_146] : memref<80x125xi32, #tpu.memory_space<vmem>> -> memref<1x125xi32, #tpu.memory_space<vmem>>
      %dma_wait3A_148 = tpu.memref_squeeze %dma_wait3A_147 : memref<1x125xi32, #tpu.memory_space<vmem>> -> memref<125xi32, #tpu.memory_space<vmem>>
      %dma_wait3A_149 = arith.constant 0 : i32
      %dma_wait3A_150 = arith.constant 0 : i32
      %dma_wait3A_151 = tpu.memref_slice %arg7[%dma_wait3A_149, %dma_wait3A_150] : memref<10240x64xf32, #tpu.memory_space<vmem_shared>> -> memref<10240x64xf32, #tpu.memory_space<vmem_shared>>
      tpu.wait_indirect_dma semaphore(%arg14 : memref<!tpu.dma_semaphore, #tpu.memory_space<semaphore_mem>>) src(%dma_wait3A_151 : memref<10240x64xf32, #tpu.memory_space<vmem_shared>>) dst(%arg11 : memref<125x64xf32, #tpu.memory_space<vmem>>)
      %dma_start3A_152 = arith.constant 0 : i32
      %dma_start3A_153 = tpu.memref_slice %arg9[%add3A_144, %dma_start3A_152] : memref<80x125xi32, #tpu.memory_space<vmem>> -> memref<1x125xi32, #tpu.memory_space<vmem>>
      %dma_start3A_154 = tpu.memref_squeeze %dma_start3A_153 : memref<1x125xi32, #tpu.memory_space<vmem>> -> memref<125xi32, #tpu.memory_space<vmem>>
      %dma_start3A_155 = arith.constant 0 : i32
      %dma_start3A_156 = arith.constant 0 : i32
      %dma_start3A_157 = tpu.memref_slice %arg6[%dma_start3A_155, %dma_start3A_156] : memref<10240x64xf32, #tpu.memory_space<vmem_shared>> -> memref<10240x64xf32, #tpu.memory_space<vmem_shared>>
      tpu.enqueue_indirect_dma source(%arg11 : memref<125x64xf32, #tpu.memory_space<vmem>>) target(%dma_start3A_157 : memref<10240x64xf32, #tpu.memory_space<vmem_shared>>) offsets(%dma_start3A_154 : memref<125xi32, #tpu.memory_space<vmem>>) semaphore(%arg17 : memref<!tpu.dma_semaphore, #tpu.memory_space<semaphore_mem>>) {add = true}
      %mul3A_158 = arith.constant 3 : i32
      %mul3A_159 = arith.muli %scan3A_123, %mul3A_158 : i32
      %add3A_160 = arith.constant 2 : i32
      %add3A_161 = arith.addi %mul3A_159, %add3A_160 : i32
      %dma_wait3A_162 = arith.constant 2 : i32
      %dma_wait3A_163 = arith.constant 0 : i32
      %dma_wait3A_164 = tpu.memref_slice %arg8[%dma_wait3A_162, %dma_wait3A_163] : memref<80x125xi32, #tpu.memory_space<vmem>> -> memref<1x125xi32, #tpu.memory_space<vmem>>
      %dma_wait3A_165 = tpu.memref_squeeze %dma_wait3A_164 : memref<1x125xi32, #tpu.memory_space<vmem>> -> memref<125xi32, #tpu.memory_space<vmem>>
      %dma_wait3A_166 = arith.constant 0 : i32
      %dma_wait3A_167 = arith.constant 0 : i32
      %dma_wait3A_168 = tpu.memref_slice %arg7[%dma_wait3A_166, %dma_wait3A_167] : memref<10240x64xf32, #tpu.memory_space<vmem_shared>> -> memref<10240x64xf32, #tpu.memory_space<vmem_shared>>
      tpu.wait_indirect_dma semaphore(%arg15 : memref<!tpu.dma_semaphore, #tpu.memory_space<semaphore_mem>>) src(%dma_wait3A_168 : memref<10240x64xf32, #tpu.memory_space<vmem_shared>>) dst(%arg12 : memref<125x64xf32, #tpu.memory_space<vmem>>)
      %dma_start3A_169 = arith.constant 0 : i32
      %dma_start3A_170 = tpu.memref_slice %arg9[%add3A_161, %dma_start3A_169] : memref<80x125xi32, #tpu.memory_space<vmem>> -> memref<1x125xi32, #tpu.memory_space<vmem>>
      %dma_start3A_171 = tpu.memref_squeeze %dma_start3A_170 : memref<1x125xi32, #tpu.memory_space<vmem>> -> memref<125xi32, #tpu.memory_space<vmem>>
      %dma_start3A_172 = arith.constant 0 : i32
      %dma_start3A_173 = arith.constant 0 : i32
      %dma_start3A_174 = tpu.memref_slice %arg6[%dma_start3A_172, %dma_start3A_173] : memref<10240x64xf32, #tpu.memory_space<vmem_shared>> -> memref<10240x64xf32, #tpu.memory_space<vmem_shared>>
      tpu.enqueue_indirect_dma source(%arg12 : memref<125x64xf32, #tpu.memory_space<vmem>>) target(%dma_start3A_174 : memref<10240x64xf32, #tpu.memory_space<vmem_shared>>) offsets(%dma_start3A_171 : memref<125xi32, #tpu.memory_space<vmem>>) semaphore(%arg18 : memref<!tpu.dma_semaphore, #tpu.memory_space<semaphore_mem>>) {add = true}
      %mul3A_175 = arith.constant 3 : i32
      %mul3A_176 = arith.muli %scan3A_123, %mul3A_175 : i32
      %add3A_177 = arith.constant 0 : i32
      %add3A_178 = arith.addi %mul3A_176, %add3A_177 : i32
      %dma_wait3A_179 = arith.constant 0 : i32
      %dma_wait3A_180 = tpu.memref_slice %arg9[%add3A_178, %dma_wait3A_179] : memref<80x125xi32, #tpu.memory_space<vmem>> -> memref<1x125xi32, #tpu.memory_space<vmem>>
      %dma_wait3A_181 = tpu.memref_squeeze %dma_wait3A_180 : memref<1x125xi32, #tpu.memory_space<vmem>> -> memref<125xi32, #tpu.memory_space<vmem>>
      %dma_wait3A_182 = arith.constant 0 : i32
      %dma_wait3A_183 = arith.constant 0 : i32
      %dma_wait3A_184 = tpu.memref_slice %arg6[%dma_wait3A_182, %dma_wait3A_183] : memref<10240x64xf32, #tpu.memory_space<vmem_shared>> -> memref<10240x64xf32, #tpu.memory_space<vmem_shared>>
      tpu.wait_indirect_dma semaphore(%arg16 : memref<!tpu.dma_semaphore, #tpu.memory_space<semaphore_mem>>) src(%arg10 : memref<125x64xf32, #tpu.memory_space<vmem>>) dst(%dma_wait3A_184 : memref<10240x64xf32, #tpu.memory_space<vmem_shared>>)
      %lt3A = arith.constant 25 : i32
      %lt3A_185 = arith.cmpi slt, %scan3A_123, %lt3A : i32
      %convert_element_type3A = arith.extui %lt3A_185 : i1 to i32
      %cond3A = arith.constant 0 : i32
      %cond3A_186 = arith.cmpi ne, %convert_element_type3A, %cond3A : i32
      scf.if %cond3A_186 {
        %add3A_217 = arith.constant 3 : i32
        %add3A_218 = arith.addi %add3A_178, %add3A_217 : i32
        %dma_start3A_219 = arith.constant 0 : i32
        %dma_start3A_220 = tpu.memref_slice %arg8[%add3A_218, %dma_start3A_219] : memref<80x125xi32, #tpu.memory_space<vmem>> -> memref<1x125xi32, #tpu.memory_space<vmem>>
        %dma_start3A_221 = tpu.memref_squeeze %dma_start3A_220 : memref<1x125xi32, #tpu.memory_space<vmem>> -> memref<125xi32, #tpu.memory_space<vmem>>
        %dma_start3A_222 = arith.constant 0 : i32
        %dma_start3A_223 = arith.constant 0 : i32
        %dma_start3A_224 = tpu.memref_slice %arg7[%dma_start3A_222, %dma_start3A_223] : memref<10240x64xf32, #tpu.memory_space<vmem_shared>> -> memref<10240x64xf32, #tpu.memory_space<vmem_shared>>
        tpu.enqueue_indirect_dma source(%dma_start3A_224 : memref<10240x64xf32, #tpu.memory_space<vmem_shared>>) target(%arg10 : memref<125x64xf32, #tpu.memory_space<vmem>>) offsets(%dma_start3A_221 : memref<125xi32, #tpu.memory_space<vmem>>) semaphore(%arg13 : memref<!tpu.dma_semaphore, #tpu.memory_space<semaphore_mem>>)
      } else {
      }
      %mul3A_187 = arith.constant 3 : i32
      %mul3A_188 = arith.muli %scan3A_123, %mul3A_187 : i32
      %add3A_189 = arith.constant 1 : i32
      %add3A_190 = arith.addi %mul3A_188, %add3A_189 : i32
      %dma_wait3A_191 = arith.constant 0 : i32
      %dma_wait3A_192 = tpu.memref_slice %arg9[%add3A_190, %dma_wait3A_191] : memref<80x125xi32, #tpu.memory_space<vmem>> -> memref<1x125xi32, #tpu.memory_space<vmem>>
      %dma_wait3A_193 = tpu.memref_squeeze %dma_wait3A_192 : memref<1x125xi32, #tpu.memory_space<vmem>> -> memref<125xi32, #tpu.memory_space<vmem>>
      %dma_wait3A_194 = arith.constant 0 : i32
      %dma_wait3A_195 = arith.constant 0 : i32
      %dma_wait3A_196 = tpu.memref_slice %arg6[%dma_wait3A_194, %dma_wait3A_195] : memref<10240x64xf32, #tpu.memory_space<vmem_shared>> -> memref<10240x64xf32, #tpu.memory_space<vmem_shared>>
      tpu.wait_indirect_dma semaphore(%arg17 : memref<!tpu.dma_semaphore, #tpu.memory_space<semaphore_mem>>) src(%arg11 : memref<125x64xf32, #tpu.memory_space<vmem>>) dst(%dma_wait3A_196 : memref<10240x64xf32, #tpu.memory_space<vmem_shared>>)
      %lt3A_197 = arith.constant 25 : i32
      %lt3A_198 = arith.cmpi slt, %scan3A_123, %lt3A_197 : i32
      %convert_element_type3A_199 = arith.extui %lt3A_198 : i1 to i32
      %cond3A_200 = arith.constant 0 : i32
      %cond3A_201 = arith.cmpi ne, %convert_element_type3A_199, %cond3A_200 : i32
      scf.if %cond3A_201 {
        %add3A_217 = arith.constant 3 : i32
        %add3A_218 = arith.addi %add3A_190, %add3A_217 : i32
        %dma_start3A_219 = arith.constant 0 : i32
        %dma_start3A_220 = tpu.memref_slice %arg8[%add3A_218, %dma_start3A_219] : memref<80x125xi32, #tpu.memory_space<vmem>> -> memref<1x125xi32, #tpu.memory_space<vmem>>
        %dma_start3A_221 = tpu.memref_squeeze %dma_start3A_220 : memref<1x125xi32, #tpu.memory_space<vmem>> -> memref<125xi32, #tpu.memory_space<vmem>>
        %dma_start3A_222 = arith.constant 0 : i32
        %dma_start3A_223 = arith.constant 0 : i32
        %dma_start3A_224 = tpu.memref_slice %arg7[%dma_start3A_222, %dma_start3A_223] : memref<10240x64xf32, #tpu.memory_space<vmem_shared>> -> memref<10240x64xf32, #tpu.memory_space<vmem_shared>>
        tpu.enqueue_indirect_dma source(%dma_start3A_224 : memref<10240x64xf32, #tpu.memory_space<vmem_shared>>) target(%arg11 : memref<125x64xf32, #tpu.memory_space<vmem>>) offsets(%dma_start3A_221 : memref<125xi32, #tpu.memory_space<vmem>>) semaphore(%arg14 : memref<!tpu.dma_semaphore, #tpu.memory_space<semaphore_mem>>)
      } else {
      }
      %mul3A_202 = arith.constant 3 : i32
      %mul3A_203 = arith.muli %scan3A_123, %mul3A_202 : i32
      %add3A_204 = arith.constant 2 : i32
      %add3A_205 = arith.addi %mul3A_203, %add3A_204 : i32
      %dma_wait3A_206 = arith.constant 0 : i32
      %dma_wait3A_207 = tpu.memref_slice %arg9[%add3A_205, %dma_wait3A_206] : memref<80x125xi32, #tpu.memory_space<vmem>> -> memref<1x125xi32, #tpu.memory_space<vmem>>
      %dma_wait3A_208 = tpu.memref_squeeze %dma_wait3A_207 : memref<1x125xi32, #tpu.memory_space<vmem>> -> memref<125xi32, #tpu.memory_space<vmem>>
      %dma_wait3A_209 = arith.constant 0 : i32
      %dma_wait3A_210 = arith.constant 0 : i32
      %dma_wait3A_211 = tpu.memref_slice %arg6[%dma_wait3A_209, %dma_wait3A_210] : memref<10240x64xf32, #tpu.memory_space<vmem_shared>> -> memref<10240x64xf32, #tpu.memory_space<vmem_shared>>
      tpu.wait_indirect_dma semaphore(%arg18 : memref<!tpu.dma_semaphore, #tpu.memory_space<semaphore_mem>>) src(%arg12 : memref<125x64xf32, #tpu.memory_space<vmem>>) dst(%dma_wait3A_211 : memref<10240x64xf32, #tpu.memory_space<vmem_shared>>)
      %lt3A_212 = arith.constant 25 : i32
      %lt3A_213 = arith.cmpi slt, %scan3A_123, %lt3A_212 : i32
      %convert_element_type3A_214 = arith.extui %lt3A_213 : i1 to i32
      %cond3A_215 = arith.constant 0 : i32
      %cond3A_216 = arith.cmpi ne, %convert_element_type3A_214, %cond3A_215 : i32
      scf.if %cond3A_216 {
        %add3A_217 = arith.constant 3 : i32
        %add3A_218 = arith.addi %add3A_205, %add3A_217 : i32
        %dma_start3A_219 = arith.constant 0 : i32
        %dma_start3A_220 = tpu.memref_slice %arg8[%add3A_218, %dma_start3A_219] : memref<80x125xi32, #tpu.memory_space<vmem>> -> memref<1x125xi32, #tpu.memory_space<vmem>>
        %dma_start3A_221 = tpu.memref_squeeze %dma_start3A_220 : memref<1x125xi32, #tpu.memory_space<vmem>> -> memref<125xi32, #tpu.memory_space<vmem>>
        %dma_start3A_222 = arith.constant 0 : i32
        %dma_start3A_223 = arith.constant 0 : i32
        %dma_start3A_224 = tpu.memref_slice %arg7[%dma_start3A_222, %dma_start3A_223] : memref<10240x64xf32, #tpu.memory_space<vmem_shared>> -> memref<10240x64xf32, #tpu.memory_space<vmem_shared>>
        tpu.enqueue_indirect_dma source(%dma_start3A_224 : memref<10240x64xf32, #tpu.memory_space<vmem_shared>>) target(%arg12 : memref<125x64xf32, #tpu.memory_space<vmem>>) offsets(%dma_start3A_221 : memref<125xi32, #tpu.memory_space<vmem>>) semaphore(%arg15 : memref<!tpu.dma_semaphore, #tpu.memory_space<semaphore_mem>>)
      } else {
      }
    }
    %scan3A_88 = arith.constant 26 : i32
    %dma_start3A_89 = arith.constant 78 : i32
    %dma_start3A_90 = arith.constant 0 : i32
    %dma_start3A_91 = tpu.memref_slice %arg8[%dma_start3A_89, %dma_start3A_90] : memref<80x125xi32, #tpu.memory_space<vmem>> -> memref<1x125xi32, #tpu.memory_space<vmem>>
    %dma_start3A_92 = tpu.memref_squeeze %dma_start3A_91 : memref<1x125xi32, #tpu.memory_space<vmem>> -> memref<125xi32, #tpu.memory_space<vmem>>
    %dma_start3A_93 = arith.constant 0 : i32
    %dma_start3A_94 = arith.constant 0 : i32
    %dma_start3A_95 = tpu.memref_slice %arg7[%dma_start3A_93, %dma_start3A_94] : memref<10240x64xf32, #tpu.memory_space<vmem_shared>> -> memref<10240x64xf32, #tpu.memory_space<vmem_shared>>
    tpu.enqueue_indirect_dma source(%dma_start3A_95 : memref<10240x64xf32, #tpu.memory_space<vmem_shared>>) target(%arg10 : memref<125x64xf32, #tpu.memory_space<vmem>>) offsets(%dma_start3A_92 : memref<125xi32, #tpu.memory_space<vmem>>) semaphore(%arg13 : memref<!tpu.dma_semaphore, #tpu.memory_space<semaphore_mem>>)
    %dma_start3A_96 = arith.constant 79 : i32
    %dma_start3A_97 = arith.constant 0 : i32
    %dma_start3A_98 = tpu.memref_slice %arg8[%dma_start3A_96, %dma_start3A_97] : memref<80x125xi32, #tpu.memory_space<vmem>> -> memref<1x125xi32, #tpu.memory_space<vmem>>
    %dma_start3A_99 = tpu.memref_squeeze %dma_start3A_98 : memref<1x125xi32, #tpu.memory_space<vmem>> -> memref<125xi32, #tpu.memory_space<vmem>>
    %dma_start3A_100 = arith.constant 0 : i32
    %dma_start3A_101 = arith.constant 0 : i32
    %dma_start3A_102 = tpu.memref_slice %arg7[%dma_start3A_100, %dma_start3A_101] : memref<10240x64xf32, #tpu.memory_space<vmem_shared>> -> memref<10240x64xf32, #tpu.memory_space<vmem_shared>>
    tpu.enqueue_indirect_dma source(%dma_start3A_102 : memref<10240x64xf32, #tpu.memory_space<vmem_shared>>) target(%arg11 : memref<125x64xf32, #tpu.memory_space<vmem>>) offsets(%dma_start3A_99 : memref<125xi32, #tpu.memory_space<vmem>>) semaphore(%arg14 : memref<!tpu.dma_semaphore, #tpu.memory_space<semaphore_mem>>)
    %dma_wait3A_103 = arith.constant 78 : i32
    %dma_wait3A_104 = arith.constant 0 : i32
    %dma_wait3A_105 = tpu.memref_slice %arg8[%dma_wait3A_103, %dma_wait3A_104] : memref<80x125xi32, #tpu.memory_space<vmem>> -> memref<1x125xi32, #tpu.memory_space<vmem>>
    %dma_wait3A_106 = tpu.memref_squeeze %dma_wait3A_105 : memref<1x125xi32, #tpu.memory_space<vmem>> -> memref<125xi32, #tpu.memory_space<vmem>>
    %dma_wait3A_107 = arith.constant 0 : i32
    %dma_wait3A_108 = arith.constant 0 : i32
    %dma_wait3A_109 = tpu.memref_slice %arg7[%dma_wait3A_107, %dma_wait3A_108] : memref<10240x64xf32, #tpu.memory_space<vmem_shared>> -> memref<10240x64xf32, #tpu.memory_space<vmem_shared>>
    tpu.wait_indirect_dma semaphore(%arg13 : memref<!tpu.dma_semaphore, #tpu.memory_space<semaphore_mem>>) src(%dma_wait3A_109 : memref<10240x64xf32, #tpu.memory_space<vmem_shared>>) dst(%arg10 : memref<125x64xf32, #tpu.memory_space<vmem>>)
    %run_scoped3A = arith.constant 78 : i32
    "tpu.region"() ({
      %run_scoped3A_123 = tpu.sem_alloc : memref<!tpu.dma_semaphore, #tpu.memory_space<semaphore_mem>>
      %dma_start3A_124 = arith.constant 0 : i32
      %dma_start3A_125 = tpu.memref_slice %arg9[%run_scoped3A, %dma_start3A_124] : memref<80x125xi32, #tpu.memory_space<vmem>> -> memref<1x125xi32, #tpu.memory_space<vmem>>
      %dma_start3A_126 = tpu.memref_squeeze %dma_start3A_125 : memref<1x125xi32, #tpu.memory_space<vmem>> -> memref<125xi32, #tpu.memory_space<vmem>>
      %dma_start3A_127 = arith.constant 0 : i32
      %dma_start3A_128 = arith.constant 0 : i32
      %dma_start3A_129 = tpu.memref_slice %arg6[%dma_start3A_127, %dma_start3A_128] : memref<10240x64xf32, #tpu.memory_space<vmem_shared>> -> memref<10240x64xf32, #tpu.memory_space<vmem_shared>>
      tpu.enqueue_indirect_dma source(%arg10 : memref<125x64xf32, #tpu.memory_space<vmem>>) target(%dma_start3A_129 : memref<10240x64xf32, #tpu.memory_space<vmem_shared>>) offsets(%dma_start3A_126 : memref<125xi32, #tpu.memory_space<vmem>>) semaphore(%run_scoped3A_123 : memref<!tpu.dma_semaphore, #tpu.memory_space<semaphore_mem>>) {add = true}
      %dma_wait3A_130 = arith.constant 0 : i32
      %dma_wait3A_131 = tpu.memref_slice %arg9[%run_scoped3A, %dma_wait3A_130] : memref<80x125xi32, #tpu.memory_space<vmem>> -> memref<1x125xi32, #tpu.memory_space<vmem>>
      %dma_wait3A_132 = tpu.memref_squeeze %dma_wait3A_131 : memref<1x125xi32, #tpu.memory_space<vmem>> -> memref<125xi32, #tpu.memory_space<vmem>>
      %dma_wait3A_133 = arith.constant 0 : i32
      %dma_wait3A_134 = arith.constant 0 : i32
      %dma_wait3A_135 = tpu.memref_slice %arg6[%dma_wait3A_133, %dma_wait3A_134] : memref<10240x64xf32, #tpu.memory_space<vmem_shared>> -> memref<10240x64xf32, #tpu.memory_space<vmem_shared>>
      tpu.wait_indirect_dma semaphore(%run_scoped3A_123 : memref<!tpu.dma_semaphore, #tpu.memory_space<semaphore_mem>>) src(%arg10 : memref<125x64xf32, #tpu.memory_space<vmem>>) dst(%dma_wait3A_135 : memref<10240x64xf32, #tpu.memory_space<vmem_shared>>)
      tpu.yield
    }) : () -> ()
    %dma_wait3A_110 = arith.constant 79 : i32
    %dma_wait3A_111 = arith.constant 0 : i32
    %dma_wait3A_112 = tpu.memref_slice %arg8[%dma_wait3A_110, %dma_wait3A_111] : memref<80x125xi32, #tpu.memory_space<vmem>> -> memref<1x125xi32, #tpu.memory_space<vmem>>
    %dma_wait3A_113 = tpu.memref_squeeze %dma_wait3A_112 : memref<1x125xi32, #tpu.memory_space<vmem>> -> memref<125xi32, #tpu.memory_space<vmem>>
    %dma_wait3A_114 = arith.constant 0 : i32
    %dma_wait3A_115 = arith.constant 0 : i32
    %dma_wait3A_116 = tpu.memref_slice %arg7[%dma_wait3A_114, %dma_wait3A_115] : memref<10240x64xf32, #tpu.memory_space<vmem_shared>> -> memref<10240x64xf32, #tpu.memory_space<vmem_shared>>
    tpu.wait_indirect_dma semaphore(%arg14 : memref<!tpu.dma_semaphore, #tpu.memory_space<semaphore_mem>>) src(%dma_wait3A_116 : memref<10240x64xf32, #tpu.memory_space<vmem_shared>>) dst(%arg11 : memref<125x64xf32, #tpu.memory_space<vmem>>)
    %run_scoped3A_117 = arith.constant 79 : i32
    "tpu.region"() ({
      %run_scoped3A_123 = tpu.sem_alloc : memref<!tpu.dma_semaphore, #tpu.memory_space<semaphore_mem>>
      %dma_start3A_124 = arith.constant 0 : i32
      %dma_start3A_125 = tpu.memref_slice %arg9[%run_scoped3A_117, %dma_start3A_124] : memref<80x125xi32, #tpu.memory_space<vmem>> -> memref<1x125xi32, #tpu.memory_space<vmem>>
      %dma_start3A_126 = tpu.memref_squeeze %dma_start3A_125 : memref<1x125xi32, #tpu.memory_space<vmem>> -> memref<125xi32, #tpu.memory_space<vmem>>
      %dma_start3A_127 = arith.constant 0 : i32
      %dma_start3A_128 = arith.constant 0 : i32
      %dma_start3A_129 = tpu.memref_slice %arg6[%dma_start3A_127, %dma_start3A_128] : memref<10240x64xf32, #tpu.memory_space<vmem_shared>> -> memref<10240x64xf32, #tpu.memory_space<vmem_shared>>
      tpu.enqueue_indirect_dma source(%arg11 : memref<125x64xf32, #tpu.memory_space<vmem>>) target(%dma_start3A_129 : memref<10240x64xf32, #tpu.memory_space<vmem_shared>>) offsets(%dma_start3A_126 : memref<125xi32, #tpu.memory_space<vmem>>) semaphore(%run_scoped3A_123 : memref<!tpu.dma_semaphore, #tpu.memory_space<semaphore_mem>>) {add = true}
      %dma_wait3A_130 = arith.constant 0 : i32
      %dma_wait3A_131 = tpu.memref_slice %arg9[%run_scoped3A_117, %dma_wait3A_130] : memref<80x125xi32, #tpu.memory_space<vmem>> -> memref<1x125xi32, #tpu.memory_space<vmem>>
      %dma_wait3A_132 = tpu.memref_squeeze %dma_wait3A_131 : memref<1x125xi32, #tpu.memory_space<vmem>> -> memref<125xi32, #tpu.memory_space<vmem>>
      %dma_wait3A_133 = arith.constant 0 : i32
      %dma_wait3A_134 = arith.constant 0 : i32
      %dma_wait3A_135 = tpu.memref_slice %arg6[%dma_wait3A_133, %dma_wait3A_134] : memref<10240x64xf32, #tpu.memory_space<vmem_shared>> -> memref<10240x64xf32, #tpu.memory_space<vmem_shared>>
      tpu.wait_indirect_dma semaphore(%run_scoped3A_123 : memref<!tpu.dma_semaphore, #tpu.memory_space<semaphore_mem>>) src(%arg11 : memref<125x64xf32, #tpu.memory_space<vmem>>) dst(%dma_wait3A_135 : memref<10240x64xf32, #tpu.memory_space<vmem_shared>>)
      tpu.yield
    }) : () -> ()
    %barrier3A_118 = arith.constant 0 : index
    tpu.barrier barrier_id(%barrier3A_118)
    %mul3A_119 = arith.constant 640 : i32
    %mul3A_120 = arith.muli %arg1, %mul3A_119 : i32
    %mul3A_121 = arith.constant 640 : i32
    %mul3A_122 = arith.muli %arg1, %mul3A_121 : i32
    "tpu.region"() ({
      %run_scoped3A_123 = tpu.sem_alloc : memref<!tpu.dma_semaphore, #tpu.memory_space<semaphore_mem>>
      %dma_start3A_124 = arith.constant 0 : i32
      %dma_start3A_125 = tpu.memref_slice %arg5[%arg0, %mul3A_122, %dma_start3A_124] : memref<2x10240x64xf32, #tpu.memory_space<hbm>> -> memref<1x640x64xf32, #tpu.memory_space<hbm>>
      %dma_start3A_126 = tpu.memref_squeeze %dma_start3A_125 : memref<1x640x64xf32, #tpu.memory_space<hbm>> -> memref<640x64xf32, #tpu.memory_space<hbm>>
      %dma_start3A_127 = arith.constant 0 : i32
      %dma_start3A_128 = tpu.memref_slice %arg6[%mul3A_120, %dma_start3A_127] : memref<10240x64xf32, #tpu.memory_space<vmem_shared>> -> memref<640x64xf32, #tpu.memory_space<vmem_shared>>
      tpu.enqueue_dma source(%dma_start3A_128 : memref<640x64xf32, #tpu.memory_space<vmem_shared>>) target(%dma_start3A_126 : memref<640x64xf32, #tpu.memory_space<hbm>>) target_semaphore(%run_scoped3A_123 : memref<!tpu.dma_semaphore, #tpu.memory_space<semaphore_mem>>)
      %dma_wait3A_129 = arith.constant 0 : i32
      %dma_wait3A_130 = tpu.memref_slice %arg5[%arg0, %mul3A_122, %dma_wait3A_129] : memref<2x10240x64xf32, #tpu.memory_space<hbm>> -> memref<1x640x64xf32, #tpu.memory_space<hbm>>
      %dma_wait3A_131 = tpu.memref_squeeze %dma_wait3A_130 : memref<1x640x64xf32, #tpu.memory_space<hbm>> -> memref<640x64xf32, #tpu.memory_space<hbm>>
      %dma_wait3A_132 = arith.constant 0 : i32
      %dma_wait3A_133 = tpu.memref_slice %arg6[%mul3A_120, %dma_wait3A_132] : memref<10240x64xf32, #tpu.memory_space<vmem_shared>> -> memref<640x64xf32, #tpu.memory_space<vmem_shared>>
      tpu.wait_dma2 semaphore(%run_scoped3A_123 : memref<!tpu.dma_semaphore, #tpu.memory_space<semaphore_mem>>) src(%dma_wait3A_133 : memref<640x64xf32, #tpu.memory_space<vmem_shared>>) dst(%dma_wait3A_131 : memref<640x64xf32, #tpu.memory_space<hbm>>)
      tpu.yield
    }) : () -> ()
    return
  }
}

module attributes {stable_mosaic.version = 14 : i64} {
  func.func @_mm_body(%arg0: i32, %arg1: memref<1024x256xf32, #tpu.memory_space<vmem>>, %arg2: memref<256x128xf32, #tpu.memory_space<vmem>>, %arg3: memref<1024x128xf32, #tpu.memory_space<vmem>>) attributes {dimension_semantics = [#tpu.dimension_semantics<arbitrary>], iteration_bounds = array<i64: 5>, scalar_prefetch = 0 : i64, scratch_operands = 0 : i64, tpu.core_type = #tpu.core_type<tc>, window_params = [{transform_indices = @transform_0, window_bounds = array<i64: 1024, 256>}, {pipeline_mode = #tpu.pipeline_mode<synchronous>, transform_indices = @transform_1, window_bounds = array<i64: 256, 128>}, {transform_indices = @transform_2, window_bounds = array<i64: 1024, 128>}]} {
    %get3A = arith.constant 0 : index
    %get3A_0 = arith.constant 0 : index
    %get3A_1 = vector.load %arg1[%get3A, %get3A_0] : memref<1024x256xf32, #tpu.memory_space<vmem>>, vector<1024x256xf32>
    %get3A_2 = arith.constant 0 : index
    %get3A_3 = arith.constant 0 : index
    %get3A_4 = vector.load %arg2[%get3A_2, %get3A_3] : memref<256x128xf32, #tpu.memory_space<vmem>>, vector<256x128xf32>
    %dot_general3A = arith.constant dense<0.000000e+00> : vector<1024x128xf32>
    %dot_general3A_5 = tpu.matmul %get3A_1, %get3A_4, %dot_general3A {dimension_numbers = #tpu.dot_dimension_numbers<[1], [0], [0], [1], [0, 0, 1, 1], [], []>, transpose_lhs_hint = false} : vector<1024x256xf32>, vector<256x128xf32>, vector<1024x128xf32> -> vector<1024x128xf32>
    %swap3A = arith.constant 0 : index
    %swap3A_6 = arith.constant 0 : index
    %swap3A_7 = vector.load %arg3[%swap3A, %swap3A_6] : memref<1024x128xf32, #tpu.memory_space<vmem>>, vector<1024x128xf32>
    tpu.vector_store %arg3[%swap3A, %swap3A_6], %dot_general3A_5 {strides = array<i32>} : memref<1024x128xf32, #tpu.memory_space<vmem>>, vector<1024x128xf32>,
    return
  }
  func.func @transform_0(%arg0: i32) -> (i32, i32) {
    %c0_i32 = arith.constant 0 : i32
    %c0_i32_0 = arith.constant 0 : i32
    return %arg0, %c0_i32 : i32, i32
  }
  func.func @transform_1(%arg0: i32) -> (i32, i32) {
    %c0_i32 = arith.constant 0 : i32
    %c0_i32_0 = arith.constant 0 : i32
    %c0_i32_1 = arith.constant 0 : i32
    return %c0_i32, %c0_i32_0 : i32, i32
  }
  func.func @transform_2(%arg0: i32) -> (i32, i32) {
    %c0_i32 = arith.constant 0 : i32
    %c0_i32_0 = arith.constant 0 : i32
    return %arg0, %c0_i32 : i32, i32
  }
}

module attributes {stable_mosaic.version = 14 : i64} {
  func.func @_dinv16_body(%arg0: i32, %arg1: memref<2x640x128xf32, #tpu.memory_space<vmem>>, %arg2: memref<640x128xf32, #tpu.memory_space<vmem>>) attributes {dimension_semantics = [#tpu.dimension_semantics<arbitrary>], iteration_bounds = array<i64: 2>, scalar_prefetch = 0 : i64, scratch_operands = 0 : i64, tpu.core_type = #tpu.core_type<tc>, window_params = [{transform_indices = @transform_0, window_bounds = array<i64: 2, 640, 128>}, {transform_indices = @transform_1, window_bounds = array<i64: 640, 128>}]} {
    %get3A = arith.constant 0 : index
    %get3A_0 = arith.constant 0 : index
    %get3A_1 = arith.constant 0 : index
    %get3A_2 = vector.load %arg1[%get3A, %get3A_0, %get3A_1] : memref<2x640x128xf32, #tpu.memory_space<vmem>>, vector<1x640x128xf32>
    %get3A_3 = vector.shape_cast %get3A_2 : vector<1x640x128xf32> to vector<640x128xf32>
    %get3A_4 = arith.constant 1 : index
    %get3A_5 = arith.constant 0 : index
    %get3A_6 = arith.constant 0 : index
    %get3A_7 = vector.load %arg1[%get3A_4, %get3A_5, %get3A_6] : memref<2x640x128xf32, #tpu.memory_space<vmem>>, vector<1x640x128xf32>
    %get3A_8 = vector.shape_cast %get3A_7 : vector<1x640x128xf32> to vector<640x128xf32>
    %add3A = arith.addf %get3A_3, %get3A_8 : vector<640x128xf32>
    %add3A_9 = arith.constant 1.000000e+00 : f32
    %add3A_10 = vector.broadcast %add3A_9 : f32 to vector<640x128xf32>
    %add3A_11 = arith.addf %add3A, %add3A_10 : vector<640x128xf32>
    %rsqrt3A = math.rsqrt %add3A_11 : vector<640x128xf32>
    %swap3A = arith.constant 0 : index
    %swap3A_12 = arith.constant 0 : index
    %swap3A_13 = vector.load %arg2[%swap3A, %swap3A_12] : memref<640x128xf32, #tpu.memory_space<vmem>>, vector<640x128xf32>
    tpu.vector_store %arg2[%swap3A, %swap3A_12], %rsqrt3A {strides = array<i32>} : memref<640x128xf32, #tpu.memory_space<vmem>>, vector<640x128xf32>,
    return
  }
  func.func @transform_0(%arg0: i32) -> (i32, i32, i32) {
    %c0_i32 = arith.constant 0 : i32
    %c0_i32_0 = arith.constant 0 : i32
    %c0_i32_1 = arith.constant 0 : i32
    return %c0_i32, %arg0, %c0_i32_0 : i32, i32, i32
  }
  func.func @transform_1(%arg0: i32) -> (i32, i32) {
    %c0_i32 = arith.constant 0 : i32
    %c0_i32_0 = arith.constant 0 : i32
    return %arg0, %c0_i32 : i32, i32
  }
}

module attributes {stable_mosaic.version = 14 : i64} {
  func.func @_scale_body(%arg0: i32, %arg1: memref<1024x32xf32, #tpu.memory_space<vmem>>, %arg2: memref<32x128xf32, #tpu.memory_space<vmem>>, %arg3: memref<1024x128xf32, #tpu.memory_space<vmem>>, %arg4: memref<1024x128xf32, #tpu.memory_space<vmem>>, %arg5: memref<1024x128xf32, #tpu.memory_space<vmem>>) attributes {dimension_semantics = [#tpu.dimension_semantics<arbitrary>], iteration_bounds = array<i64: 5>, scalar_prefetch = 0 : i64, scratch_operands = 0 : i64, tpu.core_type = #tpu.core_type<tc>, window_params = [{transform_indices = @transform_0, window_bounds = array<i64: 1024, 32>}, {pipeline_mode = #tpu.pipeline_mode<synchronous>, transform_indices = @transform_1, window_bounds = array<i64: 32, 128>}, {transform_indices = @transform_2, window_bounds = array<i64: 1024, 128>}, {transform_indices = @transform_3, window_bounds = array<i64: 1024, 128>}, {transform_indices = @transform_4, window_bounds = array<i64: 1024, 128>}]} {
    %get3A = arith.constant 0 : index
    %get3A_0 = arith.constant 0 : index
    %get3A_1 = vector.load %arg1[%get3A, %get3A_0] : memref<1024x32xf32, #tpu.memory_space<vmem>>, vector<1024x32xf32>
    %get3A_2 = arith.constant 0 : index
    %get3A_3 = arith.constant 0 : index
    %get3A_4 = vector.load %arg2[%get3A_2, %get3A_3] : memref<32x128xf32, #tpu.memory_space<vmem>>, vector<32x128xf32>
    %dot_general3A = arith.constant dense<0.000000e+00> : vector<1024x128xf32>
    %dot_general3A_5 = tpu.matmul %get3A_1, %get3A_4, %dot_general3A {dimension_numbers = #tpu.dot_dimension_numbers<[1], [0], [0], [1], [0, 0, 1, 1], [], []>, transpose_lhs_hint = false} : vector<1024x32xf32>, vector<32x128xf32>, vector<1024x128xf32> -> vector<1024x128xf32>
    %get3A_6 = arith.constant 0 : index
    %get3A_7 = arith.constant 0 : index
    %get3A_8 = vector.load %arg3[%get3A_6, %get3A_7] : memref<1024x128xf32, #tpu.memory_space<vmem>>, vector<1024x128xf32>
    %mul3A = arith.mulf %dot_general3A_5, %get3A_8 : vector<1024x128xf32>
    %swap3A = arith.constant 0 : index
    %swap3A_9 = arith.constant 0 : index
    %swap3A_10 = vector.load %arg4[%swap3A, %swap3A_9] : memref<1024x128xf32, #tpu.memory_space<vmem>>, vector<1024x128xf32>
    tpu.vector_store %arg4[%swap3A, %swap3A_9], %mul3A {strides = array<i32>} : memref<1024x128xf32, #tpu.memory_space<vmem>>, vector<1024x128xf32>,
    %swap3A_11 = arith.constant 0 : index
    %swap3A_12 = arith.constant 0 : index
    %swap3A_13 = vector.load %arg5[%swap3A_11, %swap3A_12] : memref<1024x128xf32, #tpu.memory_space<vmem>>, vector<1024x128xf32>
    tpu.vector_store %arg5[%swap3A_11, %swap3A_12], %dot_general3A_5 {strides = array<i32>} : memref<1024x128xf32, #tpu.memory_space<vmem>>, vector<1024x128xf32>,
    return
  }
  func.func @transform_0(%arg0: i32) -> (i32, i32) {
    %c0_i32 = arith.constant 0 : i32
    %c0_i32_0 = arith.constant 0 : i32
    return %arg0, %c0_i32 : i32, i32
  }
  func.func @transform_1(%arg0: i32) -> (i32, i32) {
    %c0_i32 = arith.constant 0 : i32
    %c0_i32_0 = arith.constant 0 : i32
    %c0_i32_1 = arith.constant 0 : i32
    return %c0_i32, %c0_i32_0 : i32, i32
  }
  func.func @transform_2(%arg0: i32) -> (i32, i32) {
    %c0_i32 = arith.constant 0 : i32
    %c0_i32_0 = arith.constant 0 : i32
    return %arg0, %c0_i32 : i32, i32
  }
  func.func @transform_3(%arg0: i32) -> (i32, i32) {
    %c0_i32 = arith.constant 0 : i32
    %c0_i32_0 = arith.constant 0 : i32
    return %arg0, %c0_i32 : i32, i32
  }
  func.func @transform_4(%arg0: i32) -> (i32, i32) {
    %c0_i32 = arith.constant 0 : i32
    %c0_i32_0 = arith.constant 0 : i32
    return %arg0, %c0_i32 : i32, i32
  }
}

module attributes {stable_mosaic.version = 14 : i64} {
  func.func @_next_body(%arg0: i32, %arg1: memref<2x1024x128xf32, #tpu.memory_space<vmem>>, %arg2: memref<1024x128xf32, #tpu.memory_space<vmem>>, %arg3: memref<1024x128xf32, #tpu.memory_space<vmem>>, %arg4: memref<1x128xf32, #tpu.memory_space<vmem>>, %arg5: memref<128x128xf32, #tpu.memory_space<vmem>>, %arg6: memref<1024x128xf32, #tpu.memory_space<vmem>>) attributes {dimension_semantics = [#tpu.dimension_semantics<arbitrary>], iteration_bounds = array<i64: 5>, scalar_prefetch = 0 : i64, scratch_operands = 0 : i64, tpu.core_type = #tpu.core_type<tc>, window_params = [{transform_indices = @transform_0, window_bounds = array<i64: 2, 1024, 128>}, {transform_indices = @transform_1, window_bounds = array<i64: 1024, 128>}, {transform_indices = @transform_2, window_bounds = array<i64: 1024, 128>}, {pipeline_mode = #tpu.pipeline_mode<synchronous>, transform_indices = @transform_3, window_bounds = array<i64: 1, 128>}, {pipeline_mode = #tpu.pipeline_mode<synchronous>, transform_indices = @transform_4, window_bounds = array<i64: 128, 128>}, {transform_indices = @transform_5, window_bounds = array<i64: 1024, 128>}]} {
    %get3A = arith.constant 0 : index
    %get3A_0 = arith.constant 0 : index
    %get3A_1 = arith.constant 0 : index
    %get3A_2 = vector.load %arg1[%get3A, %get3A_0, %get3A_1] : memref<2x1024x128xf32, #tpu.memory_space<vmem>>, vector<1x1024x128xf32>
    %get3A_3 = vector.shape_cast %get3A_2 : vector<1x1024x128xf32> to vector<1024x128xf32>
    %get3A_4 = arith.constant 1 : index
    %get3A_5 = arith.constant 0 : index
    %get3A_6 = arith.constant 0 : index
    %get3A_7 = vector.load %arg1[%get3A_4, %get3A_5, %get3A_6] : memref<2x1024x128xf32, #tpu.memory_space<vmem>>, vector<1x1024x128xf32>
    %get3A_8 = vector.shape_cast %get3A_7 : vector<1x1024x128xf32> to vector<1024x128xf32>
    %add3A = arith.addf %get3A_3, %get3A_8 : vector<1024x128xf32>
    %get3A_9 = arith.constant 0 : index
    %get3A_10 = arith.constant 0 : index
    %get3A_11 = vector.load %arg2[%get3A_9, %get3A_10] : memref<1024x128xf32, #tpu.memory_space<vmem>>, vector<1024x128xf32>
    %sub3A = arith.subf %add3A, %get3A_11 : vector<1024x128xf32>
    %get3A_12 = arith.constant 0 : index
    %get3A_13 = arith.constant 0 : index
    %get3A_14 = vector.load %arg3[%get3A_12, %get3A_13] : memref<1024x128xf32, #tpu.memory_space<vmem>>, vector<1024x128xf32>
    %mul3A = arith.mulf %get3A_14, %sub3A : vector<1024x128xf32>
    %get3A_15 = arith.constant 0 : index
    %get3A_16 = arith.constant 0 : index
    %get3A_17 = vector.load %arg4[%get3A_15, %get3A_16] : memref<1x128xf32, #tpu.memory_space<vmem>>, vector<1x128xf32>
    %add3A_18 = vector.broadcast %get3A_17 : vector<1x128xf32> to vector<1024x128xf32>
    %add3A_19 = arith.addf %mul3A, %add3A_18 : vector<1024x128xf32>
    %max3A = arith.constant 0.000000e+00 : f32
    %max3A_20 = vector.broadcast %max3A : f32 to vector<1024x128xf32>
    %max3A_21 = arith.maximumf %add3A_19, %max3A_20 : vector<1024x128xf32>
    %get3A_22 = arith.constant 0 : index
    %get3A_23 = arith.constant 0 : index
    %get3A_24 = vector.load %arg3[%get3A_22, %get3A_23] : memref<1024x128xf32, #tpu.memory_space<vmem>>, vector<1024x128xf32>
    %get3A_25 = arith.constant 0 : index
    %get3A_26 = arith.constant 0 : index
    %get3A_27 = vector.load %arg5[%get3A_25, %get3A_26] : memref<128x128xf32, #tpu.memory_space<vmem>>, vector<128x128xf32>
    %dot_general3A = arith.constant dense<0.000000e+00> : vector<1024x128xf32>
    %dot_general3A_28 = tpu.matmul %max3A_21, %get3A_27, %dot_general3A {dimension_numbers = #tpu.dot_dimension_numbers<[1], [0], [0], [1], [0, 0, 1, 1], [], []>, transpose_lhs_hint = false} : vector<1024x128xf32>, vector<128x128xf32>, vector<1024x128xf32> -> vector<1024x128xf32>
    %mul3A_29 = arith.mulf %get3A_24, %dot_general3A_28 : vector<1024x128xf32>
    %swap3A = arith.constant 0 : index
    %swap3A_30 = arith.constant 0 : index
    %swap3A_31 = vector.load %arg6[%swap3A, %swap3A_30] : memref<1024x128xf32, #tpu.memory_space<vmem>>, vector<1024x128xf32>
    tpu.vector_store %arg6[%swap3A, %swap3A_30], %mul3A_29 {strides = array<i32>} : memref<1024x128xf32, #tpu.memory_space<vmem>>, vector<1024x128xf32>,
    return
  }
  func.func @transform_0(%arg0: i32) -> (i32, i32, i32) {
    %c0_i32 = arith.constant 0 : i32
    %c0_i32_0 = arith.constant 0 : i32
    %c0_i32_1 = arith.constant 0 : i32
    return %c0_i32, %arg0, %c0_i32_0 : i32, i32, i32
  }
  func.func @transform_1(%arg0: i32) -> (i32, i32) {
    %c0_i32 = arith.constant 0 : i32
    %c0_i32_0 = arith.constant 0 : i32
    return %arg0, %c0_i32 : i32, i32
  }
  func.func @transform_2(%arg0: i32) -> (i32, i32) {
    %c0_i32 = arith.constant 0 : i32
    %c0_i32_0 = arith.constant 0 : i32
    return %arg0, %c0_i32 : i32, i32
  }
  func.func @transform_3(%arg0: i32) -> (i32, i32) {
    %c0_i32 = arith.constant 0 : i32
    %c0_i32_0 = arith.constant 0 : i32
    %c0_i32_1 = arith.constant 0 : i32
    return %c0_i32, %c0_i32_0 : i32, i32
  }
  func.func @transform_4(%arg0: i32) -> (i32, i32) {
    %c0_i32 = arith.constant 0 : i32
    %c0_i32_0 = arith.constant 0 : i32
    %c0_i32_1 = arith.constant 0 : i32
    return %c0_i32, %c0_i32_0 : i32, i32
  }
  func.func @transform_5(%arg0: i32) -> (i32, i32) {
    %c0_i32 = arith.constant 0 : i32
    %c0_i32_0 = arith.constant 0 : i32
    return %arg0, %c0_i32 : i32, i32
  }
}

module attributes {stable_mosaic.version = 14 : i64} {
  func.func @_final_body(%arg0: i32, %arg1: memref<2x1000x128xf32, #tpu.memory_space<vmem>>, %arg2: memref<1000x128xf32, #tpu.memory_space<vmem>>, %arg3: memref<1000x128xf32, #tpu.memory_space<vmem>>, %arg4: memref<1x128xf32, #tpu.memory_space<vmem>>, %arg5: memref<128x4xf32, #tpu.memory_space<vmem>>, %arg6: memref<1x4xf32, #tpu.memory_space<vmem>>, %arg7: memref<1000x4xf32, #tpu.memory_space<vmem>>) attributes {dimension_semantics = [#tpu.dimension_semantics<arbitrary>], iteration_bounds = array<i64: 5>, scalar_prefetch = 0 : i64, scratch_operands = 0 : i64, tpu.core_type = #tpu.core_type<tc>, window_params = [{transform_indices = @transform_0, window_bounds = array<i64: 2, 1000, 128>}, {transform_indices = @transform_1, window_bounds = array<i64: 1000, 128>}, {transform_indices = @transform_2, window_bounds = array<i64: 1000, 128>}, {pipeline_mode = #tpu.pipeline_mode<synchronous>, transform_indices = @transform_3, window_bounds = array<i64: 1, 128>}, {pipeline_mode = #tpu.pipeline_mode<synchronous>, transform_indices = @transform_4, window_bounds = array<i64: 128, 4>}, {pipeline_mode = #tpu.pipeline_mode<synchronous>, transform_indices = @transform_5, window_bounds = array<i64: 1, 4>}, {transform_indices = @transform_6, window_bounds = array<i64: 1000, 4>}]} {
    %get3A = arith.constant 0 : index
    %get3A_0 = arith.constant 0 : index
    %get3A_1 = arith.constant 0 : index
    %get3A_2 = vector.load %arg1[%get3A, %get3A_0, %get3A_1] : memref<2x1000x128xf32, #tpu.memory_space<vmem>>, vector<1x1000x128xf32>
    %get3A_3 = vector.shape_cast %get3A_2 : vector<1x1000x128xf32> to vector<1000x128xf32>
    %get3A_4 = arith.constant 1 : index
    %get3A_5 = arith.constant 0 : index
    %get3A_6 = arith.constant 0 : index
    %get3A_7 = vector.load %arg1[%get3A_4, %get3A_5, %get3A_6] : memref<2x1000x128xf32, #tpu.memory_space<vmem>>, vector<1x1000x128xf32>
    %get3A_8 = vector.shape_cast %get3A_7 : vector<1x1000x128xf32> to vector<1000x128xf32>
    %add3A = arith.addf %get3A_3, %get3A_8 : vector<1000x128xf32>
    %get3A_9 = arith.constant 0 : index
    %get3A_10 = arith.constant 0 : index
    %get3A_11 = vector.load %arg2[%get3A_9, %get3A_10] : memref<1000x128xf32, #tpu.memory_space<vmem>>, vector<1000x128xf32>
    %sub3A = arith.subf %add3A, %get3A_11 : vector<1000x128xf32>
    %get3A_12 = arith.constant 0 : index
    %get3A_13 = arith.constant 0 : index
    %get3A_14 = vector.load %arg3[%get3A_12, %get3A_13] : memref<1000x128xf32, #tpu.memory_space<vmem>>, vector<1000x128xf32>
    %mul3A = arith.mulf %get3A_14, %sub3A : vector<1000x128xf32>
    %get3A_15 = arith.constant 0 : index
    %get3A_16 = arith.constant 0 : index
    %get3A_17 = vector.load %arg4[%get3A_15, %get3A_16] : memref<1x128xf32, #tpu.memory_space<vmem>>, vector<1x128xf32>
    %add3A_18 = vector.broadcast %get3A_17 : vector<1x128xf32> to vector<1000x128xf32>
    %add3A_19 = arith.addf %mul3A, %add3A_18 : vector<1000x128xf32>
    %max3A = arith.constant 0.000000e+00 : f32
    %max3A_20 = vector.broadcast %max3A : f32 to vector<1000x128xf32>
    %max3A_21 = arith.maximumf %add3A_19, %max3A_20 : vector<1000x128xf32>
    %get3A_22 = arith.constant 0 : index
    %get3A_23 = arith.constant 0 : index
    %get3A_24 = vector.load %arg5[%get3A_22, %get3A_23] : memref<128x4xf32, #tpu.memory_space<vmem>>, vector<128x4xf32>
    %dot_general3A = arith.constant dense<0.000000e+00> : vector<1000x4xf32>
    %dot_general3A_25 = tpu.matmul %max3A_21, %get3A_24, %dot_general3A {dimension_numbers = #tpu.dot_dimension_numbers<[1], [0], [0], [1], [0, 0, 1, 1], [], []>, transpose_lhs_hint = false} : vector<1000x128xf32>, vector<128x4xf32>, vector<1000x4xf32> -> vector<1000x4xf32>
    %get3A_26 = arith.constant 0 : index
    %get3A_27 = arith.constant 0 : index
    %get3A_28 = vector.load %arg6[%get3A_26, %get3A_27] : memref<1x4xf32, #tpu.memory_space<vmem>>, vector<1x4xf32>
    %add3A_29 = vector.broadcast %get3A_28 : vector<1x4xf32> to vector<1000x4xf32>
    %add3A_30 = arith.addf %dot_general3A_25, %add3A_29 : vector<1000x4xf32>
    %slice3A = vector.extract_strided_slice %add3A_30 {offsets = [0, 0], sizes = [1000, 2], strides = [1, 1]} : vector<1000x4xf32> to vector<1000x2xf32>
    %reduce_max3A = arith.constant dense<0xFF800000> : vector<1000xf32>
    %reduce_max3A_31 = vector.multi_reduction <maximumf>, %slice3A, %reduce_max3A [1] : vector<1000x2xf32> to vector<1000xf32>
    %broadcast_in_dim3A = vector.shape_cast %reduce_max3A_31 : vector<1000xf32> to vector<1000x1xf32>
    %sub3A_32 = vector.broadcast %broadcast_in_dim3A : vector<1000x1xf32> to vector<1000x2xf32>
    %sub3A_33 = arith.subf %slice3A, %sub3A_32 : vector<1000x2xf32>
    %exp3A = math.exp %sub3A_33 : vector<1000x2xf32>
    %reduce_sum3A = arith.constant dense<0.000000e+00> : vector<1000xf32>
    %reduce_sum3A_34 = vector.multi_reduction <add>, %exp3A, %reduce_sum3A [1] : vector<1000x2xf32> to vector<1000xf32>
    %broadcast_in_dim3A_35 = vector.shape_cast %reduce_sum3A_34 : vector<1000xf32> to vector<1000x1xf32>
    %log3A = math.log %broadcast_in_dim3A_35 : vector<1000x1xf32>
    %add3A_36 = arith.addf %broadcast_in_dim3A, %log3A : vector<1000x1xf32>
    %sub3A_37 = vector.broadcast %add3A_36 : vector<1000x1xf32> to vector<1000x2xf32>
    %sub3A_38 = arith.subf %slice3A, %sub3A_37 : vector<1000x2xf32>
    %slice3A_39 = vector.extract_strided_slice %add3A_30 {offsets = [0, 2], sizes = [1000, 2], strides = [1, 1]} : vector<1000x4xf32> to vector<1000x2xf32>
    %reduce_max3A_40 = arith.constant dense<0xFF800000> : vector<1000xf32>
    %reduce_max3A_41 = vector.multi_reduction <maximumf>, %slice3A_39, %reduce_max3A_40 [1] : vector<1000x2xf32> to vector<1000xf32>
    %broadcast_in_dim3A_42 = vector.shape_cast %reduce_max3A_41 : vector<1000xf32> to vector<1000x1xf32>
    %sub3A_43 = vector.broadcast %broadcast_in_dim3A_42 : vector<1000x1xf32> to vector<1000x2xf32>
    %sub3A_44 = arith.subf %slice3A_39, %sub3A_43 : vector<1000x2xf32>
    %exp3A_45 = math.exp %sub3A_44 : vector<1000x2xf32>
    %reduce_sum3A_46 = arith.constant dense<0.000000e+00> : vector<1000xf32>
    %reduce_sum3A_47 = vector.multi_reduction <add>, %exp3A_45, %reduce_sum3A_46 [1] : vector<1000x2xf32> to vector<1000xf32>
    %broadcast_in_dim3A_48 = vector.shape_cast %reduce_sum3A_47 : vector<1000xf32> to vector<1000x1xf32>
    %log3A_49 = math.log %broadcast_in_dim3A_48 : vector<1000x1xf32>
    %add3A_50 = arith.addf %broadcast_in_dim3A_42, %log3A_49 : vector<1000x1xf32>
    %sub3A_51 = vector.broadcast %add3A_50 : vector<1000x1xf32> to vector<1000x2xf32>
    %sub3A_52 = arith.subf %slice3A_39, %sub3A_51 : vector<1000x2xf32>
    %concatenate3A = tpu.concatenate %sub3A_38, %sub3A_52 in 1 : vector<1000x2xf32>, vector<1000x2xf32> -> vector<1000x4xf32>
    %swap3A = arith.constant 0 : index
    %swap3A_53 = arith.constant 0 : index
    %swap3A_54 = vector.load %arg7[%swap3A, %swap3A_53] : memref<1000x4xf32, #tpu.memory_space<vmem>>, vector<1000x4xf32>
    tpu.vector_store %arg7[%swap3A, %swap3A_53], %concatenate3A {strides = array<i32>} : memref<1000x4xf32, #tpu.memory_space<vmem>>, vector<1000x4xf32>,
    return
  }
  func.func @transform_0(%arg0: i32) -> (i32, i32, i32) {
    %c0_i32 = arith.constant 0 : i32
    %c0_i32_0 = arith.constant 0 : i32
    %c0_i32_1 = arith.constant 0 : i32
    return %c0_i32, %arg0, %c0_i32_0 : i32, i32, i32
  }
  func.func @transform_1(%arg0: i32) -> (i32, i32) {
    %c0_i32 = arith.constant 0 : i32
    %c0_i32_0 = arith.constant 0 : i32
    return %arg0, %c0_i32 : i32, i32
  }
  func.func @transform_2(%arg0: i32) -> (i32, i32) {
    %c0_i32 = arith.constant 0 : i32
    %c0_i32_0 = arith.constant 0 : i32
    return %arg0, %c0_i32 : i32, i32
  }
  func.func @transform_3(%arg0: i32) -> (i32, i32) {
    %c0_i32 = arith.constant 0 : i32
    %c0_i32_0 = arith.constant 0 : i32
    %c0_i32_1 = arith.constant 0 : i32
    return %c0_i32, %c0_i32_0 : i32, i32
  }
  func.func @transform_4(%arg0: i32) -> (i32, i32) {
    %c0_i32 = arith.constant 0 : i32
    %c0_i32_0 = arith.constant 0 : i32
    %c0_i32_1 = arith.constant 0 : i32
    return %c0_i32, %c0_i32_0 : i32, i32
  }
  func.func @transform_5(%arg0: i32) -> (i32, i32) {
    %c0_i32 = arith.constant 0 : i32
    %c0_i32_0 = arith.constant 0 : i32
    %c0_i32_1 = arith.constant 0 : i32
    return %c0_i32, %c0_i32_0 : i32, i32
  }
  func.func @transform_6(%arg0: i32) -> (i32, i32) {
    %c0_i32 = arith.constant 0 : i32
    %c0_i32_0 = arith.constant 0 : i32
    return %arg0, %c0_i32 : i32, i32
  }
}

</mosaic_0001>

<sc_bundles>
// kernel: kernel.12.cloned.1.call-start
scs
__scs_entry_jumppad:
0x0: {  	(pc) =	sbr.rel $0x88, $3  }
0x1: {  	(tag) =	ssettag $0x0;
	lr =	simm.s32 $0x1  }
0x2: {  	[smem:$0x3F97] =	sst lr;
	_ =	strace $0xD0000000  }
0x3: {  	_ = 	snop  }
0x4: {  	_ = 	snop  }
0x5: {  	_ = 	snop  }
0x6: {  	_ = 	snop  }
0x7: {  	_ = 	snop  }
__scs_overlays_trampoline_lowered:
0x8: {  	[smem:$0x3FA6] =	sst s0  }
0x9: {  	[smem:$0x3FA7] =	sst s1  }
0xa: {  	[smem:$0x3FA8] =	sst s2  }
0xb: {  	[smem:$0x3FA9] =	sst s3  }
0xc: {  	[smem:$0x3FAA] =	sst s4  }
0xd: {  	[smem:$0x3FAB] =	sst s5  }
0xe: {  	[smem:$0x3FAC] =	sst s6  }
0xf: {  	[smem:$0x3FAD] =	sst s7  }
0x10: {  	[smem:$0x3FAE] =	sst s8  }
0x11: {  	[smem:$0x3FAF] =	sst s9;
	s0 =	simm.s32 @!p0 $0x0  }
0x12: {  	s1 =	sld [smem:$0x3F95];
	s0 =	simm.s32 @p0 $0x1  }
0x13: {  	[smem:$0x3FB0] =	sst s0;
	s0 =	simm.s32 @!p1 $0x0  }
0x14: {  	s2 =	sld [smem:$0x3F94];
	s0 =	simm.s32 @p1 $0x1  }
0x15: {  	[smem:$0x3FB1] =	sst s0;
	s0 =	simm.s32 @!p2 $0x0  }
0x16: {  	s3 =	sld [smem:$0x3FDB];
	s0 =	simm.s32 @p2 $0x1  }
0x17: {  	s4 =	simm.s32 $0x1BF5;
	[smem:$0x3FB3] =	sst s0  }
0x18: {  	s0 =	sld [smem:$0x3F96];
	_ =	swait.ge [sflag:s4], $0x0  }
0x19: {  	s7 =	sld [smem:$0x3F97]  }
0x1a: {  	s8 =	sadd.s32 $0xFFFFE003, lr  }
0x1b: {  	s9 =	sadd.s32 $0xFFFFFEF7, lr;
	s5 =	simm.s32 $0xFFFFFFFF;
	p2 =	slt.u32 s8, $0xFFFFF086  }
0x1c: {  	p1 =	slt.u32 s9, $0xF7A;
	s5 =	simm.s32 @!p2 $0x0  }
0x1d: {  	s5 =	simm.s32 @p1 $0x1;
	p0 =	seq.s32 s7, s2  }
0x1e: {  	s7 =	smul.u32 @!p0 $0xF7A, s2;
	p2 =	seq.s32 @!p0 s5, $0x0  }
0x1f: {  	s9 =	smul.u32 $0xF7A, s1;
	s8 =	simm.s32 @!p0 $0x1BF5;
	p2 =	por !p2, p0  }
0x20: {  	[sflag:s8] =	ssyncset.s32 @!p0 $0xFFFFF086;
	s6 =	sadd.s32 @!p0 s3, s7;
	s7 =	simm.s32 @!p0 $0x108  }
0x21: {  	s3 =	sadd.s32 s3, s9;
	s6 =	sadd.s32 @!p0 $0x88, s6;
	s7 =	simm.s32 @p2 $0x1082  }
0x22: {  	[simem:s7], [sflag:s8] =	dma.local @!p0 [hbm:s6], $0xF7A  }
0x23: {  	s9 =	sor.u32 $0xD0000000, s2;
	s6 =	simm.s32 $0x108;
	_ =	swait.ge @!p0 [sflag:s8], $0x0  }
0x24: {  	s3 =	sadd.s32 $0x88, s3;
	s6 =	simm.s32 @!p1 $0x1082;
	[sflag:s4] =	ssyncset.s32 $0xFFFFF086  }
0x25: {  	[simem:s6], [sflag:s4] =	dma.local [hbm:s3], $0xF7A  }
0x26: {  	[smem:$0x3F97] =	sst s1;
	(tag) =	ssettag s2;
	_ =	strace s9  }
0x27: {  	s1 =	sld [smem:$0x3FA7]  }
0x28: {  	s2 =	sld [smem:$0x3FA8]  }
0x29: {  	s4 =	sld [smem:$0x3FAA]  }
0x2a: {  	p0 =	seq.s32 s5, $0x0;
	s5 =	sld [smem:$0x3FAB]  }
0x2b: {  	s6 =	sld [smem:$0x3FAC]  }
0x2c: {  	s7 =	sld [smem:$0x3FAD]  }
0x2d: {  	s3 =	simm.s32 $0x108;
	s8 =	sld [smem:$0x3FAE]  }
0x2e: {  	s3 =	simm.s32 @!p0 $0x1082;
	s9 =	sld [smem:$0x3FAF]  }
0x2f: {  	lr =	sadd.s32 s0, s3;
	s0 =	sld [smem:$0x3FA6]  }
0x30: {  	s3 =	sld [smem:$0x3FA9]  }
0x31: {  	[smem:$0x3FB2] =	sst s10  }
0x32: {  	s10 =	sld [smem:$0x3FB0];
	_ =	sdelay $0x3  }
0x33: {  	p0 =	seq.s32 s10, $0x1;
	s10 =	sld [smem:$0x3FB2];
	_ =	sdelay $0x3  }
0x34: {  	[smem:$0x3FB2] =	sst s10  }
0x35: {  	s10 =	sld [smem:$0x3FB1];
	_ =	sdelay $0x3  }
0x36: {  	p1 =	seq.s32 s10, $0x1;
	s10 =	sld [smem:$0x3FB2];
	_ =	sdelay $0x3  }
0x37: {  	[smem:$0x3FB2] =	sst s10  }
0x38: {  	s10 =	sld [smem:$0x3FB3]  }
0x39: {  	_ = 	snop;
	(pc) =	sbr.ind lr, $3  }
0x3a: {  	_ = 	snop  }
0x3b: {  	_ = 	snop  }
0x3c: {  	p2 =	seq.s32 s10, $0x1;
	s10 =	sld [smem:$0x3FB2]  }
0x3d: {  	_ =	shalt  }
0x3e: {  	_ =	shalt  }
0x3f: {  	_ =	shalt  }
0x40: {  	_ =	shalt  }
0x41: {  	_ =	shalt  }
0x42: {  	_ =	shalt  }
0x43: {  	_ =	shalt  }
0x44: {  	_ =	shalt  }
0x45: {  	_ =	shalt  }
0x46: {  	_ =	shalt  }
0x47: {  	_ =	shalt  }
0x48: {  	_ =	shalt  }
0x49: {  	_ =	shalt  }
0x4a: {  	_ =	shalt  }
0x4b: {  	_ =	shalt  }
0x4c: {  	_ =	shalt  }
0x4d: {  	_ =	shalt  }
0x4e: {  	_ =	shalt  }
0x4f: {  	_ =	shalt  }
0x50: {  	_ =	shalt  }
0x51: {  	_ =	shalt  }
0x52: {  	_ =	shalt  }
0x53: {  	_ =	shalt  }
0x54: {  	_ =	shalt  }
0x55: {  	_ =	shalt  }
0x56: {  	_ =	shalt  }
0x57: {  	_ =	shalt  }
0x58: {  	_ =	shalt  }
0x59: {  	_ =	shalt  }
0x5a: {  	_ =	shalt  }
0x5b: {  	_ =	shalt  }
0x5c: {  	_ =	shalt  }
0x5d: {  	_ =	shalt  }
0x5e: {  	_ =	shalt  }
0x5f: {  	_ =	shalt  }
0x60: {  	_ =	shalt  }
0x61: {  	_ =	shalt  }
0x62: {  	_ =	shalt  }
0x63: {  	_ =	shalt  }
0x64: {  	_ =	shalt  }
0x65: {  	_ =	shalt  }
0x66: {  	_ =	shalt  }
0x67: {  	_ =	shalt  }
0x68: {  	_ =	shalt  }
0x69: {  	_ =	shalt  }
0x6a: {  	_ =	shalt  }
0x6b: {  	_ =	shalt  }
0x6c: {  	_ =	shalt  }
0x6d: {  	_ =	shalt  }
0x6e: {  	_ =	shalt  }
0x6f: {  	_ =	shalt  }
0x70: {  	_ =	shalt  }
0x71: {  	_ =	shalt  }
0x72: {  	_ =	shalt  }
0x73: {  	_ =	shalt  }
0x74: {  	_ =	shalt  }
0x75: {  	_ =	shalt  }
0x76: {  	_ =	shalt  }
0x77: {  	_ =	shalt  }
0x78: {  	_ =	shalt  }
0x79: {  	_ =	shalt  }
0x7a: {  	_ =	shalt  }
0x7b: {  	_ =	shalt  }
0x7c: {  	_ =	shalt  }
0x7d: {  	_ =	shalt  }
0x7e: {  	_ =	shalt  }
0x7f: {  	_ =	shalt  }
0x80: {  	_ =	shalt  }
0x81: {  	_ =	shalt  }
0x82: {  	_ =	shalt  }
0x83: {  	_ =	shalt  }
0x84: {  	_ =	shalt  }
0x85: {  	_ =	shalt  }
0x86: {  	_ =	shalt  }
0x87: {  	_ =	shalt  }
.Lfunc_end0:
.L_simem_size_0:
called_computation_lowered:
.L_overlay_start_0:
0x88: {  	s2 =	sld [smem:$0x3FD9]  }
0x89: {  	s3 =	sld [smem:$0x3FFE];
	_ =	sdelay $0x1  }
0x8a: {  	s1 =	srdreg.scid  }
0x8b: {  	s0 =	sand.u32 $0x1, s1  }
0x8c: {  	s17 =	sshll.u32 s0, $0xA;
	s2 =	sadd.s32 s3, s2  }
0x8d: {  	s2 =	sadd.s32 s2, s17  }
0x8e: {  	[smem:$0x3FBE] =	sst s2  }
0x8f: {  	_ = 	snop  }
0x90: {  	s2 =	sld [smem:$0x3FD0];
	(tm) =	ssettm $0x1  }
0x91: {  	s18 =	sld [smem:$0x3FFB];
	_ =	sdelay $0x3  }
0x92: {  	_ =	strace s18  }
0x93: {  	s3 =	sld [smem:$0x3FFC];
	_ =	sdelay $0x3  }
0x94: {  	_ =	strace s3  }
0x95: {  	s3 =	sld [smem:$0x3FFD];
	_ =	sdelay $0x3  }
0x96: {  	_ =	strace s3  }
0x97: {  	_ =	strace $0x8FFFFFFF  }
0x98: {  	s19 =	sld [smem:$0x3FDB];
	_ =	sdelay $0x1  }
0x99: {  	s4 =	simm.s32 $_scs_section_size  }
0x9a: {  	s5 =	simm.s32 $_size__tile_overlayer_lowered;
	s6 =	simm.s32 $_tile_overlayer_lowered  }
0x9b: {  	s22 =	simm.s32 $0x1BFF;
	s21 =	sshll.u32 s6, $0x1;
	s3 =	sadd.s32 s4, s19  }
0x9c: {  	s7 =	simm.s32 $0x0;
	s20 =	sshll.u32 s5, $0x1;
	s5 =	sadd.s32 s21, s3  }
0x9d: {  	[timem:s7], [sflag:s22] =	dma.local [hbm:s5], s20  }
0x9e: {  	_ =	swait.ge [sflag:s22], s20  }
0x9f: {  	s4 =	ssub.s32 $0x0, s20;
	[sflag:s22] =	ssyncset.done $0x0  }
0xa0: {  	[sflag:s22] =	ssyncadd.s32 s4;
	_ =	sdelay $0x1  }
0xa1: {  	s23 =	simm.s32 $0x1B8B  }
0xa2: {  	_ =	swait.ge [sflag:s23], $0x1  }
0xa3: {  	[sflag:s23] =	ssyncset.done $0x0  }
0xa4: {  	s25 =	simm.s32 $0x1B8E;
	s24 =	sld [smem:$0x3FFE];
	[sflag:s23] =	ssyncadd.s32 $0xFFFFFFFF  }
0xa5: {  	s26 =	simm.s32 $execute0_lowered;
	[smem:$0x3FD2] =	sst s25  }
0xa6: {  	s5 =	sshll.u32 s26, $0x1;
	_ =	strace $0x80000046;
	[dreg:$0x1] =	wrdreg $0xFFFFFFFF  }
0xa7: {  	s28 =	simm.s32 $_size_execute0_lowered;
	s3 =	sadd.s32 s3, s5;
	[dreg:$0x0] =	wrdreg $0x0  }
0xa8: {  	s5 =	sshll.u32 s28, $0x1;
	[dreg:$0x2] =	wrdreg s3  }
0xa9: {  	[dreg:$0x3] =	wrdreg s5  }
0xaa: {  	[dreg:$0x4] =	wrdreg $0xC0  }
0xab: {  	_ =	task [dreg:s7], $0x5FFFF  }
0xac: {  	[dreg:$0x1] =	wrdreg $0xFFFFFFFF  }
0xad: {  	[dreg:$0x0] =	wrdreg $0x60  }
0xae: {  	[dreg:$0x2] =	wrdreg s2  }
0xaf: {  	[dreg:$0x3] =	wrdreg s24  }
0xb0: {  	[dreg:$0x4] =	wrdreg $0x0  }
0xb1: {  	[dreg:$0x5] =	wrdreg $0x9  }
0xb2: {  	_ =	task.clear_ibuf [dreg:s7], $0x6FFFF;
	_ =	strace $0x90000046  }
0xb3: {  	s29 =	simm.s32 $0x9;
	_ =	strace $0x80000048  }
0xb4: {  	_ =	swait.ge [sflag:s29], $0x1  }
0xb5: {  	[sflag:s29] =	ssyncadd.s32 $0xFFFFFFFF  }
0xb6: {  	_ =	strace $0x90000048  }
0xb7: {  	_ =	sfence  }
0xb8: {  	s30 =	sld [smem:$0x0];
	_ =	sdelay $0x2  }
0xb9: {  	s31 =	sshll.u32 s1, $0xD;
	s1 =	sshrl.u32 s1, $0x2  }
0xba: {  	s3 =	sand.u32 $0x4000, s31;
	s1 =	sadd.s32 s1, s30  }
0xbb: {  	s0 =	sor.u32 s3, s0;
	s1 =	sshll.u32 s1, $0x11  }
0xbc: {  	s0 =	sor.u32 s1, s0  }
0xbd: {  	s0 =	sadd.s32 $0x8F2B, s0  }
0xbe: {  	[sflag:s0] =	ssyncadd.remote.s32 $0x1  }
0xbf: {  	_ =	sfence.sel $0xFFFF  }
0xc0: {  	[dreg:$0x0] =	wrdreg $0xFFFFFFFF;
	(pc) =	sbr.abs _section_cstart, $3  }
0xc1: {  	[dreg:$0x1] =	wrdreg $0xFFFFFFFF  }
0xc2: {  	_ =	task.clear_ibuf [dreg:s7], $0x2FFFF;
	_ =	strace $0x9FFFFFFF  }
0xc3: {  	(tm) =	ssettm $0x7FFFFFFF  }
tec
execute0_lowered:
.L_overlay_start_1:
0x0: {  	(tag) =	ssettag $0x1  }
0x1: {  	s2 =	rddreg [dreg:$0x0]  }
0x2: {  	s5 =	rddreg [dreg:$0x1]  }
0x3: {  	s3 =	rddreg [dreg:$0x2]  }
0x4: {  	s0 =	rddreg [dreg:$0x3];
	s1 =	stileid.u32  }
0x5: {  	s6 =	srdreg.scid;
	s4 =	simm.s32 $0x0;
	s13 =	simm.s32 $0x2800  }
0x6: {  	s14 =	simm.s32 $0x7D;
	s15 =	simm.s32 $0x1;
	s16 =	simm.s32 $0x0  }
0x7: {  	s7 =	smul.u32 $0x2800, s1;
	s6 =	sand.u32 $0x1, s6;
	[smem:$0x7FF] =	sst s4  }
0x8: {  	s8 =	sshll.u32 s1, $0x1;
	s31 =	sshll.u32 s1, $0x6;
	s9 =	smul.u32 $0x28000, s6  }
0x9: {  	_ =	strace $0x80000047;
	s8 =	sor.u32 s6, s8;
	s6 =	ssub.s32 $0x2, s6  }
0xa: {  	s10 =	sshrl.u32 s7, $0x3;
	s8 =	smul.u32 $0x500, s8;
	s30 =	sshrl.u32 s6, $0x1  }
0xb: {  	s12 =	sadd.s32 s7, s3;
	s9 =	sadd.s32 s7, s9;
	s10 =	sadd.s32 s10, s5  }
0xc: {  	s11 =	ssub.s32 s6, s30;
	s12 =	sshrl.u32 s12, $0x3;
	s9 =	sshrl.u32 s9, $0x3  }
0xd: {  	s8 =	sadd.s32 s8, s5;
	s6 =	sadd.s32 $0xD600, s10;
	s10 =	simm.s32 $0x2  }
0xe: {  	s9 =	sadd.s32 s9, s5;
	s5 =	sadd.s32 $0x3600, s8;
	s8 =	smax.u32 s11, $0x1  }
0xf: {  	s11 =	sor.u32 $0x1C02, s31;
	s7 =	sadd.s32 $0x12600, s9;
	s9 =	simm.s32 $0x2FD0  }
.LBB2_1:
0x10: {  	[tilespmem:s9], [sflag:$0x2] =	stream.linear.gather [hbm4b:s5+s4], $0x2800, $0x38;
	[tilespmem:$0x57D0] =	vst v63  }
0x11: {  	_ =	swait.ge [sflag:s10], $0x2800  }
0x12: {  	[sflag:s10] =	ssyncset.done $0x0  }
0x13: {  	[sflag:s10] =	ssyncadd.s32 $0xFFFFD800  }
0x14: {  	[spmem:s12], [sflag:s11] =	dma.local [hbm:s6], $0x500  }
0x15: {  	_ =	swait.ge [sflag:s10], $0x500  }
0x16: {  	[sflag:s10] =	ssyncset.done $0x0  }
0x17: {  	[sflag:s10] =	ssyncadd.s32 $0xFFFFFB00  }
0x18: {  	[tilespmem:s13], [sflag:$0x2] =	stream.linear.gather [hbm4b:s2+s4], $0x7D0, $0x38;
	[tilespmem:$0x57D0] =	vst v63  }
0x19: {  	_ =	swait.ge [sflag:s10], $0x7D0  }
0x1a: {  	[sflag:s10] =	ssyncset.done $0x0  }
0x1b: {  	[sflag:s10] =	ssyncadd.s32 $0xFFFFF830  }
0x1c: {  	s17 =	simm.s32 $0x0;
	[bflag:$0x0] =	sbarrier.arrive $0xFFFF  }
.LBB2_2:
0x1d: {  	p0 =	sne.s32 s17, $0x9E00  }
.Ltmp0:
0x1e: {  	_ = 	snop;
	(pc) =	sbr.rel @p0 .LBB2_2-.Ltmp0, $4  }
0x1f: {  	_ = 	snop  }
0x20: {  	s18 =	sshra.s32 s17, $0x2  }
0x21: {  	s17 =	sadd.s32 $0x200, s17;
	s18 =	sadd.s32 $0x2FD0, s18  }
0x22: {  	[spmem:s3] =	stream.indirect.scatter.add.f32 [tilespmem:s13], [sflag:$0x1], $0x10, s18, s14, $0xb8;
	[tilespmem:$0x57D0] =	vst v63  }
0x23: {  	_ =	swait.ge [sflag:s15], $0x7D0  }
0x24: {  	s17 =	simm.s32 $0x4F;
	[sflag:s15] =	ssyncset.done $0x0  }
.LBB2_4:
0x25: {  	p0 =	sne.s32 s17, $0x1;
	s17 =	sadd.s32 $0xFFFFFFFF, s17;
	[sflag:s15] =	ssyncadd.s32 $0xFFFFF830  }
.Ltmp1:
0x26: {  	(pc) =	sbr.rel @p0 .LBB2_4-.Ltmp1, $3  }
0x27: {  	_ =	sdelay $0x1  }
0x28: {  	_ =	swait.ge [sflag:s15], $0x7D0  }
0x29: {  	[sflag:s15] =	ssyncset.done $0x0  }
0x2a: {  	s16 =	sadd.s32 $0x1, s16  }
0x2b: {  	[sflag:s15] =	ssyncadd.s32 $0xFFFFF830;
	p0 =	sne.s32 s16, s8  }
.Ltmp2:
0x2c: {  	[bflag:$0x0] =	sbarrier.arrive $0xFFFF;
	(pc) =	sbr.rel @p0 .LBB2_1-.Ltmp2, $4  }
0x2d: {  	[hbm:s7], [sflag:s11] =	dma.local [spmem:s12], $0x500  }
0x2e: {  	_ =	swait.ge [sflag:s10], $0x500  }
0x2f: {  	[sflag:s10] =	ssyncset.done $0x0  }
0x30: {  	[sflag:s10] =	ssyncadd.s32 $0xFFFFFB00  }
0x31: {  	_ =	sfence.sel $0x180000  }
0x32: {  	[bflag:$0x0] =	sbarrier.arrive $0xFFFF  }
0x33: {  	p0 =	sne.s32 s1, $0x0;
	_ =	strace $0x90000047  }
0x34: {  	s0 =	sadd.s32 @!p0 $0x100000, s0;
	[bflag:$0x2] =	sbarrier.arrive $0xFFFF  }
0x35: {  	[sflag:s0] =	ssyncadd.tile.s32 @!p0 $0x1;
	_ =	shalt  }
.Lfunc_end2:
_tile_overlayer_lowered:
.L_overlay_start_2:
0x36: {  	(tag) =	ssettag $0x2  }
0x37: {  	s0 =	rddreg [dreg:$0x0];
	s2 =	stileid.u32  }
0x38: {  	s1 =	rddreg [dreg:$0x1];
	p0 =	sne.s32 s2, $0x0  }
0x39: {  	s3 =	rddreg [dreg:$0x2];
	[bflag:$0x3] =	sbarrier.arrive $0xFFFF;
	s2 =	simm.s32 @!p0 $0x1C02  }
0x3a: {  	[timem:s3], [sflag:s2] =	dma.local @!p0 [hbm:s0], s1  }
0x3b: {  	s0 =	simm.s32 @!p0 $0x2  }
0x3c: {  	_ =	swait.ge @!p0 [sflag:s0], s1  }
0x3d: {  	s1 =	ssub.s32 @!p0 $0x0, s1;
	[sflag:s0] =	ssyncset.done @!p0 $0x0  }
0x3e: {  	[sflag:s0] =	ssyncadd.s32 @!p0 s1  }
0x3f: {  	[bflag:$0x3] =	sbarrier.arrive $0xFFFF  }
0x40: {  	_ =	shalt  }

// kernel: kernel.15.cloned.1.call-start
scs
__scs_entry_jumppad:
0x0: {  	(pc) =	sbr.rel $0x88, $3  }
0x1: {  	(tag) =	ssettag $0x0;
	lr =	simm.s32 $0x1  }
0x2: {  	[smem:$0x3F97] =	sst lr;
	_ =	strace $0xD0000000  }
0x3: {  	_ = 	snop  }
0x4: {  	_ = 	snop  }
0x5: {  	_ = 	snop  }
0x6: {  	_ = 	snop  }
0x7: {  	_ = 	snop  }
__scs_overlays_trampoline_lowered:
0x8: {  	[smem:$0x3FA6] =	sst s0  }
0x9: {  	[smem:$0x3FA7] =	sst s1  }
0xa: {  	[smem:$0x3FA8] =	sst s2  }
0xb: {  	[smem:$0x3FA9] =	sst s3  }
0xc: {  	[smem:$0x3FAA] =	sst s4  }
0xd: {  	[smem:$0x3FAB] =	sst s5  }
0xe: {  	[smem:$0x3FAC] =	sst s6  }
0xf: {  	[smem:$0x3FAD] =	sst s7  }
0x10: {  	[smem:$0x3FAE] =	sst s8  }
0x11: {  	[smem:$0x3FAF] =	sst s9;
	s0 =	simm.s32 @!p0 $0x0  }
0x12: {  	s1 =	sld [smem:$0x3F95];
	s0 =	simm.s32 @p0 $0x1  }
0x13: {  	[smem:$0x3FB0] =	sst s0;
	s0 =	simm.s32 @!p1 $0x0  }
0x14: {  	s2 =	sld [smem:$0x3F94];
	s0 =	simm.s32 @p1 $0x1  }
0x15: {  	[smem:$0x3FB1] =	sst s0;
	s0 =	simm.s32 @!p2 $0x0  }
0x16: {  	s3 =	sld [smem:$0x3FDB];
	s0 =	simm.s32 @p2 $0x1  }
0x17: {  	s4 =	simm.s32 $0x1BF5;
	[smem:$0x3FB3] =	sst s0  }
0x18: {  	s0 =	sld [smem:$0x3F96];
	_ =	swait.ge [sflag:s4], $0x0  }
0x19: {  	s7 =	sld [smem:$0x3F97]  }
0x1a: {  	s8 =	sadd.s32 $0xFFFFE003, lr  }
0x1b: {  	s9 =	sadd.s32 $0xFFFFFEF7, lr;
	s5 =	simm.s32 $0xFFFFFFFF;
	p2 =	slt.u32 s8, $0xFFFFF086  }
0x1c: {  	p1 =	slt.u32 s9, $0xF7A;
	s5 =	simm.s32 @!p2 $0x0  }
0x1d: {  	s5 =	simm.s32 @p1 $0x1;
	p0 =	seq.s32 s7, s2  }
0x1e: {  	s7 =	smul.u32 @!p0 $0xF7A, s2;
	p2 =	seq.s32 @!p0 s5, $0x0  }
0x1f: {  	s9 =	smul.u32 $0xF7A, s1;
	s8 =	simm.s32 @!p0 $0x1BF5;
	p2 =	por !p2, p0  }
0x20: {  	[sflag:s8] =	ssyncset.s32 @!p0 $0xFFFFF086;
	s6 =	sadd.s32 @!p0 s3, s7;
	s7 =	simm.s32 @!p0 $0x108  }
0x21: {  	s3 =	sadd.s32 s3, s9;
	s6 =	sadd.s32 @!p0 $0x88, s6;
	s7 =	simm.s32 @p2 $0x1082  }
0x22: {  	[simem:s7], [sflag:s8] =	dma.local @!p0 [hbm:s6], $0xF7A  }
0x23: {  	s9 =	sor.u32 $0xD0000000, s2;
	s6 =	simm.s32 $0x108;
	_ =	swait.ge @!p0 [sflag:s8], $0x0  }
0x24: {  	s3 =	sadd.s32 $0x88, s3;
	s6 =	simm.s32 @!p1 $0x1082;
	[sflag:s4] =	ssyncset.s32 $0xFFFFF086  }
0x25: {  	[simem:s6], [sflag:s4] =	dma.local [hbm:s3], $0xF7A  }
0x26: {  	[smem:$0x3F97] =	sst s1;
	(tag) =	ssettag s2;
	_ =	strace s9  }
0x27: {  	s1 =	sld [smem:$0x3FA7]  }
0x28: {  	s2 =	sld [smem:$0x3FA8]  }
0x29: {  	s4 =	sld [smem:$0x3FAA]  }
0x2a: {  	p0 =	seq.s32 s5, $0x0;
	s5 =	sld [smem:$0x3FAB]  }
0x2b: {  	s6 =	sld [smem:$0x3FAC]  }
0x2c: {  	s7 =	sld [smem:$0x3FAD]  }
0x2d: {  	s3 =	simm.s32 $0x108;
	s8 =	sld [smem:$0x3FAE]  }
0x2e: {  	s3 =	simm.s32 @!p0 $0x1082;
	s9 =	sld [smem:$0x3FAF]  }
0x2f: {  	lr =	sadd.s32 s0, s3;
	s0 =	sld [smem:$0x3FA6]  }
0x30: {  	s3 =	sld [smem:$0x3FA9]  }
0x31: {  	[smem:$0x3FB2] =	sst s10  }
0x32: {  	s10 =	sld [smem:$0x3FB0];
	_ =	sdelay $0x3  }
0x33: {  	p0 =	seq.s32 s10, $0x1;
	s10 =	sld [smem:$0x3FB2];
	_ =	sdelay $0x3  }
0x34: {  	[smem:$0x3FB2] =	sst s10  }
0x35: {  	s10 =	sld [smem:$0x3FB1];
	_ =	sdelay $0x3  }
0x36: {  	p1 =	seq.s32 s10, $0x1;
	s10 =	sld [smem:$0x3FB2];
	_ =	sdelay $0x3  }
0x37: {  	[smem:$0x3FB2] =	sst s10  }
0x38: {  	s10 =	sld [smem:$0x3FB3]  }
0x39: {  	_ = 	snop;
	(pc) =	sbr.ind lr, $3  }
0x3a: {  	_ = 	snop  }
0x3b: {  	_ = 	snop  }
0x3c: {  	p2 =	seq.s32 s10, $0x1;
	s10 =	sld [smem:$0x3FB2]  }
0x3d: {  	_ =	shalt  }
0x3e: {  	_ =	shalt  }
0x3f: {  	_ =	shalt  }
0x40: {  	_ =	shalt  }
0x41: {  	_ =	shalt  }
0x42: {  	_ =	shalt  }
0x43: {  	_ =	shalt  }
0x44: {  	_ =	shalt  }
0x45: {  	_ =	shalt  }
0x46: {  	_ =	shalt  }
0x47: {  	_ =	shalt  }
0x48: {  	_ =	shalt  }
0x49: {  	_ =	shalt  }
0x4a: {  	_ =	shalt  }
0x4b: {  	_ =	shalt  }
0x4c: {  	_ =	shalt  }
0x4d: {  	_ =	shalt  }
0x4e: {  	_ =	shalt  }
0x4f: {  	_ =	shalt  }
0x50: {  	_ =	shalt  }
0x51: {  	_ =	shalt  }
0x52: {  	_ =	shalt  }
0x53: {  	_ =	shalt  }
0x54: {  	_ =	shalt  }
0x55: {  	_ =	shalt  }
0x56: {  	_ =	shalt  }
0x57: {  	_ =	shalt  }
0x58: {  	_ =	shalt  }
0x59: {  	_ =	shalt  }
0x5a: {  	_ =	shalt  }
0x5b: {  	_ =	shalt  }
0x5c: {  	_ =	shalt  }
0x5d: {  	_ =	shalt  }
0x5e: {  	_ =	shalt  }
0x5f: {  	_ =	shalt  }
0x60: {  	_ =	shalt  }
0x61: {  	_ =	shalt  }
0x62: {  	_ =	shalt  }
0x63: {  	_ =	shalt  }
0x64: {  	_ =	shalt  }
0x65: {  	_ =	shalt  }
0x66: {  	_ =	shalt  }
0x67: {  	_ =	shalt  }
0x68: {  	_ =	shalt  }
0x69: {  	_ =	shalt  }
0x6a: {  	_ =	shalt  }
0x6b: {  	_ =	shalt  }
0x6c: {  	_ =	shalt  }
0x6d: {  	_ =	shalt  }
0x6e: {  	_ =	shalt  }
0x6f: {  	_ =	shalt  }
0x70: {  	_ =	shalt  }
0x71: {  	_ =	shalt  }
0x72: {  	_ =	shalt  }
0x73: {  	_ =	shalt  }
0x74: {  	_ =	shalt  }
0x75: {  	_ =	shalt  }
0x76: {  	_ =	shalt  }
0x77: {  	_ =	shalt  }
0x78: {  	_ =	shalt  }
0x79: {  	_ =	shalt  }
0x7a: {  	_ =	shalt  }
0x7b: {  	_ =	shalt  }
0x7c: {  	_ =	shalt  }
0x7d: {  	_ =	shalt  }
0x7e: {  	_ =	shalt  }
0x7f: {  	_ =	shalt  }
0x80: {  	_ =	shalt  }
0x81: {  	_ =	shalt  }
0x82: {  	_ =	shalt  }
0x83: {  	_ =	shalt  }
0x84: {  	_ =	shalt  }
0x85: {  	_ =	shalt  }
0x86: {  	_ =	shalt  }
0x87: {  	_ =	shalt  }
.Lfunc_end0:
.L_simem_size_0:
called_computation.1_lowered:
.L_overlay_start_0:
0x88: {  	s2 =	sld [smem:$0x3FD9]  }
0x89: {  	s3 =	sld [smem:$0x3FFE];
	_ =	sdelay $0x1  }
0x8a: {  	s1 =	srdreg.scid  }
0x8b: {  	s0 =	sand.u32 $0x1, s1  }
0x8c: {  	s16 =	sshll.u32 s0, $0xA;
	s2 =	sadd.s32 s3, s2  }
0x8d: {  	s2 =	sadd.s32 s2, s16  }
0x8e: {  	[smem:$0x3FBE] =	sst s2  }
0x8f: {  	_ = 	snop  }
0x90: {  	(tm) =	ssettm $0x1  }
0x91: {  	s17 =	sld [smem:$0x3FFB];
	_ =	sdelay $0x3  }
0x92: {  	_ =	strace s17  }
0x93: {  	s2 =	sld [smem:$0x3FFC];
	_ =	sdelay $0x3  }
0x94: {  	_ =	strace s2  }
0x95: {  	s2 =	sld [smem:$0x3FFD];
	_ =	sdelay $0x3  }
0x96: {  	_ =	strace s2  }
0x97: {  	_ =	strace $0x8FFFFFFF  }
0x98: {  	s18 =	sld [smem:$0x3FDB];
	_ =	sdelay $0x1  }
0x99: {  	s19 =	simm.s32 $_scs_section_size  }
0x9a: {  	s4 =	simm.s32 $_size__tile_overlayer_lowered;
	s5 =	simm.s32 $_tile_overlayer_lowered  }
0x9b: {  	s22 =	simm.s32 $0x1BFF;
	s21 =	sshll.u32 s5, $0x1;
	s2 =	sadd.s32 s19, s18  }
0x9c: {  	s6 =	simm.s32 $0x0;
	s20 =	sshll.u32 s4, $0x1;
	s4 =	sadd.s32 s21, s2  }
0x9d: {  	[timem:s6], [sflag:s22] =	dma.local [hbm:s4], s20  }
0x9e: {  	_ =	swait.ge [sflag:s22], s20  }
0x9f: {  	s3 =	ssub.s32 $0x0, s20;
	[sflag:s22] =	ssyncset.done $0x0  }
0xa0: {  	[sflag:s22] =	ssyncadd.s32 s3;
	_ =	sdelay $0x1  }
0xa1: {  	s23 =	simm.s32 $0x1B8B  }
0xa2: {  	_ =	swait.ge [sflag:s23], $0x1  }
0xa3: {  	[sflag:s23] =	ssyncset.done $0x0  }
0xa4: {  	s25 =	simm.s32 $0x1B8E;
	s24 =	sld [smem:$0x3FFE];
	[sflag:s23] =	ssyncadd.s32 $0xFFFFFFFF  }
0xa5: {  	s26 =	simm.s32 $execute0_lowered;
	[smem:$0x3FD2] =	sst s25  }
0xa6: {  	s4 =	sshll.u32 s26, $0x1;
	_ =	strace $0x80000049;
	[dreg:$0x1] =	wrdreg $0xFFFFFFFF  }
0xa7: {  	s28 =	simm.s32 $_size_execute0_lowered;
	s2 =	sadd.s32 s2, s4;
	[dreg:$0x0] =	wrdreg $0x0  }
0xa8: {  	s4 =	sshll.u32 s28, $0x1;
	[dreg:$0x2] =	wrdreg s2  }
0xa9: {  	[dreg:$0x3] =	wrdreg s4  }
0xaa: {  	[dreg:$0x4] =	wrdreg $0xC0  }
0xab: {  	_ =	task [dreg:s6], $0x5FFFF  }
0xac: {  	[dreg:$0x1] =	wrdreg $0xFFFFFFFF  }
0xad: {  	[dreg:$0x0] =	wrdreg $0x60  }
0xae: {  	[dreg:$0x2] =	wrdreg s24  }
0xaf: {  	[dreg:$0x3] =	wrdreg $0x0  }
0xb0: {  	[dreg:$0x4] =	wrdreg $0xA0000  }
0xb1: {  	[dreg:$0x5] =	wrdreg $0x9  }
0xb2: {  	_ =	task.clear_ibuf [dreg:s6], $0x6FFFF;
	_ =	strace $0x90000049  }
0xb3: {  	s29 =	simm.s32 $0x9;
	_ =	strace $0x8000004B  }
0xb4: {  	_ =	swait.ge [sflag:s29], $0x1  }
0xb5: {  	[sflag:s29] =	ssyncadd.s32 $0xFFFFFFFF  }
0xb6: {  	_ =	strace $0x9000004B  }
0xb7: {  	_ =	sfence  }
0xb8: {  	s30 =	sld [smem:$0x0];
	_ =	sdelay $0x2  }
0xb9: {  	s31 =	sshll.u32 s1, $0xD;
	s1 =	sshrl.u32 s1, $0x2  }
0xba: {  	s3 =	sand.u32 $0x4000, s31;
	s1 =	sadd.s32 s1, s30  }
0xbb: {  	s0 =	sor.u32 s3, s0;
	s1 =	sshll.u32 s1, $0x11  }
0xbc: {  	s0 =	sor.u32 s1, s0  }
0xbd: {  	s0 =	sadd.s32 $0x8F2B, s0  }
0xbe: {  	[sflag:s0] =	ssyncadd.remote.s32 $0x1  }
0xbf: {  	_ =	sfence.sel $0xFFFF  }
0xc0: {  	[dreg:$0x0] =	wrdreg $0xFFFFFFFF;
	(pc) =	sbr.abs _section_cstart, $3  }
0xc1: {  	[dreg:$0x1] =	wrdreg $0xFFFFFFFF  }
0xc2: {  	_ =	task.clear_ibuf [dreg:s6], $0x2FFFF;
	_ =	strace $0x9FFFFFFF  }
0xc3: {  	(tm) =	ssettm $0x7FFFFFFF  }
tec
execute0_lowered:
.L_overlay_start_1:
0x0: {  	(tag) =	ssettag $0x1  }
0x1: {  	s0 =	rddreg [dreg:$0x0]  }
0x2: {  	s2 =	rddreg [dreg:$0x1]  }
0x3: {  	s3 =	rddreg [dreg:$0x2]  }
0x4: {  	s9 =	stileid.u32;
	s1 =	srdreg.scid  }
0x5: {  	s4 =	simm.s32 $0x0;
	s12 =	simm.s32 $0x14000;
	s17 =	simm.s32 $0x1  }
0x6: {  	s18 =	simm.s32 $0x2;
	s19 =	simm.s32 $0x3;
	s20 =	simm.s32 $0x4  }
0x7: {  	s21 =	simm.s32 $0x7D;
	s22 =	simm.s32 $0x19000;
	s24 =	simm.s32 $0x1AF40  }
0x8: {  	s28 =	simm.s32 $0x5;
	s29 =	simm.s32 $0x6;
	s23 =	simm.s32 $0x18F00  }
0x9: {  	s25 =	simm.s32 $0x7;
	s30 =	simm.s32 $0x18F80;
	s31 =	simm.s32 $0x0  }
0xa: {  	s10 =	smul.u32 $0xA000, s9;
	s1 =	sand.u32 $0x1, s1;
	[smem:$0x7FF] =	sst s4  }
0xb: {  	s5 =	sshll.u32 s9, $0x1;
	s6 =	smul.u32 $0xA0000, s1;
	_ =	strace $0x8000004A  }
0xc: {  	s5 =	sor.u32 s1, s5;
	s1 =	ssub.s32 $0x2, s1;
	s7 =	sshrl.u32 s10, $0x3  }
0xd: {  	s5 =	smul.u32 $0x500, s5;
	s26 =	sshrl.u32 s1, $0x1;
	s13 =	sadd.s32 s10, s2  }
0xe: {  	s16 =	sadd.s32 s10, s3;
	s6 =	sadd.s32 s10, s6;
	s7 =	sadd.s32 s7, s0  }
0xf: {  	s1 =	ssub.s32 s1, s26;
	s14 =	sshrl.u32 s13, $0x3;
	s16 =	sshrl.u32 s16, $0x3  }
0x10: {  	s26 =	simm.s32 $0x1CE80;
	s6 =	sshrl.u32 s6, $0x3;
	s8 =	sadd.s32 s5, s0  }
0x11: {  	s7 =	sadd.s32 $0x26600, s7;
	s11 =	smax.u32 s1, $0x1;
	s0 =	sadd.s32 s6, s0  }
0x12: {  	s5 =	sadd.s32 $0x1C600, s8;
	s6 =	sadd.s32 $0x3600, s8;
	s8 =	sshll.u32 s9, $0x6  }
0x13: {  	s9 =	sor.u32 $0x1C03, s8;
	s10 =	sadd.s32 $0x3A600, s0;
	s15 =	sor.u32 $0x1C04, s8  }
.LBB2_1:
0x14: {  	[tilespmem:s12], [sflag:$0x1] =	stream.linear.gather [hbm4b:s5+s4], $0x2800, $0x38;
	[tilespmem:$0x1EDC0] =	vst v63  }
0x15: {  	s0 =	simm.s32 $0x16800  }
0x16: {  	[tilespmem:s0], [sflag:$0x2] =	stream.linear.gather [hbm4b:s6+s4], $0x2800, $0x38;
	[tilespmem:$0x1EDC0] =	vst v63  }
0x17: {  	[spmem:s14], [sflag:s9] =	dma.local [hbm:s7], $0x1400  }
0x18: {  	[spmem:s16], [sflag:s15] =	dma.local [hbm:s7], $0x1400  }
0x19: {  	_ =	swait.ge [sflag:s17], $0x2800  }
0x1a: {  	[sflag:s17] =	ssyncset.done $0x0  }
0x1b: {  	[sflag:s17] =	ssyncadd.s32 $0xFFFFD800  }
0x1c: {  	_ =	swait.ge [sflag:s18], $0x2800  }
0x1d: {  	[sflag:s18] =	ssyncset.done $0x0  }
0x1e: {  	[sflag:s18] =	ssyncadd.s32 $0xFFFFD800  }
0x1f: {  	_ =	swait.ge [sflag:s19], $0x1400  }
0x20: {  	[sflag:s19] =	ssyncset.done $0x0  }
0x21: {  	[sflag:s19] =	ssyncadd.s32 $0xFFFFEC00  }
0x22: {  	_ =	swait.ge [sflag:s20], $0x1400  }
0x23: {  	[sflag:s20] =	ssyncset.done $0x0  }
0x24: {  	[sflag:s20] =	ssyncadd.s32 $0xFFFFEC00  }
0x25: {  	[bflag:$0x0] =	sbarrier.arrive $0xFFFF  }
0x26: {  	[tilespmem:s22], [sflag:$0x1] =	stream.indirect.gather [spmem:s3], $0x40, s12, s21, $0xb8;
	[tilespmem:$0x1EDC0] =	vst v63  }
0x27: {  	s13 =	simm.s32 $0x14080  }
0x28: {  	[tilespmem:s24], [sflag:$0x2] =	stream.indirect.gather [spmem:s3], $0x40, s13, s21, $0xb8;
	[tilespmem:$0x1EDC0] =	vst v63  }
0x29: {  	s1 =	simm.s32 $0x14100  }
0x2a: {  	[tilespmem:s26], [sflag:$0x3] =	stream.indirect.gather [spmem:s3], $0x40, s1, s21, $0xb8;
	[tilespmem:$0x1EDC0] =	vst v63  }
0x2b: {  	_ =	swait.ge [sflag:s17], $0x1F40  }
0x2c: {  	[sflag:s17] =	ssyncset.done $0x0  }
0x2d: {  	s13 =	simm.s32 $0x16800;
	[sflag:s17] =	ssyncadd.s32 $0xFFFFE0C0  }
0x2e: {  	[spmem:s2] =	stream.indirect.scatter.add.f32 [tilespmem:s22], [sflag:$0x4], $0x40, s13, s21, $0xb8;
	[tilespmem:$0x1EDC0] =	vst v63  }
0x2f: {  	_ =	swait.ge [sflag:s18], $0x1F40  }
0x30: {  	[sflag:s18] =	ssyncset.done $0x0  }
0x31: {  	s1 =	simm.s32 $0x16880;
	[sflag:s18] =	ssyncadd.s32 $0xFFFFE0C0  }
0x32: {  	[spmem:s2] =	stream.indirect.scatter.add.f32 [tilespmem:s24], [sflag:$0x5], $0x40, s1, s21, $0xb8;
	[tilespmem:$0x1EDC0] =	vst v63  }
0x33: {  	_ =	swait.ge [sflag:s19], $0x1F40  }
0x34: {  	[sflag:s19] =	ssyncset.done $0x0  }
0x35: {  	s13 =	simm.s32 $0x16900;
	[sflag:s19] =	ssyncadd.s32 $0xFFFFE0C0  }
0x36: {  	[spmem:s2] =	stream.indirect.scatter.add.f32 [tilespmem:s26], [sflag:$0x6], $0x40, s13, s21, $0xb8;
	[tilespmem:$0x1EDC0] =	vst v63  }
0x37: {  	_ =	swait.ge [sflag:s20], $0x1F40  }
0x38: {  	[sflag:s20] =	ssyncset.done $0x0  }
0x39: {  	s1 =	simm.s32 $0x14180;
	[sflag:s20] =	ssyncadd.s32 $0xFFFFE0C0  }
0x3a: {  	[tilespmem:s22], [sflag:$0x1] =	stream.indirect.gather [spmem:s3], $0x40, s1, s21, $0xb8;
	[tilespmem:$0x1EDC0] =	vst v63  }
0x3b: {  	_ =	swait.ge [sflag:s28], $0x1F40  }
0x3c: {  	[sflag:s28] =	ssyncset.done $0x0  }
0x3d: {  	s13 =	simm.s32 $0x14200;
	[sflag:s28] =	ssyncadd.s32 $0xFFFFE0C0  }
0x3e: {  	[tilespmem:s24], [sflag:$0x2] =	stream.indirect.gather [spmem:s3], $0x40, s13, s21, $0xb8;
	[tilespmem:$0x1EDC0] =	vst v63  }
0x3f: {  	_ =	swait.ge [sflag:s29], $0x1F40  }
0x40: {  	[sflag:s29] =	ssyncset.done $0x0  }
0x41: {  	s0 =	simm.s32 $0x600;
	s1 =	simm.s32 $0x14280;
	[sflag:s29] =	ssyncadd.s32 $0xFFFFE0C0  }
.LBB2_2:
0x42: {  	[tilespmem:s26], [sflag:$0x3] =	stream.indirect.gather [spmem:s3], $0x40, s1, s21, $0xb8;
	[tilespmem:$0x1EDC0] =	vst v63  }
0x43: {  	s1 =	smov.u32 s0  }
0x44: {  	p0 =	sne.s32 s0, $0x9000;
	s0 =	sadd.s32 $0x600, s0;
	_ =	swait.ge [sflag:s17], $0x1F40  }
0x45: {  	s1 =	sshra.s32 s1, $0x2;
	[sflag:s17] =	ssyncset.done $0x0  }
0x46: {  	s13 =	sadd.s32 $0x16800, s1;
	[sflag:s17] =	ssyncadd.s32 $0xFFFFE0C0  }
0x47: {  	[spmem:s2] =	stream.indirect.scatter.add.f32 [tilespmem:s22], [sflag:$0x4], $0x40, s13, s21, $0xb8;
	[tilespmem:$0x1EDC0] =	vst v63  }
0x48: {  	_ =	swait.ge [sflag:s18], $0x1F40  }
0x49: {  	[sflag:s18] =	ssyncset.done $0x0  }
0x4a: {  	s13 =	sadd.s32 $0x16880, s1;
	[sflag:s18] =	ssyncadd.s32 $0xFFFFE0C0  }
0x4b: {  	[spmem:s2] =	stream.indirect.scatter.add.f32 [tilespmem:s24], [sflag:$0x5], $0x40, s13, s21, $0xb8;
	[tilespmem:$0x1EDC0] =	vst v63  }
0x4c: {  	_ =	swait.ge [sflag:s19], $0x1F40  }
0x4d: {  	[sflag:s19] =	ssyncset.done $0x0  }
0x4e: {  	s13 =	sadd.s32 $0x16900, s1;
	[sflag:s19] =	ssyncadd.s32 $0xFFFFE0C0  }
0x4f: {  	[spmem:s2] =	stream.indirect.scatter.add.f32 [tilespmem:s26], [sflag:$0x6], $0x40, s13, s21, $0xb8;
	[tilespmem:$0x1EDC0] =	vst v63  }
0x50: {  	_ =	swait.ge [sflag:s20], $0x1F40  }
0x51: {  	[sflag:s20] =	ssyncset.done $0x0  }
0x52: {  	s13 =	sadd.s32 $0x14180, s1;
	[sflag:s20] =	ssyncadd.s32 $0xFFFFE0C0  }
0x53: {  	[tilespmem:s22], [sflag:$0x1] =	stream.indirect.gather [spmem:s3], $0x40, s13, s21, $0xb8;
	[tilespmem:$0x1EDC0] =	vst v63  }
0x54: {  	_ =	swait.ge [sflag:s28], $0x1F40  }
0x55: {  	[sflag:s28] =	ssyncset.done $0x0  }
.Ltmp0:
0x56: {  	s13 =	sadd.s32 $0x14200, s1;
	[sflag:s28] =	ssyncadd.s32 $0xFFFFE0C0;
	(pc) =	sbr.rel @p0 .LBB2_2-.Ltmp0, $4  }
0x57: {  	[tilespmem:s24], [sflag:$0x2] =	stream.indirect.gather [spmem:s3], $0x40, s13, s21, $0xb8;
	[tilespmem:$0x1EDC0] =	vst v63  }
0x58: {  	_ =	swait.ge [sflag:s29], $0x1F40  }
0x59: {  	[sflag:s29] =	ssyncset.done $0x0  }
0x5a: {  	s1 =	sadd.s32 $0x14280, s1;
	[sflag:s29] =	ssyncadd.s32 $0xFFFFE0C0  }
0x5b: {  	[tilespmem:s26], [sflag:$0x3] =	stream.indirect.gather [spmem:s3], $0x40, s1, s21, $0xb8;
	[tilespmem:$0x1EDC0] =	vst v63  }
0x5c: {  	_ =	swait.ge [sflag:s17], $0x1F40  }
0x5d: {  	[sflag:s17] =	ssyncset.done $0x0  }
0x5e: {  	s0 =	simm.s32 $0x18D80;
	[sflag:s17] =	ssyncadd.s32 $0xFFFFE0C0  }
0x5f: {  	[spmem:s2] =	stream.indirect.scatter.add.f32 [tilespmem:s22], [sflag:$0x4], $0x40, s0, s21, $0xb8;
	[tilespmem:$0x1EDC0] =	vst v63  }
0x60: {  	_ =	swait.ge [sflag:s18], $0x1F40  }
0x61: {  	[sflag:s18] =	ssyncset.done $0x0  }
0x62: {  	s13 =	simm.s32 $0x18E00;
	[sflag:s18] =	ssyncadd.s32 $0xFFFFE0C0  }
0x63: {  	[spmem:s2] =	stream.indirect.scatter.add.f32 [tilespmem:s24], [sflag:$0x5], $0x40, s13, s21, $0xb8;
	[tilespmem:$0x1EDC0] =	vst v63  }
0x64: {  	_ =	swait.ge [sflag:s19], $0x1F40  }
0x65: {  	[sflag:s19] =	ssyncset.done $0x0  }
0x66: {  	s1 =	simm.s32 $0x18E80;
	[sflag:s19] =	ssyncadd.s32 $0xFFFFE0C0  }
0x67: {  	[spmem:s2] =	stream.indirect.scatter.add.f32 [tilespmem:s26], [sflag:$0x6], $0x40, s1, s21, $0xb8;
	[tilespmem:$0x1EDC0] =	vst v63  }
0x68: {  	_ =	swait.ge [sflag:s20], $0x1F40  }
0x69: {  	[sflag:s20] =	ssyncset.done $0x0  }
0x6a: {  	[sflag:s20] =	ssyncadd.s32 $0xFFFFE0C0  }
0x6b: {  	_ =	swait.ge [sflag:s28], $0x1F40  }
0x6c: {  	[sflag:s28] =	ssyncset.done $0x0  }
0x6d: {  	[sflag:s28] =	ssyncadd.s32 $0xFFFFE0C0  }
0x6e: {  	_ =	swait.ge [sflag:s29], $0x1F40  }
0x6f: {  	[sflag:s29] =	ssyncset.done $0x0  }
0x70: {  	s13 =	simm.s32 $0x16700;
	[sflag:s29] =	ssyncadd.s32 $0xFFFFE0C0  }
0x71: {  	[tilespmem:s22], [sflag:$0x1] =	stream.indirect.gather [spmem:s3], $0x40, s13, s21, $0xb8;
	[tilespmem:$0x1EDC0] =	vst v63  }
0x72: {  	s1 =	simm.s32 $0x16780  }
0x73: {  	[tilespmem:s24], [sflag:$0x2] =	stream.indirect.gather [spmem:s3], $0x40, s1, s21, $0xb8;
	[tilespmem:$0x1EDC0] =	vst v63  }
0x74: {  	_ =	swait.ge [sflag:s17], $0x1F40  }
0x75: {  	[sflag:s17] =	ssyncset.done $0x0  }
0x76: {  	[sflag:s17] =	ssyncadd.s32 $0xFFFFE0C0  }
0x77: {  	[spmem:s2] =	stream.indirect.scatter.add.f32 [tilespmem:s22], [sflag:$0x7], $0x40, s23, s21, $0xb8;
	[tilespmem:$0x1EDC0] =	vst v63  }
0x78: {  	_ =	swait.ge [sflag:s25], $0x1F40  }
0x79: {  	[sflag:s25] =	ssyncset.done $0x0  }
0x7a: {  	[sflag:s25] =	ssyncadd.s32 $0xFFFFE0C0  }
0x7b: {  	_ =	swait.ge [sflag:s18], $0x1F40  }
0x7c: {  	[sflag:s18] =	ssyncset.done $0x0  }
0x7d: {  	[sflag:s18] =	ssyncadd.s32 $0xFFFFE0C0  }
0x7e: {  	[spmem:s2] =	stream.indirect.scatter.add.f32 [tilespmem:s24], [sflag:$0x7], $0x40, s30, s21, $0xb8;
	[tilespmem:$0x1EDC0] =	vst v63  }
0x7f: {  	_ =	swait.ge [sflag:s25], $0x1F40  }
0x80: {  	s31 =	sadd.s32 $0x1, s31;
	[sflag:s25] =	ssyncset.done $0x0  }
0x81: {  	p0 =	sne.s32 s31, s11;
	[sflag:s25] =	ssyncadd.s32 $0xFFFFE0C0  }
.Ltmp1:
0x82: {  	s13 =	sor.u32 $0x1C07, s8;
	[bflag:$0x0] =	sbarrier.arrive $0xFFFF;
	(pc) =	sbr.rel @p0 .LBB2_1-.Ltmp1, $4  }
0x83: {  	[hbm:s10], [sflag:s13] =	dma.local [spmem:s14], $0x1400  }
0x84: {  	_ =	swait.ge [sflag:s25], $0x1400  }
0x85: {  	[sflag:s25] =	ssyncset.done $0x0  }
0x86: {  	[sflag:s25] =	ssyncadd.s32 $0xFFFFEC00  }
0x87: {  	_ =	sfence.sel $0x180000  }
0x88: {  	[bflag:$0x0] =	sbarrier.arrive $0xFFFF  }
0x89: {  	_ =	strace $0x9000004A  }
0x8a: {  	s0 =	stileid.u32;
	[bflag:$0x2] =	sbarrier.arrive $0xFFFF  }
0x8b: {  	p0 =	sne.s32 s0, $0x0;
	s0 =	rddreg [dreg:$0x3]  }
0x8c: {  	s0 =	sadd.s32 @!p0 $0x100000, s0  }
0x8d: {  	[sflag:s0] =	ssyncadd.tile.s32 @!p0 $0x1;
	_ =	shalt  }
.Lfunc_end2:
_tile_overlayer_lowered:
.L_overlay_start_2:
0x8e: {  	(tag) =	ssettag $0x2  }
0x8f: {  	s0 =	rddreg [dreg:$0x0];
	s2 =	stileid.u32  }
0x90: {  	s1 =	rddreg [dreg:$0x1];
	p0 =	sne.s32 s2, $0x0  }
0x91: {  	s3 =	rddreg [dreg:$0x2];
	[bflag:$0x3] =	sbarrier.arrive $0xFFFF;
	s2 =	simm.s32 @!p0 $0x1C07  }
0x92: {  	[timem:s3], [sflag:s2] =	dma.local @!p0 [hbm:s0], s1  }
0x93: {  	s0 =	simm.s32 @!p0 $0x7  }
0x94: {  	_ =	swait.ge @!p0 [sflag:s0], s1  }
0x95: {  	s1 =	ssub.s32 @!p0 $0x0, s1;
	[sflag:s0] =	ssyncset.done @!p0 $0x0  }
0x96: {  	[sflag:s0] =	ssyncadd.s32 @!p0 s1  }
0x97: {  	[bflag:$0x3] =	sbarrier.arrive $0xFFFF  }
0x98: {  	_ =	shalt  }

// kernel: kernel.18.cloned.1.call-start
scs
__scs_entry_jumppad:
0x0: {  	(pc) =	sbr.rel $0x88, $3  }
0x1: {  	(tag) =	ssettag $0x0;
	lr =	simm.s32 $0x1  }
0x2: {  	[smem:$0x3F97] =	sst lr;
	_ =	strace $0xD0000000  }
0x3: {  	_ = 	snop  }
0x4: {  	_ = 	snop  }
0x5: {  	_ = 	snop  }
0x6: {  	_ = 	snop  }
0x7: {  	_ = 	snop  }
__scs_overlays_trampoline_lowered:
0x8: {  	[smem:$0x3FA6] =	sst s0  }
0x9: {  	[smem:$0x3FA7] =	sst s1  }
0xa: {  	[smem:$0x3FA8] =	sst s2  }
0xb: {  	[smem:$0x3FA9] =	sst s3  }
0xc: {  	[smem:$0x3FAA] =	sst s4  }
0xd: {  	[smem:$0x3FAB] =	sst s5  }
0xe: {  	[smem:$0x3FAC] =	sst s6  }
0xf: {  	[smem:$0x3FAD] =	sst s7  }
0x10: {  	[smem:$0x3FAE] =	sst s8  }
0x11: {  	[smem:$0x3FAF] =	sst s9;
	s0 =	simm.s32 @!p0 $0x0  }
0x12: {  	s1 =	sld [smem:$0x3F95];
	s0 =	simm.s32 @p0 $0x1  }
0x13: {  	[smem:$0x3FB0] =	sst s0;
	s0 =	simm.s32 @!p1 $0x0  }
0x14: {  	s2 =	sld [smem:$0x3F94];
	s0 =	simm.s32 @p1 $0x1  }
0x15: {  	[smem:$0x3FB1] =	sst s0;
	s0 =	simm.s32 @!p2 $0x0  }
0x16: {  	s3 =	sld [smem:$0x3FDB];
	s0 =	simm.s32 @p2 $0x1  }
0x17: {  	s4 =	simm.s32 $0x1BF5;
	[smem:$0x3FB3] =	sst s0  }
0x18: {  	s0 =	sld [smem:$0x3F96];
	_ =	swait.ge [sflag:s4], $0x0  }
0x19: {  	s7 =	sld [smem:$0x3F97]  }
0x1a: {  	s8 =	sadd.s32 $0xFFFFE003, lr  }
0x1b: {  	s9 =	sadd.s32 $0xFFFFFEF7, lr;
	s5 =	simm.s32 $0xFFFFFFFF;
	p2 =	slt.u32 s8, $0xFFFFF086  }
0x1c: {  	p1 =	slt.u32 s9, $0xF7A;
	s5 =	simm.s32 @!p2 $0x0  }
0x1d: {  	s5 =	simm.s32 @p1 $0x1;
	p0 =	seq.s32 s7, s2  }
0x1e: {  	s7 =	smul.u32 @!p0 $0xF7A, s2;
	p2 =	seq.s32 @!p0 s5, $0x0  }
0x1f: {  	s9 =	smul.u32 $0xF7A, s1;
	s8 =	simm.s32 @!p0 $0x1BF5;
	p2 =	por !p2, p0  }
0x20: {  	[sflag:s8] =	ssyncset.s32 @!p0 $0xFFFFF086;
	s6 =	sadd.s32 @!p0 s3, s7;
	s7 =	simm.s32 @!p0 $0x108  }
0x21: {  	s3 =	sadd.s32 s3, s9;
	s6 =	sadd.s32 @!p0 $0x88, s6;
	s7 =	simm.s32 @p2 $0x1082  }
0x22: {  	[simem:s7], [sflag:s8] =	dma.local @!p0 [hbm:s6], $0xF7A  }
0x23: {  	s9 =	sor.u32 $0xD0000000, s2;
	s6 =	simm.s32 $0x108;
	_ =	swait.ge @!p0 [sflag:s8], $0x0  }
0x24: {  	s3 =	sadd.s32 $0x88, s3;
	s6 =	simm.s32 @!p1 $0x1082;
	[sflag:s4] =	ssyncset.s32 $0xFFFFF086  }
0x25: {  	[simem:s6], [sflag:s4] =	dma.local [hbm:s3], $0xF7A  }
0x26: {  	[smem:$0x3F97] =	sst s1;
	(tag) =	ssettag s2;
	_ =	strace s9  }
0x27: {  	s1 =	sld [smem:$0x3FA7]  }
0x28: {  	s2 =	sld [smem:$0x3FA8]  }
0x29: {  	s4 =	sld [smem:$0x3FAA]  }
0x2a: {  	p0 =	seq.s32 s5, $0x0;
	s5 =	sld [smem:$0x3FAB]  }
0x2b: {  	s6 =	sld [smem:$0x3FAC]  }
0x2c: {  	s7 =	sld [smem:$0x3FAD]  }
0x2d: {  	s3 =	simm.s32 $0x108;
	s8 =	sld [smem:$0x3FAE]  }
0x2e: {  	s3 =	simm.s32 @!p0 $0x1082;
	s9 =	sld [smem:$0x3FAF]  }
0x2f: {  	lr =	sadd.s32 s0, s3;
	s0 =	sld [smem:$0x3FA6]  }
0x30: {  	s3 =	sld [smem:$0x3FA9]  }
0x31: {  	[smem:$0x3FB2] =	sst s10  }
0x32: {  	s10 =	sld [smem:$0x3FB0];
	_ =	sdelay $0x3  }
0x33: {  	p0 =	seq.s32 s10, $0x1;
	s10 =	sld [smem:$0x3FB2];
	_ =	sdelay $0x3  }
0x34: {  	[smem:$0x3FB2] =	sst s10  }
0x35: {  	s10 =	sld [smem:$0x3FB1];
	_ =	sdelay $0x3  }
0x36: {  	p1 =	seq.s32 s10, $0x1;
	s10 =	sld [smem:$0x3FB2];
	_ =	sdelay $0x3  }
0x37: {  	[smem:$0x3FB2] =	sst s10  }
0x38: {  	s10 =	sld [smem:$0x3FB3]  }
0x39: {  	_ = 	snop;
	(pc) =	sbr.ind lr, $3  }
0x3a: {  	_ = 	snop  }
0x3b: {  	_ = 	snop  }
0x3c: {  	p2 =	seq.s32 s10, $0x1;
	s10 =	sld [smem:$0x3FB2]  }
0x3d: {  	_ =	shalt  }
0x3e: {  	_ =	shalt  }
0x3f: {  	_ =	shalt  }
0x40: {  	_ =	shalt  }
0x41: {  	_ =	shalt  }
0x42: {  	_ =	shalt  }
0x43: {  	_ =	shalt  }
0x44: {  	_ =	shalt  }
0x45: {  	_ =	shalt  }
0x46: {  	_ =	shalt  }
0x47: {  	_ =	shalt  }
0x48: {  	_ =	shalt  }
0x49: {  	_ =	shalt  }
0x4a: {  	_ =	shalt  }
0x4b: {  	_ =	shalt  }
0x4c: {  	_ =	shalt  }
0x4d: {  	_ =	shalt  }
0x4e: {  	_ =	shalt  }
0x4f: {  	_ =	shalt  }
0x50: {  	_ =	shalt  }
0x51: {  	_ =	shalt  }
0x52: {  	_ =	shalt  }
0x53: {  	_ =	shalt  }
0x54: {  	_ =	shalt  }
0x55: {  	_ =	shalt  }
0x56: {  	_ =	shalt  }
0x57: {  	_ =	shalt  }
0x58: {  	_ =	shalt  }
0x59: {  	_ =	shalt  }
0x5a: {  	_ =	shalt  }
0x5b: {  	_ =	shalt  }
0x5c: {  	_ =	shalt  }
0x5d: {  	_ =	shalt  }
0x5e: {  	_ =	shalt  }
0x5f: {  	_ =	shalt  }
0x60: {  	_ =	shalt  }
0x61: {  	_ =	shalt  }
0x62: {  	_ =	shalt  }
0x63: {  	_ =	shalt  }
0x64: {  	_ =	shalt  }
0x65: {  	_ =	shalt  }
0x66: {  	_ =	shalt  }
0x67: {  	_ =	shalt  }
0x68: {  	_ =	shalt  }
0x69: {  	_ =	shalt  }
0x6a: {  	_ =	shalt  }
0x6b: {  	_ =	shalt  }
0x6c: {  	_ =	shalt  }
0x6d: {  	_ =	shalt  }
0x6e: {  	_ =	shalt  }
0x6f: {  	_ =	shalt  }
0x70: {  	_ =	shalt  }
0x71: {  	_ =	shalt  }
0x72: {  	_ =	shalt  }
0x73: {  	_ =	shalt  }
0x74: {  	_ =	shalt  }
0x75: {  	_ =	shalt  }
0x76: {  	_ =	shalt  }
0x77: {  	_ =	shalt  }
0x78: {  	_ =	shalt  }
0x79: {  	_ =	shalt  }
0x7a: {  	_ =	shalt  }
0x7b: {  	_ =	shalt  }
0x7c: {  	_ =	shalt  }
0x7d: {  	_ =	shalt  }
0x7e: {  	_ =	shalt  }
0x7f: {  	_ =	shalt  }
0x80: {  	_ =	shalt  }
0x81: {  	_ =	shalt  }
0x82: {  	_ =	shalt  }
0x83: {  	_ =	shalt  }
0x84: {  	_ =	shalt  }
0x85: {  	_ =	shalt  }
0x86: {  	_ =	shalt  }
0x87: {  	_ =	shalt  }
.Lfunc_end0:
.L_simem_size_0:
called_computation.2_lowered:
.L_overlay_start_0:
0x88: {  	s2 =	sld [smem:$0x3FD9]  }
0x89: {  	s3 =	sld [smem:$0x3FFE];
	_ =	sdelay $0x1  }
0x8a: {  	s1 =	srdreg.scid  }
0x8b: {  	s0 =	sand.u32 $0x1, s1  }
0x8c: {  	s16 =	sshll.u32 s0, $0xA;
	s2 =	sadd.s32 s3, s2  }
0x8d: {  	s2 =	sadd.s32 s2, s16  }
0x8e: {  	[smem:$0x3FBE] =	sst s2  }
0x8f: {  	_ = 	snop  }
0x90: {  	(tm) =	ssettm $0x1  }
0x91: {  	s17 =	sld [smem:$0x3FFB];
	_ =	sdelay $0x3  }
0x92: {  	_ =	strace s17  }
0x93: {  	s2 =	sld [smem:$0x3FFC];
	_ =	sdelay $0x3  }
0x94: {  	_ =	strace s2  }
0x95: {  	s2 =	sld [smem:$0x3FFD];
	_ =	sdelay $0x3  }
0x96: {  	_ =	strace s2  }
0x97: {  	_ =	strace $0x8FFFFFFF  }
0x98: {  	s18 =	sld [smem:$0x3FDB];
	_ =	sdelay $0x1  }
0x99: {  	s19 =	simm.s32 $_scs_section_size  }
0x9a: {  	s4 =	simm.s32 $_size__tile_overlayer_lowered;
	s5 =	simm.s32 $_tile_overlayer_lowered  }
0x9b: {  	s22 =	simm.s32 $0x1BFF;
	s21 =	sshll.u32 s5, $0x1;
	s2 =	sadd.s32 s19, s18  }
0x9c: {  	s6 =	simm.s32 $0x0;
	s20 =	sshll.u32 s4, $0x1;
	s4 =	sadd.s32 s21, s2  }
0x9d: {  	[timem:s6], [sflag:s22] =	dma.local [hbm:s4], s20  }
0x9e: {  	_ =	swait.ge [sflag:s22], s20  }
0x9f: {  	s3 =	ssub.s32 $0x0, s20;
	[sflag:s22] =	ssyncset.done $0x0  }
0xa0: {  	[sflag:s22] =	ssyncadd.s32 s3;
	_ =	sdelay $0x1  }
0xa1: {  	s23 =	simm.s32 $0x1B8B  }
0xa2: {  	_ =	swait.ge [sflag:s23], $0x1  }
0xa3: {  	[sflag:s23] =	ssyncset.done $0x0  }
0xa4: {  	s25 =	simm.s32 $0x1B8E;
	s24 =	sld [smem:$0x3FFE];
	[sflag:s23] =	ssyncadd.s32 $0xFFFFFFFF  }
0xa5: {  	s26 =	simm.s32 $execute0_lowered;
	[smem:$0x3FD2] =	sst s25  }
0xa6: {  	s4 =	sshll.u32 s26, $0x1;
	_ =	strace $0x8000004C;
	[dreg:$0x1] =	wrdreg $0xFFFFFFFF  }
0xa7: {  	s28 =	simm.s32 $_size_execute0_lowered;
	s2 =	sadd.s32 s2, s4;
	[dreg:$0x0] =	wrdreg $0x0  }
0xa8: {  	s4 =	sshll.u32 s28, $0x1;
	[dreg:$0x2] =	wrdreg s2  }
0xa9: {  	[dreg:$0x3] =	wrdreg s4  }
0xaa: {  	[dreg:$0x4] =	wrdreg $0xC0  }
0xab: {  	_ =	task [dreg:s6], $0x5FFFF  }
0xac: {  	[dreg:$0x1] =	wrdreg $0xFFFFFFFF  }
0xad: {  	[dreg:$0x0] =	wrdreg $0x60  }
0xae: {  	[dreg:$0x2] =	wrdreg s24  }
0xaf: {  	[dreg:$0x3] =	wrdreg $0x0  }
0xb0: {  	[dreg:$0x4] =	wrdreg $0xA0000  }
0xb1: {  	[dreg:$0x5] =	wrdreg $0x9  }
0xb2: {  	_ =	task.clear_ibuf [dreg:s6], $0x6FFFF;
	_ =	strace $0x9000004C  }
0xb3: {  	s29 =	simm.s32 $0x9;
	_ =	strace $0x8000004E  }
0xb4: {  	_ =	swait.ge [sflag:s29], $0x1  }
0xb5: {  	[sflag:s29] =	ssyncadd.s32 $0xFFFFFFFF  }
0xb6: {  	_ =	strace $0x9000004E  }
0xb7: {  	_ =	sfence  }
0xb8: {  	s30 =	sld [smem:$0x0];
	_ =	sdelay $0x2  }
0xb9: {  	s31 =	sshll.u32 s1, $0xD;
	s1 =	sshrl.u32 s1, $0x2  }
0xba: {  	s3 =	sand.u32 $0x4000, s31;
	s1 =	sadd.s32 s1, s30  }
0xbb: {  	s0 =	sor.u32 s3, s0;
	s1 =	sshll.u32 s1, $0x11  }
0xbc: {  	s0 =	sor.u32 s1, s0  }
0xbd: {  	s0 =	sadd.s32 $0x8F2B, s0  }
0xbe: {  	[sflag:s0] =	ssyncadd.remote.s32 $0x1  }
0xbf: {  	_ =	sfence.sel $0xFFFF  }
0xc0: {  	[dreg:$0x0] =	wrdreg $0xFFFFFFFF;
	(pc) =	sbr.abs _section_cstart, $3  }
0xc1: {  	[dreg:$0x1] =	wrdreg $0xFFFFFFFF  }
0xc2: {  	_ =	task.clear_ibuf [dreg:s6], $0x2FFFF;
	_ =	strace $0x9FFFFFFF  }
0xc3: {  	(tm) =	ssettm $0x7FFFFFFF  }
tec
execute0_lowered:
.L_overlay_start_1:
0x0: {  	(tag) =	ssettag $0x1  }
0x1: {  	s0 =	rddreg [dreg:$0x0]  }
0x2: {  	s2 =	rddreg [dreg:$0x1]  }
0x3: {  	s3 =	rddreg [dreg:$0x2]  }
0x4: {  	s9 =	stileid.u32;
	s1 =	srdreg.scid  }
0x5: {  	s4 =	simm.s32 $0x0;
	s12 =	simm.s32 $0x14000;
	s17 =	simm.s32 $0x1  }
0x6: {  	s18 =	simm.s32 $0x2;
	s19 =	simm.s32 $0x3;
	s20 =	simm.s32 $0x4  }
0x7: {  	s21 =	simm.s32 $0x7D;
	s22 =	simm.s32 $0x19000;
	s24 =	simm.s32 $0x1AF40  }
0x8: {  	s28 =	simm.s32 $0x5;
	s29 =	simm.s32 $0x6;
	s23 =	simm.s32 $0x18F00  }
0x9: {  	s25 =	simm.s32 $0x7;
	s30 =	simm.s32 $0x18F80;
	s31 =	simm.s32 $0x0  }
0xa: {  	s10 =	smul.u32 $0xA000, s9;
	s1 =	sand.u32 $0x1, s1;
	[smem:$0x7FF] =	sst s4  }
0xb: {  	s5 =	sshll.u32 s9, $0x1;
	s6 =	smul.u32 $0xA0000, s1;
	_ =	strace $0x8000004D  }
0xc: {  	s5 =	sor.u32 s1, s5;
	s1 =	ssub.s32 $0x2, s1;
	s7 =	sshrl.u32 s10, $0x3  }
0xd: {  	s5 =	smul.u32 $0x500, s5;
	s26 =	sshrl.u32 s1, $0x1;
	s13 =	sadd.s32 s10, s2  }
0xe: {  	s16 =	sadd.s32 s10, s3;
	s6 =	sadd.s32 s10, s6;
	s7 =	sadd.s32 s7, s0  }
0xf: {  	s1 =	ssub.s32 s1, s26;
	s14 =	sshrl.u32 s13, $0x3;
	s16 =	sshrl.u32 s16, $0x3  }
0x10: {  	s26 =	simm.s32 $0x1CE80;
	s6 =	sshrl.u32 s6, $0x3;
	s8 =	sadd.s32 s5, s0  }
0x11: {  	s7 =	sadd.s32 $0x26600, s7;
	s11 =	smax.u32 s1, $0x1;
	s0 =	sadd.s32 s6, s0  }
0x12: {  	s5 =	sadd.s32 $0x1C600, s8;
	s6 =	sadd.s32 $0x3600, s8;
	s8 =	sshll.u32 s9, $0x6  }
0x13: {  	s9 =	sor.u32 $0x1C03, s8;
	s10 =	sadd.s32 $0x3A600, s0;
	s15 =	sor.u32 $0x1C04, s8  }
.LBB2_1:
0x14: {  	[tilespmem:s12], [sflag:$0x1] =	stream.linear.gather [hbm4b:s5+s4], $0x2800, $0x38;
	[tilespmem:$0x1EDC0] =	vst v63  }
0x15: {  	s0 =	simm.s32 $0x16800  }
0x16: {  	[tilespmem:s0], [sflag:$0x2] =	stream.linear.gather [hbm4b:s6+s4], $0x2800, $0x38;
	[tilespmem:$0x1EDC0] =	vst v63  }
0x17: {  	[spmem:s14], [sflag:s9] =	dma.local [hbm:s7], $0x1400  }
0x18: {  	[spmem:s16], [sflag:s15] =	dma.local [hbm:s7], $0x1400  }
0x19: {  	_ =	swait.ge [sflag:s17], $0x2800  }
0x1a: {  	[sflag:s17] =	ssyncset.done $0x0  }
0x1b: {  	[sflag:s17] =	ssyncadd.s32 $0xFFFFD800  }
0x1c: {  	_ =	swait.ge [sflag:s18], $0x2800  }
0x1d: {  	[sflag:s18] =	ssyncset.done $0x0  }
0x1e: {  	[sflag:s18] =	ssyncadd.s32 $0xFFFFD800  }
0x1f: {  	_ =	swait.ge [sflag:s19], $0x1400  }
0x20: {  	[sflag:s19] =	ssyncset.done $0x0  }
0x21: {  	[sflag:s19] =	ssyncadd.s32 $0xFFFFEC00  }
0x22: {  	_ =	swait.ge [sflag:s20], $0x1400  }
0x23: {  	[sflag:s20] =	ssyncset.done $0x0  }
0x24: {  	[sflag:s20] =	ssyncadd.s32 $0xFFFFEC00  }
0x25: {  	[bflag:$0x0] =	sbarrier.arrive $0xFFFF  }
0x26: {  	[tilespmem:s22], [sflag:$0x1] =	stream.indirect.gather [spmem:s3], $0x40, s12, s21, $0xb8;
	[tilespmem:$0x1EDC0] =	vst v63  }
0x27: {  	s13 =	simm.s32 $0x14080  }
0x28: {  	[tilespmem:s24], [sflag:$0x2] =	stream.indirect.gather [spmem:s3], $0x40, s13, s21, $0xb8;
	[tilespmem:$0x1EDC0] =	vst v63  }
0x29: {  	s1 =	simm.s32 $0x14100  }
0x2a: {  	[tilespmem:s26], [sflag:$0x3] =	stream.indirect.gather [spmem:s3], $0x40, s1, s21, $0xb8;
	[tilespmem:$0x1EDC0] =	vst v63  }
0x2b: {  	_ =	swait.ge [sflag:s17], $0x1F40  }
0x2c: {  	[sflag:s17] =	ssyncset.done $0x0  }
0x2d: {  	s13 =	simm.s32 $0x16800;
	[sflag:s17] =	ssyncadd.s32 $0xFFFFE0C0  }
0x2e: {  	[spmem:s2] =	stream.indirect.scatter.add.f32 [tilespmem:s22], [sflag:$0x4], $0x40, s13, s21, $0xb8;
	[tilespmem:$0x1EDC0] =	vst v63  }
0x2f: {  	_ =	swait.ge [sflag:s18], $0x1F40  }
0x30: {  	[sflag:s18] =	ssyncset.done $0x0  }
0x31: {  	s1 =	simm.s32 $0x16880;
	[sflag:s18] =	ssyncadd.s32 $0xFFFFE0C0  }
0x32: {  	[spmem:s2] =	stream.indirect.scatter.add.f32 [tilespmem:s24], [sflag:$0x5], $0x40, s1, s21, $0xb8;
	[tilespmem:$0x1EDC0] =	vst v63  }
0x33: {  	_ =	swait.ge [sflag:s19], $0x1F40  }
0x34: {  	[sflag:s19] =	ssyncset.done $0x0  }
0x35: {  	s13 =	simm.s32 $0x16900;
	[sflag:s19] =	ssyncadd.s32 $0xFFFFE0C0  }
0x36: {  	[spmem:s2] =	stream.indirect.scatter.add.f32 [tilespmem:s26], [sflag:$0x6], $0x40, s13, s21, $0xb8;
	[tilespmem:$0x1EDC0] =	vst v63  }
0x37: {  	_ =	swait.ge [sflag:s20], $0x1F40  }
0x38: {  	[sflag:s20] =	ssyncset.done $0x0  }
0x39: {  	s1 =	simm.s32 $0x14180;
	[sflag:s20] =	ssyncadd.s32 $0xFFFFE0C0  }
0x3a: {  	[tilespmem:s22], [sflag:$0x1] =	stream.indirect.gather [spmem:s3], $0x40, s1, s21, $0xb8;
	[tilespmem:$0x1EDC0] =	vst v63  }
0x3b: {  	_ =	swait.ge [sflag:s28], $0x1F40  }
0x3c: {  	[sflag:s28] =	ssyncset.done $0x0  }
0x3d: {  	s13 =	simm.s32 $0x14200;
	[sflag:s28] =	ssyncadd.s32 $0xFFFFE0C0  }
0x3e: {  	[tilespmem:s24], [sflag:$0x2] =	stream.indirect.gather [spmem:s3], $0x40, s13, s21, $0xb8;
	[tilespmem:$0x1EDC0] =	vst v63  }
0x3f: {  	_ =	swait.ge [sflag:s29], $0x1F40  }
0x40: {  	[sflag:s29] =	ssyncset.done $0x0  }
0x41: {  	s0 =	simm.s32 $0x600;
	s1 =	simm.s32 $0x14280;
	[sflag:s29] =	ssyncadd.s32 $0xFFFFE0C0  }
.LBB2_2:
0x42: {  	[tilespmem:s26], [sflag:$0x3] =	stream.indirect.gather [spmem:s3], $0x40, s1, s21, $0xb8;
	[tilespmem:$0x1EDC0] =	vst v63  }
0x43: {  	s1 =	smov.u32 s0  }
0x44: {  	p0 =	sne.s32 s0, $0x9000;
	s0 =	sadd.s32 $0x600, s0;
	_ =	swait.ge [sflag:s17], $0x1F40  }
0x45: {  	s1 =	sshra.s32 s1, $0x2;
	[sflag:s17] =	ssyncset.done $0x0  }
0x46: {  	s13 =	sadd.s32 $0x16800, s1;
	[sflag:s17] =	ssyncadd.s32 $0xFFFFE0C0  }
0x47: {  	[spmem:s2] =	stream.indirect.scatter.add.f32 [tilespmem:s22], [sflag:$0x4], $0x40, s13, s21, $0xb8;
	[tilespmem:$0x1EDC0] =	vst v63  }
0x48: {  	_ =	swait.ge [sflag:s18], $0x1F40  }
0x49: {  	[sflag:s18] =	ssyncset.done $0x0  }
0x4a: {  	s13 =	sadd.s32 $0x16880, s1;
	[sflag:s18] =	ssyncadd.s32 $0xFFFFE0C0  }
0x4b: {  	[spmem:s2] =	stream.indirect.scatter.add.f32 [tilespmem:s24], [sflag:$0x5], $0x40, s13, s21, $0xb8;
	[tilespmem:$0x1EDC0] =	vst v63  }
0x4c: {  	_ =	swait.ge [sflag:s19], $0x1F40  }
0x4d: {  	[sflag:s19] =	ssyncset.done $0x0  }
0x4e: {  	s13 =	sadd.s32 $0x16900, s1;
	[sflag:s19] =	ssyncadd.s32 $0xFFFFE0C0  }
0x4f: {  	[spmem:s2] =	stream.indirect.scatter.add.f32 [tilespmem:s26], [sflag:$0x6], $0x40, s13, s21, $0xb8;
	[tilespmem:$0x1EDC0] =	vst v63  }
0x50: {  	_ =	swait.ge [sflag:s20], $0x1F40  }
0x51: {  	[sflag:s20] =	ssyncset.done $0x0  }
0x52: {  	s13 =	sadd.s32 $0x14180, s1;
	[sflag:s20] =	ssyncadd.s32 $0xFFFFE0C0  }
0x53: {  	[tilespmem:s22], [sflag:$0x1] =	stream.indirect.gather [spmem:s3], $0x40, s13, s21, $0xb8;
	[tilespmem:$0x1EDC0] =	vst v63  }
0x54: {  	_ =	swait.ge [sflag:s28], $0x1F40  }
0x55: {  	[sflag:s28] =	ssyncset.done $0x0  }
.Ltmp0:
0x56: {  	s13 =	sadd.s32 $0x14200, s1;
	[sflag:s28] =	ssyncadd.s32 $0xFFFFE0C0;
	(pc) =	sbr.rel @p0 .LBB2_2-.Ltmp0, $4  }
0x57: {  	[tilespmem:s24], [sflag:$0x2] =	stream.indirect.gather [spmem:s3], $0x40, s13, s21, $0xb8;
	[tilespmem:$0x1EDC0] =	vst v63  }
0x58: {  	_ =	swait.ge [sflag:s29], $0x1F40  }
0x59: {  	[sflag:s29] =	ssyncset.done $0x0  }
0x5a: {  	s1 =	sadd.s32 $0x14280, s1;
	[sflag:s29] =	ssyncadd.s32 $0xFFFFE0C0  }
0x5b: {  	[tilespmem:s26], [sflag:$0x3] =	stream.indirect.gather [spmem:s3], $0x40, s1, s21, $0xb8;
	[tilespmem:$0x1EDC0] =	vst v63  }
0x5c: {  	_ =	swait.ge [sflag:s17], $0x1F40  }
0x5d: {  	[sflag:s17] =	ssyncset.done $0x0  }
0x5e: {  	s0 =	simm.s32 $0x18D80;
	[sflag:s17] =	ssyncadd.s32 $0xFFFFE0C0  }
0x5f: {  	[spmem:s2] =	stream.indirect.scatter.add.f32 [tilespmem:s22], [sflag:$0x4], $0x40, s0, s21, $0xb8;
	[tilespmem:$0x1EDC0] =	vst v63  }
0x60: {  	_ =	swait.ge [sflag:s18], $0x1F40  }
0x61: {  	[sflag:s18] =	ssyncset.done $0x0  }
0x62: {  	s13 =	simm.s32 $0x18E00;
	[sflag:s18] =	ssyncadd.s32 $0xFFFFE0C0  }
0x63: {  	[spmem:s2] =	stream.indirect.scatter.add.f32 [tilespmem:s24], [sflag:$0x5], $0x40, s13, s21, $0xb8;
	[tilespmem:$0x1EDC0] =	vst v63  }
0x64: {  	_ =	swait.ge [sflag:s19], $0x1F40  }
0x65: {  	[sflag:s19] =	ssyncset.done $0x0  }
0x66: {  	s1 =	simm.s32 $0x18E80;
	[sflag:s19] =	ssyncadd.s32 $0xFFFFE0C0  }
0x67: {  	[spmem:s2] =	stream.indirect.scatter.add.f32 [tilespmem:s26], [sflag:$0x6], $0x40, s1, s21, $0xb8;
	[tilespmem:$0x1EDC0] =	vst v63  }
0x68: {  	_ =	swait.ge [sflag:s20], $0x1F40  }
0x69: {  	[sflag:s20] =	ssyncset.done $0x0  }
0x6a: {  	[sflag:s20] =	ssyncadd.s32 $0xFFFFE0C0  }
0x6b: {  	_ =	swait.ge [sflag:s28], $0x1F40  }
0x6c: {  	[sflag:s28] =	ssyncset.done $0x0  }
0x6d: {  	[sflag:s28] =	ssyncadd.s32 $0xFFFFE0C0  }
0x6e: {  	_ =	swait.ge [sflag:s29], $0x1F40  }
0x6f: {  	[sflag:s29] =	ssyncset.done $0x0  }
0x70: {  	s13 =	simm.s32 $0x16700;
	[sflag:s29] =	ssyncadd.s32 $0xFFFFE0C0  }
0x71: {  	[tilespmem:s22], [sflag:$0x1] =	stream.indirect.gather [spmem:s3], $0x40, s13, s21, $0xb8;
	[tilespmem:$0x1EDC0] =	vst v63  }
0x72: {  	s1 =	simm.s32 $0x16780  }
0x73: {  	[tilespmem:s24], [sflag:$0x2] =	stream.indirect.gather [spmem:s3], $0x40, s1, s21, $0xb8;
	[tilespmem:$0x1EDC0] =	vst v63  }
0x74: {  	_ =	swait.ge [sflag:s17], $0x1F40  }
0x75: {  	[sflag:s17] =	ssyncset.done $0x0  }
0x76: {  	[sflag:s17] =	ssyncadd.s32 $0xFFFFE0C0  }
0x77: {  	[spmem:s2] =	stream.indirect.scatter.add.f32 [tilespmem:s22], [sflag:$0x7], $0x40, s23, s21, $0xb8;
	[tilespmem:$0x1EDC0] =	vst v63  }
0x78: {  	_ =	swait.ge [sflag:s25], $0x1F40  }
0x79: {  	[sflag:s25] =	ssyncset.done $0x0  }
0x7a: {  	[sflag:s25] =	ssyncadd.s32 $0xFFFFE0C0  }
0x7b: {  	_ =	swait.ge [sflag:s18], $0x1F40  }
0x7c: {  	[sflag:s18] =	ssyncset.done $0x0  }
0x7d: {  	[sflag:s18] =	ssyncadd.s32 $0xFFFFE0C0  }
0x7e: {  	[spmem:s2] =	stream.indirect.scatter.add.f32 [tilespmem:s24], [sflag:$0x7], $0x40, s30, s21, $0xb8;
	[tilespmem:$0x1EDC0] =	vst v63  }
0x7f: {  	_ =	swait.ge [sflag:s25], $0x1F40  }
0x80: {  	s31 =	sadd.s32 $0x1, s31;
	[sflag:s25] =	ssyncset.done $0x0  }
0x81: {  	p0 =	sne.s32 s31, s11;
	[sflag:s25] =	ssyncadd.s32 $0xFFFFE0C0  }
.Ltmp1:
0x82: {  	s13 =	sor.u32 $0x1C07, s8;
	[bflag:$0x0] =	sbarrier.arrive $0xFFFF;
	(pc) =	sbr.rel @p0 .LBB2_1-.Ltmp1, $4  }
0x83: {  	[hbm:s10], [sflag:s13] =	dma.local [spmem:s14], $0x1400  }
0x84: {  	_ =	swait.ge [sflag:s25], $0x1400  }
0x85: {  	[sflag:s25] =	ssyncset.done $0x0  }
0x86: {  	[sflag:s25] =	ssyncadd.s32 $0xFFFFEC00  }
0x87: {  	_ =	sfence.sel $0x180000  }
0x88: {  	[bflag:$0x0] =	sbarrier.arrive $0xFFFF  }
0x89: {  	_ =	strace $0x9000004D  }
0x8a: {  	s0 =	stileid.u32;
	[bflag:$0x2] =	sbarrier.arrive $0xFFFF  }
0x8b: {  	p0 =	sne.s32 s0, $0x0;
	s0 =	rddreg [dreg:$0x3]  }
0x8c: {  	s0 =	sadd.s32 @!p0 $0x100000, s0  }
0x8d: {  	[sflag:s0] =	ssyncadd.tile.s32 @!p0 $0x1;
	_ =	shalt  }
.Lfunc_end2:
_tile_overlayer_lowered:
.L_overlay_start_2:
0x8e: {  	(tag) =	ssettag $0x2  }
0x8f: {  	s0 =	rddreg [dreg:$0x0];
	s2 =	stileid.u32  }
0x90: {  	s1 =	rddreg [dreg:$0x1];
	p0 =	sne.s32 s2, $0x0  }
0x91: {  	s3 =	rddreg [dreg:$0x2];
	[bflag:$0x3] =	sbarrier.arrive $0xFFFF;
	s2 =	simm.s32 @!p0 $0x1C07  }
0x92: {  	[timem:s3], [sflag:s2] =	dma.local @!p0 [hbm:s0], s1  }
0x93: {  	s0 =	simm.s32 @!p0 $0x7  }
0x94: {  	_ =	swait.ge @!p0 [sflag:s0], s1  }
0x95: {  	s1 =	ssub.s32 @!p0 $0x0, s1;
	[sflag:s0] =	ssyncset.done @!p0 $0x0  }
0x96: {  	[sflag:s0] =	ssyncadd.s32 @!p0 s1  }
0x97: {  	[bflag:$0x3] =	sbarrier.arrive $0xFFFF  }
0x98: {  	_ =	shalt  }

// kernel: kernel.21.cloned.1.call-start
scs
__scs_entry_jumppad:
0x0: {  	(pc) =	sbr.rel $0x88, $3  }
0x1: {  	(tag) =	ssettag $0x0;
	lr =	simm.s32 $0x1  }
0x2: {  	[smem:$0x3F97] =	sst lr;
	_ =	strace $0xD0000000  }
0x3: {  	_ = 	snop  }
0x4: {  	_ = 	snop  }
0x5: {  	_ = 	snop  }
0x6: {  	_ = 	snop  }
0x7: {  	_ = 	snop  }
__scs_overlays_trampoline_lowered:
0x8: {  	[smem:$0x3FA6] =	sst s0  }
0x9: {  	[smem:$0x3FA7] =	sst s1  }
0xa: {  	[smem:$0x3FA8] =	sst s2  }
0xb: {  	[smem:$0x3FA9] =	sst s3  }
0xc: {  	[smem:$0x3FAA] =	sst s4  }
0xd: {  	[smem:$0x3FAB] =	sst s5  }
0xe: {  	[smem:$0x3FAC] =	sst s6  }
0xf: {  	[smem:$0x3FAD] =	sst s7  }
0x10: {  	[smem:$0x3FAE] =	sst s8  }
0x11: {  	[smem:$0x3FAF] =	sst s9;
	s0 =	simm.s32 @!p0 $0x0  }
0x12: {  	s1 =	sld [smem:$0x3F95];
	s0 =	simm.s32 @p0 $0x1  }
0x13: {  	[smem:$0x3FB0] =	sst s0;
	s0 =	simm.s32 @!p1 $0x0  }
0x14: {  	s2 =	sld [smem:$0x3F94];
	s0 =	simm.s32 @p1 $0x1  }
0x15: {  	[smem:$0x3FB1] =	sst s0;
	s0 =	simm.s32 @!p2 $0x0  }
0x16: {  	s3 =	sld [smem:$0x3FDB];
	s0 =	simm.s32 @p2 $0x1  }
0x17: {  	s4 =	simm.s32 $0x1BF5;
	[smem:$0x3FB3] =	sst s0  }
0x18: {  	s0 =	sld [smem:$0x3F96];
	_ =	swait.ge [sflag:s4], $0x0  }
0x19: {  	s7 =	sld [smem:$0x3F97]  }
0x1a: {  	s8 =	sadd.s32 $0xFFFFE003, lr  }
0x1b: {  	s9 =	sadd.s32 $0xFFFFFEF7, lr;
	s5 =	simm.s32 $0xFFFFFFFF;
	p2 =	slt.u32 s8, $0xFFFFF086  }
0x1c: {  	p1 =	slt.u32 s9, $0xF7A;
	s5 =	simm.s32 @!p2 $0x0  }
0x1d: {  	s5 =	simm.s32 @p1 $0x1;
	p0 =	seq.s32 s7, s2  }
0x1e: {  	s7 =	smul.u32 @!p0 $0xF7A, s2;
	p2 =	seq.s32 @!p0 s5, $0x0  }
0x1f: {  	s9 =	smul.u32 $0xF7A, s1;
	s8 =	simm.s32 @!p0 $0x1BF5;
	p2 =	por !p2, p0  }
0x20: {  	[sflag:s8] =	ssyncset.s32 @!p0 $0xFFFFF086;
	s6 =	sadd.s32 @!p0 s3, s7;
	s7 =	simm.s32 @!p0 $0x108  }
0x21: {  	s3 =	sadd.s32 s3, s9;
	s6 =	sadd.s32 @!p0 $0x88, s6;
	s7 =	simm.s32 @p2 $0x1082  }
0x22: {  	[simem:s7], [sflag:s8] =	dma.local @!p0 [hbm:s6], $0xF7A  }
0x23: {  	s9 =	sor.u32 $0xD0000000, s2;
	s6 =	simm.s32 $0x108;
	_ =	swait.ge @!p0 [sflag:s8], $0x0  }
0x24: {  	s3 =	sadd.s32 $0x88, s3;
	s6 =	simm.s32 @!p1 $0x1082;
	[sflag:s4] =	ssyncset.s32 $0xFFFFF086  }
0x25: {  	[simem:s6], [sflag:s4] =	dma.local [hbm:s3], $0xF7A  }
0x26: {  	[smem:$0x3F97] =	sst s1;
	(tag) =	ssettag s2;
	_ =	strace s9  }
0x27: {  	s1 =	sld [smem:$0x3FA7]  }
0x28: {  	s2 =	sld [smem:$0x3FA8]  }
0x29: {  	s4 =	sld [smem:$0x3FAA]  }
0x2a: {  	p0 =	seq.s32 s5, $0x0;
	s5 =	sld [smem:$0x3FAB]  }
0x2b: {  	s6 =	sld [smem:$0x3FAC]  }
0x2c: {  	s7 =	sld [smem:$0x3FAD]  }
0x2d: {  	s3 =	simm.s32 $0x108;
	s8 =	sld [smem:$0x3FAE]  }
0x2e: {  	s3 =	simm.s32 @!p0 $0x1082;
	s9 =	sld [smem:$0x3FAF]  }
0x2f: {  	lr =	sadd.s32 s0, s3;
	s0 =	sld [smem:$0x3FA6]  }
0x30: {  	s3 =	sld [smem:$0x3FA9]  }
0x31: {  	[smem:$0x3FB2] =	sst s10  }
0x32: {  	s10 =	sld [smem:$0x3FB0];
	_ =	sdelay $0x3  }
0x33: {  	p0 =	seq.s32 s10, $0x1;
	s10 =	sld [smem:$0x3FB2];
	_ =	sdelay $0x3  }
0x34: {  	[smem:$0x3FB2] =	sst s10  }
0x35: {  	s10 =	sld [smem:$0x3FB1];
	_ =	sdelay $0x3  }
0x36: {  	p1 =	seq.s32 s10, $0x1;
	s10 =	sld [smem:$0x3FB2];
	_ =	sdelay $0x3  }
0x37: {  	[smem:$0x3FB2] =	sst s10  }
0x38: {  	s10 =	sld [smem:$0x3FB3]  }
0x39: {  	_ = 	snop;
	(pc) =	sbr.ind lr, $3  }
0x3a: {  	_ = 	snop  }
0x3b: {  	_ = 	snop  }
0x3c: {  	p2 =	seq.s32 s10, $0x1;
	s10 =	sld [smem:$0x3FB2]  }
0x3d: {  	_ =	shalt  }
0x3e: {  	_ =	shalt  }
0x3f: {  	_ =	shalt  }
0x40: {  	_ =	shalt  }
0x41: {  	_ =	shalt  }
0x42: {  	_ =	shalt  }
0x43: {  	_ =	shalt  }
0x44: {  	_ =	shalt  }
0x45: {  	_ =	shalt  }
0x46: {  	_ =	shalt  }
0x47: {  	_ =	shalt  }
0x48: {  	_ =	shalt  }
0x49: {  	_ =	shalt  }
0x4a: {  	_ =	shalt  }
0x4b: {  	_ =	shalt  }
0x4c: {  	_ =	shalt  }
0x4d: {  	_ =	shalt  }
0x4e: {  	_ =	shalt  }
0x4f: {  	_ =	shalt  }
0x50: {  	_ =	shalt  }
0x51: {  	_ =	shalt  }
0x52: {  	_ =	shalt  }
0x53: {  	_ =	shalt  }
0x54: {  	_ =	shalt  }
0x55: {  	_ =	shalt  }
0x56: {  	_ =	shalt  }
0x57: {  	_ =	shalt  }
0x58: {  	_ =	shalt  }
0x59: {  	_ =	shalt  }
0x5a: {  	_ =	shalt  }
0x5b: {  	_ =	shalt  }
0x5c: {  	_ =	shalt  }
0x5d: {  	_ =	shalt  }
0x5e: {  	_ =	shalt  }
0x5f: {  	_ =	shalt  }
0x60: {  	_ =	shalt  }
0x61: {  	_ =	shalt  }
0x62: {  	_ =	shalt  }
0x63: {  	_ =	shalt  }
0x64: {  	_ =	shalt  }
0x65: {  	_ =	shalt  }
0x66: {  	_ =	shalt  }
0x67: {  	_ =	shalt  }
0x68: {  	_ =	shalt  }
0x69: {  	_ =	shalt  }
0x6a: {  	_ =	shalt  }
0x6b: {  	_ =	shalt  }
0x6c: {  	_ =	shalt  }
0x6d: {  	_ =	shalt  }
0x6e: {  	_ =	shalt  }
0x6f: {  	_ =	shalt  }
0x70: {  	_ =	shalt  }
0x71: {  	_ =	shalt  }
0x72: {  	_ =	shalt  }
0x73: {  	_ =	shalt  }
0x74: {  	_ =	shalt  }
0x75: {  	_ =	shalt  }
0x76: {  	_ =	shalt  }
0x77: {  	_ =	shalt  }
0x78: {  	_ =	shalt  }
0x79: {  	_ =	shalt  }
0x7a: {  	_ =	shalt  }
0x7b: {  	_ =	shalt  }
0x7c: {  	_ =	shalt  }
0x7d: {  	_ =	shalt  }
0x7e: {  	_ =	shalt  }
0x7f: {  	_ =	shalt  }
0x80: {  	_ =	shalt  }
0x81: {  	_ =	shalt  }
0x82: {  	_ =	shalt  }
0x83: {  	_ =	shalt  }
0x84: {  	_ =	shalt  }
0x85: {  	_ =	shalt  }
0x86: {  	_ =	shalt  }
0x87: {  	_ =	shalt  }
.Lfunc_end0:
.L_simem_size_0:
called_computation.3_lowered:
.L_overlay_start_0:
0x88: {  	s2 =	sld [smem:$0x3FD9]  }
0x89: {  	s3 =	sld [smem:$0x3FFE];
	_ =	sdelay $0x1  }
0x8a: {  	s1 =	srdreg.scid  }
0x8b: {  	s0 =	sand.u32 $0x1, s1  }
0x8c: {  	s16 =	sshll.u32 s0, $0xA;
	s2 =	sadd.s32 s3, s2  }
0x8d: {  	s2 =	sadd.s32 s2, s16  }
0x8e: {  	[smem:$0x3FBE] =	sst s2  }
0x8f: {  	_ = 	snop  }
0x90: {  	(tm) =	ssettm $0x1  }
0x91: {  	s17 =	sld [smem:$0x3FFB];
	_ =	sdelay $0x3  }
0x92: {  	_ =	strace s17  }
0x93: {  	s2 =	sld [smem:$0x3FFC];
	_ =	sdelay $0x3  }
0x94: {  	_ =	strace s2  }
0x95: {  	s2 =	sld [smem:$0x3FFD];
	_ =	sdelay $0x3  }
0x96: {  	_ =	strace s2  }
0x97: {  	_ =	strace $0x8FFFFFFF  }
0x98: {  	s18 =	sld [smem:$0x3FDB];
	_ =	sdelay $0x1  }
0x99: {  	s19 =	simm.s32 $_scs_section_size  }
0x9a: {  	s4 =	simm.s32 $_size__tile_overlayer_lowered;
	s5 =	simm.s32 $_tile_overlayer_lowered  }
0x9b: {  	s22 =	simm.s32 $0x1BFF;
	s21 =	sshll.u32 s5, $0x1;
	s2 =	sadd.s32 s19, s18  }
0x9c: {  	s6 =	simm.s32 $0x0;
	s20 =	sshll.u32 s4, $0x1;
	s4 =	sadd.s32 s21, s2  }
0x9d: {  	[timem:s6], [sflag:s22] =	dma.local [hbm:s4], s20  }
0x9e: {  	_ =	swait.ge [sflag:s22], s20  }
0x9f: {  	s3 =	ssub.s32 $0x0, s20;
	[sflag:s22] =	ssyncset.done $0x0  }
0xa0: {  	[sflag:s22] =	ssyncadd.s32 s3;
	_ =	sdelay $0x1  }
0xa1: {  	s23 =	simm.s32 $0x1B8B  }
0xa2: {  	_ =	swait.ge [sflag:s23], $0x1  }
0xa3: {  	[sflag:s23] =	ssyncset.done $0x0  }
0xa4: {  	s25 =	simm.s32 $0x1B8E;
	s24 =	sld [smem:$0x3FFE];
	[sflag:s23] =	ssyncadd.s32 $0xFFFFFFFF  }
0xa5: {  	s26 =	simm.s32 $execute0_lowered;
	[smem:$0x3FD2] =	sst s25  }
0xa6: {  	s4 =	sshll.u32 s26, $0x1;
	_ =	strace $0x8000004F;
	[dreg:$0x1] =	wrdreg $0xFFFFFFFF  }
0xa7: {  	s28 =	simm.s32 $_size_execute0_lowered;
	s2 =	sadd.s32 s2, s4;
	[dreg:$0x0] =	wrdreg $0x0  }
0xa8: {  	s4 =	sshll.u32 s28, $0x1;
	[dreg:$0x2] =	wrdreg s2  }
0xa9: {  	[dreg:$0x3] =	wrdreg s4  }
0xaa: {  	[dreg:$0x4] =	wrdreg $0xC0  }
0xab: {  	_ =	task [dreg:s6], $0x5FFFF  }
0xac: {  	[dreg:$0x1] =	wrdreg $0xFFFFFFFF  }
0xad: {  	[dreg:$0x0] =	wrdreg $0x60  }
0xae: {  	[dreg:$0x2] =	wrdreg s24  }
0xaf: {  	[dreg:$0x3] =	wrdreg $0x0  }
0xb0: {  	[dreg:$0x4] =	wrdreg $0xA0000  }
0xb1: {  	[dreg:$0x5] =	wrdreg $0x9  }
0xb2: {  	_ =	task.clear_ibuf [dreg:s6], $0x6FFFF;
	_ =	strace $0x9000004F  }
0xb3: {  	s29 =	simm.s32 $0x9;
	_ =	strace $0x80000051  }
0xb4: {  	_ =	swait.ge [sflag:s29], $0x1  }
0xb5: {  	[sflag:s29] =	ssyncadd.s32 $0xFFFFFFFF  }
0xb6: {  	_ =	strace $0x90000051  }
0xb7: {  	_ =	sfence  }
0xb8: {  	s30 =	sld [smem:$0x0];
	_ =	sdelay $0x2  }
0xb9: {  	s31 =	sshll.u32 s1, $0xD;
	s1 =	sshrl.u32 s1, $0x2  }
0xba: {  	s3 =	sand.u32 $0x4000, s31;
	s1 =	sadd.s32 s1, s30  }
0xbb: {  	s0 =	sor.u32 s3, s0;
	s1 =	sshll.u32 s1, $0x11  }
0xbc: {  	s0 =	sor.u32 s1, s0  }
0xbd: {  	s0 =	sadd.s32 $0x8F2B, s0  }
0xbe: {  	[sflag:s0] =	ssyncadd.remote.s32 $0x1  }
0xbf: {  	_ =	sfence.sel $0xFFFF  }
0xc0: {  	[dreg:$0x0] =	wrdreg $0xFFFFFFFF;
	(pc) =	sbr.abs _section_cstart, $3  }
0xc1: {  	[dreg:$0x1] =	wrdreg $0xFFFFFFFF  }
0xc2: {  	_ =	task.clear_ibuf [dreg:s6], $0x2FFFF;
	_ =	strace $0x9FFFFFFF  }
0xc3: {  	(tm) =	ssettm $0x7FFFFFFF  }
tec
execute0_lowered:
.L_overlay_start_1:
0x0: {  	(tag) =	ssettag $0x1  }
0x1: {  	s0 =	rddreg [dreg:$0x0]  }
0x2: {  	s2 =	rddreg [dreg:$0x1]  }
0x3: {  	s3 =	rddreg [dreg:$0x2]  }
0x4: {  	s9 =	stileid.u32;
	s1 =	srdreg.scid  }
0x5: {  	s4 =	simm.s32 $0x0;
	s12 =	simm.s32 $0x14000;
	s17 =	simm.s32 $0x1  }
0x6: {  	s18 =	simm.s32 $0x2;
	s19 =	simm.s32 $0x3;
	s20 =	simm.s32 $0x4  }
0x7: {  	s21 =	simm.s32 $0x7D;
	s22 =	simm.s32 $0x19000;
	s24 =	simm.s32 $0x1AF40  }
0x8: {  	s28 =	simm.s32 $0x5;
	s29 =	simm.s32 $0x6;
	s23 =	simm.s32 $0x18F00  }
0x9: {  	s25 =	simm.s32 $0x7;
	s30 =	simm.s32 $0x18F80;
	s31 =	simm.s32 $0x0  }
0xa: {  	s10 =	smul.u32 $0xA000, s9;
	s1 =	sand.u32 $0x1, s1;
	[smem:$0x7FF] =	sst s4  }
0xb: {  	s5 =	sshll.u32 s9, $0x1;
	s6 =	smul.u32 $0xA0000, s1;
	_ =	strace $0x80000050  }
0xc: {  	s5 =	sor.u32 s1, s5;
	s1 =	ssub.s32 $0x2, s1;
	s7 =	sshrl.u32 s10, $0x3  }
0xd: {  	s5 =	smul.u32 $0x500, s5;
	s26 =	sshrl.u32 s1, $0x1;
	s13 =	sadd.s32 s10, s2  }
0xe: {  	s16 =	sadd.s32 s10, s3;
	s6 =	sadd.s32 s10, s6;
	s7 =	sadd.s32 s7, s0  }
0xf: {  	s1 =	ssub.s32 s1, s26;
	s14 =	sshrl.u32 s13, $0x3;
	s16 =	sshrl.u32 s16, $0x3  }
0x10: {  	s26 =	simm.s32 $0x1CE80;
	s6 =	sshrl.u32 s6, $0x3;
	s8 =	sadd.s32 s5, s0  }
0x11: {  	s7 =	sadd.s32 $0x26600, s7;
	s11 =	smax.u32 s1, $0x1;
	s0 =	sadd.s32 s6, s0  }
0x12: {  	s5 =	sadd.s32 $0x1C600, s8;
	s6 =	sadd.s32 $0x3600, s8;
	s8 =	sshll.u32 s9, $0x6  }
0x13: {  	s9 =	sor.u32 $0x1C03, s8;
	s10 =	sadd.s32 $0x3A600, s0;
	s15 =	sor.u32 $0x1C04, s8  }
.LBB2_1:
0x14: {  	[tilespmem:s12], [sflag:$0x1] =	stream.linear.gather [hbm4b:s5+s4], $0x2800, $0x38;
	[tilespmem:$0x1EDC0] =	vst v63  }
0x15: {  	s0 =	simm.s32 $0x16800  }
0x16: {  	[tilespmem:s0], [sflag:$0x2] =	stream.linear.gather [hbm4b:s6+s4], $0x2800, $0x38;
	[tilespmem:$0x1EDC0] =	vst v63  }
0x17: {  	[spmem:s14], [sflag:s9] =	dma.local [hbm:s7], $0x1400  }
0x18: {  	[spmem:s16], [sflag:s15] =	dma.local [hbm:s7], $0x1400  }
0x19: {  	_ =	swait.ge [sflag:s17], $0x2800  }
0x1a: {  	[sflag:s17] =	ssyncset.done $0x0  }
0x1b: {  	[sflag:s17] =	ssyncadd.s32 $0xFFFFD800  }
0x1c: {  	_ =	swait.ge [sflag:s18], $0x2800  }
0x1d: {  	[sflag:s18] =	ssyncset.done $0x0  }
0x1e: {  	[sflag:s18] =	ssyncadd.s32 $0xFFFFD800  }
0x1f: {  	_ =	swait.ge [sflag:s19], $0x1400  }
0x20: {  	[sflag:s19] =	ssyncset.done $0x0  }
0x21: {  	[sflag:s19] =	ssyncadd.s32 $0xFFFFEC00  }
0x22: {  	_ =	swait.ge [sflag:s20], $0x1400  }
0x23: {  	[sflag:s20] =	ssyncset.done $0x0  }
0x24: {  	[sflag:s20] =	ssyncadd.s32 $0xFFFFEC00  }
0x25: {  	[bflag:$0x0] =	sbarrier.arrive $0xFFFF  }
0x26: {  	[tilespmem:s22], [sflag:$0x1] =	stream.indirect.gather [spmem:s3], $0x40, s12, s21, $0xb8;
	[tilespmem:$0x1EDC0] =	vst v63  }
0x27: {  	s13 =	simm.s32 $0x14080  }
0x28: {  	[tilespmem:s24], [sflag:$0x2] =	stream.indirect.gather [spmem:s3], $0x40, s13, s21, $0xb8;
	[tilespmem:$0x1EDC0] =	vst v63  }
0x29: {  	s1 =	simm.s32 $0x14100  }
0x2a: {  	[tilespmem:s26], [sflag:$0x3] =	stream.indirect.gather [spmem:s3], $0x40, s1, s21, $0xb8;
	[tilespmem:$0x1EDC0] =	vst v63  }
0x2b: {  	_ =	swait.ge [sflag:s17], $0x1F40  }
0x2c: {  	[sflag:s17] =	ssyncset.done $0x0  }
0x2d: {  	s13 =	simm.s32 $0x16800;
	[sflag:s17] =	ssyncadd.s32 $0xFFFFE0C0  }
0x2e: {  	[spmem:s2] =	stream.indirect.scatter.add.f32 [tilespmem:s22], [sflag:$0x4], $0x40, s13, s21, $0xb8;
	[tilespmem:$0x1EDC0] =	vst v63  }
0x2f: {  	_ =	swait.ge [sflag:s18], $0x1F40  }
0x30: {  	[sflag:s18] =	ssyncset.done $0x0  }
0x31: {  	s1 =	simm.s32 $0x16880;
	[sflag:s18] =	ssyncadd.s32 $0xFFFFE0C0  }
0x32: {  	[spmem:s2] =	stream.indirect.scatter.add.f32 [tilespmem:s24], [sflag:$0x5], $0x40, s1, s21, $0xb8;
	[tilespmem:$0x1EDC0] =	vst v63  }
0x33: {  	_ =	swait.ge [sflag:s19], $0x1F40  }
0x34: {  	[sflag:s19] =	ssyncset.done $0x0  }
0x35: {  	s13 =	simm.s32 $0x16900;
	[sflag:s19] =	ssyncadd.s32 $0xFFFFE0C0  }
0x36: {  	[spmem:s2] =	stream.indirect.scatter.add.f32 [tilespmem:s26], [sflag:$0x6], $0x40, s13, s21, $0xb8;
	[tilespmem:$0x1EDC0] =	vst v63  }
0x37: {  	_ =	swait.ge [sflag:s20], $0x1F40  }
0x38: {  	[sflag:s20] =	ssyncset.done $0x0  }
0x39: {  	s1 =	simm.s32 $0x14180;
	[sflag:s20] =	ssyncadd.s32 $0xFFFFE0C0  }
0x3a: {  	[tilespmem:s22], [sflag:$0x1] =	stream.indirect.gather [spmem:s3], $0x40, s1, s21, $0xb8;
	[tilespmem:$0x1EDC0] =	vst v63  }
0x3b: {  	_ =	swait.ge [sflag:s28], $0x1F40  }
0x3c: {  	[sflag:s28] =	ssyncset.done $0x0  }
0x3d: {  	s13 =	simm.s32 $0x14200;
	[sflag:s28] =	ssyncadd.s32 $0xFFFFE0C0  }
0x3e: {  	[tilespmem:s24], [sflag:$0x2] =	stream.indirect.gather [spmem:s3], $0x40, s13, s21, $0xb8;
	[tilespmem:$0x1EDC0] =	vst v63  }
0x3f: {  	_ =	swait.ge [sflag:s29], $0x1F40  }
0x40: {  	[sflag:s29] =	ssyncset.done $0x0  }
0x41: {  	s0 =	simm.s32 $0x600;
	s1 =	simm.s32 $0x14280;
	[sflag:s29] =	ssyncadd.s32 $0xFFFFE0C0  }
.LBB2_2:
0x42: {  	[tilespmem:s26], [sflag:$0x3] =	stream.indirect.gather [spmem:s3], $0x40, s1, s21, $0xb8;
	[tilespmem:$0x1EDC0] =	vst v63  }
0x43: {  	s1 =	smov.u32 s0  }
0x44: {  	p0 =	sne.s32 s0, $0x9000;
	s0 =	sadd.s32 $0x600, s0;
	_ =	swait.ge [sflag:s17], $0x1F40  }
0x45: {  	s1 =	sshra.s32 s1, $0x2;
	[sflag:s17] =	ssyncset.done $0x0  }
0x46: {  	s13 =	sadd.s32 $0x16800, s1;
	[sflag:s17] =	ssyncadd.s32 $0xFFFFE0C0  }
0x47: {  	[spmem:s2] =	stream.indirect.scatter.add.f32 [tilespmem:s22], [sflag:$0x4], $0x40, s13, s21, $0xb8;
	[tilespmem:$0x1EDC0] =	vst v63  }
0x48: {  	_ =	swait.ge [sflag:s18], $0x1F40  }
0x49: {  	[sflag:s18] =	ssyncset.done $0x0  }
0x4a: {  	s13 =	sadd.s32 $0x16880, s1;
	[sflag:s18] =	ssyncadd.s32 $0xFFFFE0C0  }
0x4b: {  	[spmem:s2] =	stream.indirect.scatter.add.f32 [tilespmem:s24], [sflag:$0x5], $0x40, s13, s21, $0xb8;
	[tilespmem:$0x1EDC0] =	vst v63  }
0x4c: {  	_ =	swait.ge [sflag:s19], $0x1F40  }
0x4d: {  	[sflag:s19] =	ssyncset.done $0x0  }
0x4e: {  	s13 =	sadd.s32 $0x16900, s1;
	[sflag:s19] =	ssyncadd.s32 $0xFFFFE0C0  }
0x4f: {  	[spmem:s2] =	stream.indirect.scatter.add.f32 [tilespmem:s26], [sflag:$0x6], $0x40, s13, s21, $0xb8;
	[tilespmem:$0x1EDC0] =	vst v63  }
0x50: {  	_ =	swait.ge [sflag:s20], $0x1F40  }
0x51: {  	[sflag:s20] =	ssyncset.done $0x0  }
0x52: {  	s13 =	sadd.s32 $0x14180, s1;
	[sflag:s20] =	ssyncadd.s32 $0xFFFFE0C0  }
0x53: {  	[tilespmem:s22], [sflag:$0x1] =	stream.indirect.gather [spmem:s3], $0x40, s13, s21, $0xb8;
	[tilespmem:$0x1EDC0] =	vst v63  }
0x54: {  	_ =	swait.ge [sflag:s28], $0x1F40  }
0x55: {  	[sflag:s28] =	ssyncset.done $0x0  }
.Ltmp0:
0x56: {  	s13 =	sadd.s32 $0x14200, s1;
	[sflag:s28] =	ssyncadd.s32 $0xFFFFE0C0;
	(pc) =	sbr.rel @p0 .LBB2_2-.Ltmp0, $4  }
0x57: {  	[tilespmem:s24], [sflag:$0x2] =	stream.indirect.gather [spmem:s3], $0x40, s13, s21, $0xb8;
	[tilespmem:$0x1EDC0] =	vst v63  }
0x58: {  	_ =	swait.ge [sflag:s29], $0x1F40  }
0x59: {  	[sflag:s29] =	ssyncset.done $0x0  }
0x5a: {  	s1 =	sadd.s32 $0x14280, s1;
	[sflag:s29] =	ssyncadd.s32 $0xFFFFE0C0  }
0x5b: {  	[tilespmem:s26], [sflag:$0x3] =	stream.indirect.gather [spmem:s3], $0x40, s1, s21, $0xb8;
	[tilespmem:$0x1EDC0] =	vst v63  }
0x5c: {  	_ =	swait.ge [sflag:s17], $0x1F40  }
0x5d: {  	[sflag:s17] =	ssyncset.done $0x0  }
0x5e: {  	s0 =	simm.s32 $0x18D80;
	[sflag:s17] =	ssyncadd.s32 $0xFFFFE0C0  }
0x5f: {  	[spmem:s2] =	stream.indirect.scatter.add.f32 [tilespmem:s22], [sflag:$0x4], $0x40, s0, s21, $0xb8;
	[tilespmem:$0x1EDC0] =	vst v63  }
0x60: {  	_ =	swait.ge [sflag:s18], $0x1F40  }
0x61: {  	[sflag:s18] =	ssyncset.done $0x0  }
0x62: {  	s13 =	simm.s32 $0x18E00;
	[sflag:s18] =	ssyncadd.s32 $0xFFFFE0C0  }
0x63: {  	[spmem:s2] =	stream.indirect.scatter.add.f32 [tilespmem:s24], [sflag:$0x5], $0x40, s13, s21, $0xb8;
	[tilespmem:$0x1EDC0] =	vst v63  }
0x64: {  	_ =	swait.ge [sflag:s19], $0x1F40  }
0x65: {  	[sflag:s19] =	ssyncset.done $0x0  }
0x66: {  	s1 =	simm.s32 $0x18E80;
	[sflag:s19] =	ssyncadd.s32 $0xFFFFE0C0  }
0x67: {  	[spmem:s2] =	stream.indirect.scatter.add.f32 [tilespmem:s26], [sflag:$0x6], $0x40, s1, s21, $0xb8;
	[tilespmem:$0x1EDC0] =	vst v63  }
0x68: {  	_ =	swait.ge [sflag:s20], $0x1F40  }
0x69: {  	[sflag:s20] =	ssyncset.done $0x0  }
0x6a: {  	[sflag:s20] =	ssyncadd.s32 $0xFFFFE0C0  }
0x6b: {  	_ =	swait.ge [sflag:s28], $0x1F40  }
0x6c: {  	[sflag:s28] =	ssyncset.done $0x0  }
0x6d: {  	[sflag:s28] =	ssyncadd.s32 $0xFFFFE0C0  }
0x6e: {  	_ =	swait.ge [sflag:s29], $0x1F40  }
0x6f: {  	[sflag:s29] =	ssyncset.done $0x0  }
0x70: {  	s13 =	simm.s32 $0x16700;
	[sflag:s29] =	ssyncadd.s32 $0xFFFFE0C0  }
0x71: {  	[tilespmem:s22], [sflag:$0x1] =	stream.indirect.gather [spmem:s3], $0x40, s13, s21, $0xb8;
	[tilespmem:$0x1EDC0] =	vst v63  }
0x72: {  	s1 =	simm.s32 $0x16780  }
0x73: {  	[tilespmem:s24], [sflag:$0x2] =	stream.indirect.gather [spmem:s3], $0x40, s1, s21, $0xb8;
	[tilespmem:$0x1EDC0] =	vst v63  }
0x74: {  	_ =	swait.ge [sflag:s17], $0x1F40  }
0x75: {  	[sflag:s17] =	ssyncset.done $0x0  }
0x76: {  	[sflag:s17] =	ssyncadd.s32 $0xFFFFE0C0  }
0x77: {  	[spmem:s2] =	stream.indirect.scatter.add.f32 [tilespmem:s22], [sflag:$0x7], $0x40, s23, s21, $0xb8;
	[tilespmem:$0x1EDC0] =	vst v63  }
0x78: {  	_ =	swait.ge [sflag:s25], $0x1F40  }
0x79: {  	[sflag:s25] =	ssyncset.done $0x0  }
0x7a: {  	[sflag:s25] =	ssyncadd.s32 $0xFFFFE0C0  }
0x7b: {  	_ =	swait.ge [sflag:s18], $0x1F40  }
0x7c: {  	[sflag:s18] =	ssyncset.done $0x0  }
0x7d: {  	[sflag:s18] =	ssyncadd.s32 $0xFFFFE0C0  }
0x7e: {  	[spmem:s2] =	stream.indirect.scatter.add.f32 [tilespmem:s24], [sflag:$0x7], $0x40, s30, s21, $0xb8;
	[tilespmem:$0x1EDC0] =	vst v63  }
0x7f: {  	_ =	swait.ge [sflag:s25], $0x1F40  }
0x80: {  	s31 =	sadd.s32 $0x1, s31;
	[sflag:s25] =	ssyncset.done $0x0  }
0x81: {  	p0 =	sne.s32 s31, s11;
	[sflag:s25] =	ssyncadd.s32 $0xFFFFE0C0  }
.Ltmp1:
0x82: {  	s13 =	sor.u32 $0x1C07, s8;
	[bflag:$0x0] =	sbarrier.arrive $0xFFFF;
	(pc) =	sbr.rel @p0 .LBB2_1-.Ltmp1, $4  }
0x83: {  	[hbm:s10], [sflag:s13] =	dma.local [spmem:s14], $0x1400  }
0x84: {  	_ =	swait.ge [sflag:s25], $0x1400  }
0x85: {  	[sflag:s25] =	ssyncset.done $0x0  }
0x86: {  	[sflag:s25] =	ssyncadd.s32 $0xFFFFEC00  }
0x87: {  	_ =	sfence.sel $0x180000  }
0x88: {  	[bflag:$0x0] =	sbarrier.arrive $0xFFFF  }
0x89: {  	_ =	strace $0x90000050  }
0x8a: {  	s0 =	stileid.u32;
	[bflag:$0x2] =	sbarrier.arrive $0xFFFF  }
0x8b: {  	p0 =	sne.s32 s0, $0x0;
	s0 =	rddreg [dreg:$0x3]  }
0x8c: {  	s0 =	sadd.s32 @!p0 $0x100000, s0  }
0x8d: {  	[sflag:s0] =	ssyncadd.tile.s32 @!p0 $0x1;
	_ =	shalt  }
.Lfunc_end2:
_tile_overlayer_lowered:
.L_overlay_start_2:
0x8e: {  	(tag) =	ssettag $0x2  }
0x8f: {  	s0 =	rddreg [dreg:$0x0];
	s2 =	stileid.u32  }
0x90: {  	s1 =	rddreg [dreg:$0x1];
	p0 =	sne.s32 s2, $0x0  }
0x91: {  	s3 =	rddreg [dreg:$0x2];
	[bflag:$0x3] =	sbarrier.arrive $0xFFFF;
	s2 =	simm.s32 @!p0 $0x1C07  }
0x92: {  	[timem:s3], [sflag:s2] =	dma.local @!p0 [hbm:s0], s1  }
0x93: {  	s0 =	simm.s32 @!p0 $0x7  }
0x94: {  	_ =	swait.ge @!p0 [sflag:s0], s1  }
0x95: {  	s1 =	ssub.s32 @!p0 $0x0, s1;
	[sflag:s0] =	ssyncset.done @!p0 $0x0  }
0x96: {  	[sflag:s0] =	ssyncadd.s32 @!p0 s1  }
0x97: {  	[bflag:$0x3] =	sbarrier.arrive $0xFFFF  }
0x98: {  	_ =	shalt  }

</sc_bundles>
